<compile_context>
chip_gen: v7x
topology: tpu7x:2x2x1
jax: 0.10.2.dev20260603
libtpu: 0.0.44.dev20260713+nightly
codegen_flags: <defaults>
</compile_context>

<pallas_src>
import functools

import jax
import jax.numpy as jnp
from jax import lax
from jax.experimental import pallas as pl
from jax.experimental.pallas import tpu as pltpu
from jax.experimental.pallas import tpu_sc as plsc

_B = 4096
_L = 200
_CTX = 32
_NW = 32
_UR = 1024
_APW = _L * _B // _UR // _NW
_UPW = _APW + 1
_IDXPW = _APW * _UR
_NTW = _B // _UR


def _tanh16(x):
    e = jnp.exp(x + x)
    return 1.0 - 2.0 / (e + 1.0)


def _body(topics_hbm, absidx_hbm, table_hbm, out1_hbm, out2_hbm,
          idx_v, g_v, sem0, sem1, osem0, osem1):
    wid = lax.axis_index("s") * 2 + lax.axis_index("c")
    gsems = (sem0, sem1)
    osems = (osem0, osem1)

    def unit_valid(k):
        return jnp.logical_or(k < _APW,
                              jnp.logical_and(k < _UPW, wid < _NTW))

    pltpu.sync_copy(absidx_hbm.at[pl.ds(wid * _IDXPW, _IDXPW)],
                    idx_v.at[pl.ds(0, _IDXPW)])

    @pl.when(wid < _NTW)
    def _():
        pltpu.sync_copy(topics_hbm.at[pl.ds(wid * _UR, _UR)],
                        idx_v.at[pl.ds(_IDXPW, _UR)])

    def start_gather(k, buf):
        @pl.when(unit_valid(k))
        def _():
            pltpu.async_copy(
                table_hbm.at[idx_v.at[pl.ds(k * _UR, _UR)]],
                g_v.at[buf], gsems[buf])

    def wait_gather(k, buf):
        pltpu.make_async_copy(
            table_hbm.at[idx_v.at[pl.ds(k * _UR, _UR)]],
            g_v.at[buf], gsems[buf]).wait()

    def write_out(k, buf):
        @pl.when(k < _APW)
        def _():
            pltpu.async_copy(
                g_v.at[buf],
                out2_hbm.at[pl.ds((wid * _APW + k) * _UR, _UR),
                            pl.ds(0, _CTX)],
                osems[buf])

        @pl.when(k >= _APW)
        def _():
            pltpu.async_copy(
                g_v.at[buf],
                out1_hbm.at[pl.ds(wid * _UR, _UR), pl.ds(0, _CTX)],
                osems[buf])

    def wait_out(k, buf):
        @pl.when(k < _APW)
        def _():
            pltpu.make_async_copy(
                g_v.at[buf],
                out2_hbm.at[pl.ds((wid * _APW + k) * _UR, _UR),
                            pl.ds(0, _CTX)],
                osems[buf]).wait()

        @pl.when(k >= _APW)
        def _():
            pltpu.make_async_copy(
                g_v.at[buf],
                out1_hbm.at[pl.ds(wid * _UR, _UR), pl.ds(0, _CTX)],
                osems[buf]).wait()

    start_gather(0, 0)

    def unit_pair_iter(k2, carry):
        for b in range(2):
            k = 2 * k2 + b
            nb = 1 - b

            @pl.when(k >= 1)
            def _(k=k, nb=nb):
                wait_out(k - 1, nb)

            start_gather(k + 1, nb)

            @pl.when(unit_valid(k))
            def _run_unit(k=k, b=b):
                wait_gather(k, b)

                def row_iter(j, c):
                    r0 = j * 16
                    for t in range(16):
                        for h in range(2):
                            sl = (b, r0 + t, pl.ds(16 * h, 16))
                            g_v[sl] = _tanh16(g_v[sl])
                    return c

                lax.fori_loop(0, _UR // 16, row_iter, 0)
                write_out(k, b)

        return carry

    lax.fori_loop(0, _UPW // 2, unit_pair_iter, 0)
    @pl.when(wid < _NTW)
    def _():
        wait_out(_UPW - 1, (_UPW - 1) % 2)


_mesh = plsc.VectorSubcoreMesh(core_axis_name="c", subcore_axis_name="s")

_gather_tanh = functools.partial(
    pl.kernel,
    out_type=(
        jax.ShapeDtypeStruct((_B, 128), jnp.float32),
        jax.ShapeDtypeStruct((_L * _B, 128), jnp.float32),
    ),
    mesh=_mesh,
    scratch_types=[
        pltpu.VMEM((_IDXPW + _UR,), jnp.int32),
        pltpu.VMEM((2, _UR, _CTX), jnp.float32),
        pltpu.SemaphoreType.DMA,
        pltpu.SemaphoreType.DMA,
        pltpu.SemaphoreType.DMA,
        pltpu.SemaphoreType.DMA,
    ],
    compiler_params=pltpu.CompilerParams(
        use_tc_tiling_on_sc=False, needs_layout_passes=False),
)(_body)


def kernel(topics, structure_abstracts, embedding):
    absidx = structure_abstracts.T.reshape(-1).astype(jnp.int32)
    o1, o2 = _gather_tanh(topics.astype(jnp.int32), absidx, embedding)
    out1 = o1[:, :_CTX].reshape(_B, 1, _CTX)
    out2 = o2[:, :_CTX].reshape(_L, _B, _CTX).transpose(1, 0, 2)
    return (out1, out2)

# --- scband reference (transcript-rebuilt; emitter-appended) ---
"""Pipeline reference for scband-context-encoder-1692217114870 (READ-ONLY COPY).

The authoritative reference and input builder live on the scoring server;
editing this copy changes nothing except your own understanding.
"""

import jax, jax.numpy as jnp
import numpy as np

B = 4096
L = 200
VOCAB = 1000000
CTX_DIM = 32

def setup_inputs(seed: int = 0) -> dict:
    key = jax.random.key(seed)
    k1, k2, k3 = jax.random.split(key, 3)
    topics = jax.random.randint(k1, (B,), 0, VOCAB, dtype=jnp.int64 if jax.config.jax_enable_x64 else jnp.int32)
    structure_abstracts = jax.random.randint(k2, (B, L), 0, VOCAB, dtype=jnp.int64 if jax.config.jax_enable_x64 else jnp.int32)
    embedding = jax.random.normal(k3, (VOCAB, CTX_DIM), dtype=jnp.float32)
    return {"topics": topics, "structure_abstracts": structure_abstracts, "embedding": embedding}

def reference(topics, structure_abstracts, embedding):
    # embedding lookup for topics: [B] -> [B, CTX_DIM] -> reshape [B, 1, CTX_DIM]
    embedded = jnp.take(embedding, topics, axis=0)
    embedded = embedded.reshape(embedded.shape[0], 1, -1)
    non_linearity1 = jnp.tanh(embedded)
    # embedding lookup for structure_abstracts: [B, L] -> [B, L, CTX_DIM]
    structure_embedding = jnp.take(embedding, structure_abstracts, axis=0)
    non_linearity2 = jnp.tanh(structure_embedding)
    return (non_linearity1, non_linearity2)

if __name__ == "__main__":
    import jax
    _d = setup_inputs()
    print(jax.jit(kernel)(*tuple(_d.values())))

</pallas_src>

<mosaic_0001>
#map = affine_map<(d0, d1) -> (0)>
#map1 = affine_map<(d0, d1) -> (0, 0)>
module attributes {stable_mosaic.version = 14 : i64} {
  func.func @_body(%arg0: i32, %arg1: i32, %arg2: memref<4096xi32, #tpu.memory_space<hbm>>, %arg3: memref<819200xi32, #tpu.memory_space<hbm>>, %arg4: memref<1000000x32xf32, #tpu.memory_space<hbm>>, %arg5: memref<4096x128xf32, #tpu.memory_space<hbm>>, %arg6: memref<819200x128xf32, #tpu.memory_space<hbm>>, %arg7: memref<26624xi32, #tpu.memory_space<vmem>>, %arg8: memref<2x1024x32xf32, #tpu.memory_space<vmem>>, %arg9: memref<!tpu.dma_semaphore, #tpu.memory_space<semaphore_mem>>, %arg10: memref<!tpu.dma_semaphore, #tpu.memory_space<semaphore_mem>>, %arg11: memref<!tpu.dma_semaphore, #tpu.memory_space<semaphore_mem>>, %arg12: memref<!tpu.dma_semaphore, #tpu.memory_space<semaphore_mem>>) attributes {dimension_semantics = [#tpu.dimension_semantics<core_parallel>, #tpu.dimension_semantics<subcore_parallel>], iteration_bounds = array<i64: 2, 16>, scalar_prefetch = 0 : i64, scratch_operands = 6 : i64, tpu.core_type = #tpu.core_type<sc_vector_subcore>, window_params = [{transform_indices = #map}, {transform_indices = #map}, {transform_indices = #map1}, {transform_indices = #map1}, {transform_indices = #map1}]} {
    %mul3A = arith.constant 2 : i32
    %mul3A_0 = arith.muli %arg1, %mul3A : i32
    %add3A = arith.addi %mul3A_0, %arg0 : i32
    %mul3A_1 = arith.constant 25600 : i32
    %mul3A_2 = arith.muli %add3A, %mul3A_1 : i32
    "tpu.region"() ({
      %run_scoped3A = tpu.sem_alloc : memref<!tpu.dma_semaphore, #tpu.memory_space<semaphore_mem>>
      %dma_start3A = arith.constant 0 : i32
      %dma_start3A_22 = tpu.memref_slice %arg7[%dma_start3A] : memref<26624xi32, #tpu.memory_space<vmem>> -> memref<25600xi32, #tpu.memory_space<vmem>>
      %dma_start3A_23 = tpu.memref_slice %arg3[%mul3A_2] : memref<819200xi32, #tpu.memory_space<hbm>> -> memref<25600xi32, #tpu.memory_space<hbm>>
      %dma_start3A_24 = arith.constant 0 : i32
      %dma_start3A_25 = tpu.memref_slice %arg7[%dma_start3A_24] : memref<26624xi32, #tpu.memory_space<vmem>> -> memref<25600xi32, #tpu.memory_space<vmem>>
      %dma_start3A_26 = tpu.memref_slice %arg3[%mul3A_2] : memref<819200xi32, #tpu.memory_space<hbm>> -> memref<25600xi32, #tpu.memory_space<hbm>>
      tpu.enqueue_dma source(%dma_start3A_26 : memref<25600xi32, #tpu.memory_space<hbm>>) target(%dma_start3A_25 : memref<25600xi32, #tpu.memory_space<vmem>>) target_semaphore(%run_scoped3A : memref<!tpu.dma_semaphore, #tpu.memory_space<semaphore_mem>>)
      %dma_wait3A = arith.constant 0 : i32
      %dma_wait3A_27 = tpu.memref_slice %arg7[%dma_wait3A] : memref<26624xi32, #tpu.memory_space<vmem>> -> memref<25600xi32, #tpu.memory_space<vmem>>
      %dma_wait3A_28 = tpu.memref_slice %arg3[%mul3A_2] : memref<819200xi32, #tpu.memory_space<hbm>> -> memref<25600xi32, #tpu.memory_space<hbm>>
      %dma_wait3A_29 = arith.constant 0 : i32
      %dma_wait3A_30 = tpu.memref_slice %arg7[%dma_wait3A_29] : memref<26624xi32, #tpu.memory_space<vmem>> -> memref<25600xi32, #tpu.memory_space<vmem>>
      %dma_wait3A_31 = tpu.memref_slice %arg3[%mul3A_2] : memref<819200xi32, #tpu.memory_space<hbm>> -> memref<25600xi32, #tpu.memory_space<hbm>>
      tpu.wait_dma2 semaphore(%run_scoped3A : memref<!tpu.dma_semaphore, #tpu.memory_space<semaphore_mem>>) src(%dma_wait3A_31 : memref<25600xi32, #tpu.memory_space<hbm>>) dst(%dma_wait3A_30 : memref<25600xi32, #tpu.memory_space<vmem>>)
      tpu.yield
    }) : () -> ()
    %lt3A = arith.constant 4 : i32
    %lt3A_3 = arith.cmpi slt, %add3A, %lt3A : i32
    %convert_element_type3A = arith.extui %lt3A_3 : i1 to i32
    %cond3A = arith.constant 0 : i32
    %cond3A_4 = arith.cmpi ne, %convert_element_type3A, %cond3A : i32
    scf.if %cond3A_4 {
      %mul3A_22 = arith.constant 1024 : i32
      %mul3A_23 = arith.muli %add3A, %mul3A_22 : i32
      "tpu.region"() ({
        %run_scoped3A = tpu.sem_alloc : memref<!tpu.dma_semaphore, #tpu.memory_space<semaphore_mem>>
        %dma_start3A = arith.constant 25600 : i32
        %dma_start3A_24 = tpu.memref_slice %arg7[%dma_start3A] : memref<26624xi32, #tpu.memory_space<vmem>> -> memref<1024xi32, #tpu.memory_space<vmem>>
        %dma_start3A_25 = tpu.memref_slice %arg2[%mul3A_23] : memref<4096xi32, #tpu.memory_space<hbm>> -> memref<1024xi32, #tpu.memory_space<hbm>>
        %dma_start3A_26 = arith.constant 25600 : i32
        %dma_start3A_27 = tpu.memref_slice %arg7[%dma_start3A_26] : memref<26624xi32, #tpu.memory_space<vmem>> -> memref<1024xi32, #tpu.memory_space<vmem>>
        %dma_start3A_28 = tpu.memref_slice %arg2[%mul3A_23] : memref<4096xi32, #tpu.memory_space<hbm>> -> memref<1024xi32, #tpu.memory_space<hbm>>
        tpu.enqueue_dma source(%dma_start3A_28 : memref<1024xi32, #tpu.memory_space<hbm>>) target(%dma_start3A_27 : memref<1024xi32, #tpu.memory_space<vmem>>) target_semaphore(%run_scoped3A : memref<!tpu.dma_semaphore, #tpu.memory_space<semaphore_mem>>)
        %dma_wait3A = arith.constant 25600 : i32
        %dma_wait3A_29 = tpu.memref_slice %arg7[%dma_wait3A] : memref<26624xi32, #tpu.memory_space<vmem>> -> memref<1024xi32, #tpu.memory_space<vmem>>
        %dma_wait3A_30 = tpu.memref_slice %arg2[%mul3A_23] : memref<4096xi32, #tpu.memory_space<hbm>> -> memref<1024xi32, #tpu.memory_space<hbm>>
        %dma_wait3A_31 = arith.constant 25600 : i32
        %dma_wait3A_32 = tpu.memref_slice %arg7[%dma_wait3A_31] : memref<26624xi32, #tpu.memory_space<vmem>> -> memref<1024xi32, #tpu.memory_space<vmem>>
        %dma_wait3A_33 = tpu.memref_slice %arg2[%mul3A_23] : memref<4096xi32, #tpu.memory_space<hbm>> -> memref<1024xi32, #tpu.memory_space<hbm>>
        tpu.wait_dma2 semaphore(%run_scoped3A : memref<!tpu.dma_semaphore, #tpu.memory_space<semaphore_mem>>) src(%dma_wait3A_33 : memref<1024xi32, #tpu.memory_space<hbm>>) dst(%dma_wait3A_32 : memref<1024xi32, #tpu.memory_space<vmem>>)
        tpu.yield
      }) : () -> ()
    } else {
    }
    %lt3A_5 = arith.constant 4 : i32
    %lt3A_6 = arith.cmpi slt, %add3A, %lt3A_5 : i32
    %and3A = arith.constant true
    %and3A_7 = arith.andi %and3A, %lt3A_6 : i1
    %or3A = arith.constant true
    %or3A_8 = arith.ori %or3A, %and3A_7 : i1
    %convert_element_type3A_9 = arith.extui %or3A_8 : i1 to i32
    %cond3A_10 = arith.constant 0 : i32
    %cond3A_11 = arith.cmpi ne, %convert_element_type3A_9, %cond3A_10 : i32
    scf.if %cond3A_11 {
      %dma_start3A = arith.constant 0 : i32
      %dma_start3A_22 = arith.constant 0 : i32
      %dma_start3A_23 = arith.constant 0 : i32
      %dma_start3A_24 = tpu.memref_slice %arg8[%dma_start3A, %dma_start3A_22, %dma_start3A_23] : memref<2x1024x32xf32, #tpu.memory_space<vmem>> -> memref<1x1024x32xf32, #tpu.memory_space<vmem>>
      %dma_start3A_25 = tpu.memref_squeeze %dma_start3A_24 : memref<1x1024x32xf32, #tpu.memory_space<vmem>> -> memref<1024x32xf32, #tpu.memory_space<vmem>>
      %dma_start3A_26 = arith.constant 0 : i32
      %dma_start3A_27 = tpu.memref_slice %arg7[%dma_start3A_26] : memref<26624xi32, #tpu.memory_space<vmem>> -> memref<1024xi32, #tpu.memory_space<vmem>>
      %dma_start3A_28 = arith.constant 0 : i32
      %dma_start3A_29 = arith.constant 0 : i32
      %dma_start3A_30 = tpu.memref_slice %arg4[%dma_start3A_28, %dma_start3A_29] : memref<1000000x32xf32, #tpu.memory_space<hbm>> -> memref<1000000x32xf32, #tpu.memory_space<hbm>>
      tpu.enqueue_indirect_dma source(%dma_start3A_30 : memref<1000000x32xf32, #tpu.memory_space<hbm>>) target(%dma_start3A_25 : memref<1024x32xf32, #tpu.memory_space<vmem>>) offsets(%dma_start3A_27 : memref<1024xi32, #tpu.memory_space<vmem>>) semaphore(%arg9 : memref<!tpu.dma_semaphore, #tpu.memory_space<semaphore_mem>>)
    } else {
    }
    %scan3A = arith.constant 0 : i32
    %scan3A_12 = arith.constant 0 : i32
    %scan3A_13 = arith.constant 13 : i32
    %scan3A_14 = arith.addi %scan3A_12, %scan3A_13 : i32
    %scan3A_15 = arith.constant 1 : i32
    scf.for %scan3A_22 = %scan3A_12 to %scan3A_14 step %scan3A_15  : i32 {
      %mul3A_23 = arith.constant 2 : i32
      %mul3A_24 = arith.muli %mul3A_23, %scan3A_22 : i32
      %add3A_25 = arith.constant 0 : i32
      %add3A_26 = arith.addi %mul3A_24, %add3A_25 : i32
      %ge3A = arith.constant 1 : i32
      %ge3A_27 = arith.cmpi sge, %add3A_26, %ge3A : i32
      %convert_element_type3A_28 = arith.extui %ge3A_27 : i1 to i32
      %cond3A_29 = arith.constant 0 : i32
      %cond3A_30 = arith.cmpi ne, %convert_element_type3A_28, %cond3A_29 : i32
      scf.if %cond3A_30 {
        %sub3A = arith.constant 1 : i32
        %sub3A_88 = arith.subi %add3A_26, %sub3A : i32
        %lt3A_89 = arith.constant 25 : i32
        %lt3A_90 = arith.cmpi slt, %sub3A_88, %lt3A_89 : i32
        %convert_element_type3A_91 = arith.extui %lt3A_90 : i1 to i32
        %cond3A_92 = arith.constant 0 : i32
        %cond3A_93 = arith.cmpi ne, %convert_element_type3A_91, %cond3A_92 : i32
        scf.if %cond3A_93 {
          %mul3A_99 = arith.constant 25 : i32
          %mul3A_100 = arith.muli %add3A, %mul3A_99 : i32
          %add3A_101 = arith.addi %mul3A_100, %sub3A_88 : i32
          %mul3A_102 = arith.constant 1024 : i32
          %mul3A_103 = arith.muli %add3A_101, %mul3A_102 : i32
          %dma_wait3A = arith.constant 1 : i32
          %dma_wait3A_104 = arith.constant 0 : i32
          %dma_wait3A_105 = arith.constant 0 : i32
          %dma_wait3A_106 = tpu.memref_slice %arg8[%dma_wait3A, %dma_wait3A_104, %dma_wait3A_105] : memref<2x1024x32xf32, #tpu.memory_space<vmem>> -> memref<1x1024x32xf32, #tpu.memory_space<vmem>>
          %dma_wait3A_107 = tpu.memref_squeeze %dma_wait3A_106 : memref<1x1024x32xf32, #tpu.memory_space<vmem>> -> memref<1024x32xf32, #tpu.memory_space<vmem>>
          %dma_wait3A_108 = arith.constant 0 : i32
          %dma_wait3A_109 = tpu.memref_slice %arg6[%mul3A_103, %dma_wait3A_108] : memref<819200x128xf32, #tpu.memory_space<hbm>> -> memref<1024x32xf32, #tpu.memory_space<hbm>>
          %dma_wait3A_110 = arith.constant 0 : i32
          %dma_wait3A_111 = tpu.memref_slice %arg6[%mul3A_103, %dma_wait3A_110] : memref<819200x128xf32, #tpu.memory_space<hbm>> -> memref<1024x32xf32, #tpu.memory_space<hbm>>
          %dma_wait3A_112 = arith.constant 0 : i32
          %dma_wait3A_113 = arith.constant 0 : i32
          %dma_wait3A_114 = tpu.memref_slice %arg8[%dma_wait3A, %dma_wait3A_112, %dma_wait3A_113] : memref<2x1024x32xf32, #tpu.memory_space<vmem>> -> memref<1x1024x32xf32, #tpu.memory_space<vmem>>
          %dma_wait3A_115 = tpu.memref_squeeze %dma_wait3A_114 : memref<1x1024x32xf32, #tpu.memory_space<vmem>> -> memref<1024x32xf32, #tpu.memory_space<vmem>>
          tpu.wait_dma2 semaphore(%arg12 : memref<!tpu.dma_semaphore, #tpu.memory_space<semaphore_mem>>) src(%dma_wait3A_115 : memref<1024x32xf32, #tpu.memory_space<vmem>>) dst(%dma_wait3A_111 : memref<1024x32xf32, #tpu.memory_space<hbm>>)
        } else {
        }
        %ge3A_94 = arith.constant 25 : i32
        %ge3A_95 = arith.cmpi sge, %sub3A_88, %ge3A_94 : i32
        %convert_element_type3A_96 = arith.extui %ge3A_95 : i1 to i32
        %cond3A_97 = arith.constant 0 : i32
        %cond3A_98 = arith.cmpi ne, %convert_element_type3A_96, %cond3A_97 : i32
        scf.if %cond3A_98 {
          %mul3A_99 = arith.constant 1024 : i32
          %mul3A_100 = arith.muli %add3A, %mul3A_99 : i32
          %dma_wait3A = arith.constant 1 : i32
          %dma_wait3A_101 = arith.constant 0 : i32
          %dma_wait3A_102 = arith.constant 0 : i32
          %dma_wait3A_103 = tpu.memref_slice %arg8[%dma_wait3A, %dma_wait3A_101, %dma_wait3A_102] : memref<2x1024x32xf32, #tpu.memory_space<vmem>> -> memref<1x1024x32xf32, #tpu.memory_space<vmem>>
          %dma_wait3A_104 = tpu.memref_squeeze %dma_wait3A_103 : memref<1x1024x32xf32, #tpu.memory_space<vmem>> -> memref<1024x32xf32, #tpu.memory_space<vmem>>
          %dma_wait3A_105 = arith.constant 0 : i32
          %dma_wait3A_106 = tpu.memref_slice %arg5[%mul3A_100, %dma_wait3A_105] : memref<4096x128xf32, #tpu.memory_space<hbm>> -> memref<1024x32xf32, #tpu.memory_space<hbm>>
          %dma_wait3A_107 = arith.constant 0 : i32
          %dma_wait3A_108 = tpu.memref_slice %arg5[%mul3A_100, %dma_wait3A_107] : memref<4096x128xf32, #tpu.memory_space<hbm>> -> memref<1024x32xf32, #tpu.memory_space<hbm>>
          %dma_wait3A_109 = arith.constant 0 : i32
          %dma_wait3A_110 = arith.constant 0 : i32
          %dma_wait3A_111 = tpu.memref_slice %arg8[%dma_wait3A, %dma_wait3A_109, %dma_wait3A_110] : memref<2x1024x32xf32, #tpu.memory_space<vmem>> -> memref<1x1024x32xf32, #tpu.memory_space<vmem>>
          %dma_wait3A_112 = tpu.memref_squeeze %dma_wait3A_111 : memref<1x1024x32xf32, #tpu.memory_space<vmem>> -> memref<1024x32xf32, #tpu.memory_space<vmem>>
          tpu.wait_dma2 semaphore(%arg12 : memref<!tpu.dma_semaphore, #tpu.memory_space<semaphore_mem>>) src(%dma_wait3A_112 : memref<1024x32xf32, #tpu.memory_space<vmem>>) dst(%dma_wait3A_108 : memref<1024x32xf32, #tpu.memory_space<hbm>>)
        } else {
        }
      } else {
      }
      %add3A_31 = arith.constant 1 : i32
      %add3A_32 = arith.addi %add3A_26, %add3A_31 : i32
      %lt3A_33 = arith.constant 25 : i32
      %lt3A_34 = arith.cmpi slt, %add3A_32, %lt3A_33 : i32
      %lt3A_35 = arith.constant 26 : i32
      %lt3A_36 = arith.cmpi slt, %add3A_32, %lt3A_35 : i32
      %lt3A_37 = arith.constant 4 : i32
      %lt3A_38 = arith.cmpi slt, %add3A, %lt3A_37 : i32
      %and3A_39 = arith.andi %lt3A_36, %lt3A_38 : i1
      %or3A_40 = arith.ori %lt3A_34, %and3A_39 : i1
      %convert_element_type3A_41 = arith.extui %or3A_40 : i1 to i32
      %cond3A_42 = arith.constant 0 : i32
      %cond3A_43 = arith.cmpi ne, %convert_element_type3A_41, %cond3A_42 : i32
      scf.if %cond3A_43 {
        %mul3A_88 = arith.constant 1024 : i32
        %mul3A_89 = arith.muli %add3A_32, %mul3A_88 : i32
        %dma_start3A = arith.constant 1 : i32
        %dma_start3A_90 = arith.constant 0 : i32
        %dma_start3A_91 = arith.constant 0 : i32
        %dma_start3A_92 = tpu.memref_slice %arg8[%dma_start3A, %dma_start3A_90, %dma_start3A_91] : memref<2x1024x32xf32, #tpu.memory_space<vmem>> -> memref<1x1024x32xf32, #tpu.memory_space<vmem>>
        %dma_start3A_93 = tpu.memref_squeeze %dma_start3A_92 : memref<1x1024x32xf32, #tpu.memory_space<vmem>> -> memref<1024x32xf32, #tpu.memory_space<vmem>>
        %dma_start3A_94 = tpu.memref_slice %arg7[%mul3A_89] : memref<26624xi32, #tpu.memory_space<vmem>> -> memref<1024xi32, #tpu.memory_space<vmem>>
        %dma_start3A_95 = arith.constant 0 : i32
        %dma_start3A_96 = arith.constant 0 : i32
        %dma_start3A_97 = tpu.memref_slice %arg4[%dma_start3A_95, %dma_start3A_96] : memref<1000000x32xf32, #tpu.memory_space<hbm>> -> memref<1000000x32xf32, #tpu.memory_space<hbm>>
        tpu.enqueue_indirect_dma source(%dma_start3A_97 : memref<1000000x32xf32, #tpu.memory_space<hbm>>) target(%dma_start3A_93 : memref<1024x32xf32, #tpu.memory_space<vmem>>) offsets(%dma_start3A_94 : memref<1024xi32, #tpu.memory_space<vmem>>) semaphore(%arg10 : memref<!tpu.dma_semaphore, #tpu.memory_space<semaphore_mem>>)
      } else {
      }
      %lt3A_44 = arith.constant 25 : i32
      %lt3A_45 = arith.cmpi slt, %add3A_26, %lt3A_44 : i32
      %lt3A_46 = arith.constant 26 : i32
      %lt3A_47 = arith.cmpi slt, %add3A_26, %lt3A_46 : i32
      %lt3A_48 = arith.constant 4 : i32
      %lt3A_49 = arith.cmpi slt, %add3A, %lt3A_48 : i32
      %and3A_50 = arith.andi %lt3A_47, %lt3A_49 : i1
      %or3A_51 = arith.ori %lt3A_45, %and3A_50 : i1
      %convert_element_type3A_52 = arith.extui %or3A_51 : i1 to i32
      %cond3A_53 = arith.constant 0 : i32
      %cond3A_54 = arith.cmpi ne, %convert_element_type3A_52, %cond3A_53 : i32
      scf.if %cond3A_54 {
        %mul3A_88 = arith.constant 1024 : i32
        %mul3A_89 = arith.muli %add3A_26, %mul3A_88 : i32
        %dma_wait3A = arith.constant 0 : i32
        %dma_wait3A_90 = arith.constant 0 : i32
        %dma_wait3A_91 = arith.constant 0 : i32
        %dma_wait3A_92 = tpu.memref_slice %arg8[%dma_wait3A, %dma_wait3A_90, %dma_wait3A_91] : memref<2x1024x32xf32, #tpu.memory_space<vmem>> -> memref<1x1024x32xf32, #tpu.memory_space<vmem>>
        %dma_wait3A_93 = tpu.memref_squeeze %dma_wait3A_92 : memref<1x1024x32xf32, #tpu.memory_space<vmem>> -> memref<1024x32xf32, #tpu.memory_space<vmem>>
        %dma_wait3A_94 = tpu.memref_slice %arg7[%mul3A_89] : memref<26624xi32, #tpu.memory_space<vmem>> -> memref<1024xi32, #tpu.memory_space<vmem>>
        %dma_wait3A_95 = arith.constant 0 : i32
        %dma_wait3A_96 = arith.constant 0 : i32
        %dma_wait3A_97 = tpu.memref_slice %arg4[%dma_wait3A_95, %dma_wait3A_96] : memref<1000000x32xf32, #tpu.memory_space<hbm>> -> memref<1000000x32xf32, #tpu.memory_space<hbm>>
        tpu.wait_indirect_dma semaphore(%arg9 : memref<!tpu.dma_semaphore, #tpu.memory_space<semaphore_mem>>) src(%dma_wait3A_97 : memref<1000000x32xf32, #tpu.memory_space<hbm>>) dst(%dma_wait3A_93 : memref<1024x32xf32, #tpu.memory_space<vmem>>)
        %scan3A_98 = arith.constant 0 : i32
        %scan3A_99 = arith.constant 0 : i32
        %scan3A_100 = arith.constant 64 : i32
        %scan3A_101 = arith.addi %scan3A_99, %scan3A_100 : i32
        %scan3A_102 = arith.constant 1 : i32
        scf.for %scan3A_114 = %scan3A_99 to %scan3A_101 step %scan3A_102  : i32 {
          %mul3A_115 = arith.constant 16 : i32
          %mul3A_116 = arith.muli %scan3A_114, %mul3A_115 : i32
          %add3A_117 = arith.constant 0 : i32
          %add3A_118 = arith.addi %mul3A_116, %add3A_117 : i32
          %get3A = arith.constant 0 : i32
          %get3A_119 = arith.index_cast %get3A : i32 to index
          %get3A_120 = arith.index_cast %add3A_118 : i32 to index
          %get3A_121 = arith.constant 0 : index
          %get3A_122 = tpu.vector_load %arg8[%get3A_119, %get3A_120, %get3A_121] {strides = array<i32>} : memref<2x1024x32xf32, #tpu.memory_space<vmem>>, vector<16xf32>,
          %add3A_123 = arith.addf %get3A_122, %get3A_122 : vector<16xf32>
          %exp3A = math.exp %add3A_123 : vector<16xf32>
          %add3A_124 = arith.constant 1.000000e+00 : f32
          %add3A_125 = vector.broadcast %add3A_124 : f32 to vector<16xf32>
          %add3A_126 = arith.addf %exp3A, %add3A_125 : vector<16xf32>
          %div3A = arith.constant 2.000000e+00 : f32
          %div3A_127 = vector.broadcast %div3A : f32 to vector<16xf32>
          %div3A_128 = arith.divf %div3A_127, %add3A_126 : vector<16xf32>
          %sub3A = arith.constant 1.000000e+00 : f32
          %sub3A_129 = vector.broadcast %sub3A : f32 to vector<16xf32>
          %sub3A_130 = arith.subf %sub3A_129, %div3A_128 : vector<16xf32>
          %swap3A = arith.constant 0 : i32
          %swap3A_131 = arith.index_cast %swap3A : i32 to index
          %swap3A_132 = arith.index_cast %add3A_118 : i32 to index
          %swap3A_133 = arith.constant 0 : index
          %swap3A_134 = tpu.vector_load %arg8[%swap3A_131, %swap3A_132, %swap3A_133] {strides = array<i32>} : memref<2x1024x32xf32, #tpu.memory_space<vmem>>, vector<16xf32>,
          tpu.vector_store %arg8[%swap3A_131, %swap3A_132, %swap3A_133], %sub3A_130 {strides = array<i32>} : memref<2x1024x32xf32, #tpu.memory_space<vmem>>, vector<16xf32>,
          %add3A_135 = arith.constant 0 : i32
          %add3A_136 = arith.addi %mul3A_116, %add3A_135 : i32
          %get3A_137 = arith.constant 0 : i32
          %get3A_138 = arith.index_cast %get3A_137 : i32 to index
          %get3A_139 = arith.index_cast %add3A_136 : i32 to index
          %get3A_140 = arith.constant 16 : index
          %get3A_141 = tpu.vector_load %arg8[%get3A_138, %get3A_139, %get3A_140] {strides = array<i32>} : memref<2x1024x32xf32, #tpu.memory_space<vmem>>, vector<16xf32>,
          %add3A_142 = arith.addf %get3A_141, %get3A_141 : vector<16xf32>
          %exp3A_143 = math.exp %add3A_142 : vector<16xf32>
          %add3A_144 = arith.constant 1.000000e+00 : f32
          %add3A_145 = vector.broadcast %add3A_144 : f32 to vector<16xf32>
          %add3A_146 = arith.addf %exp3A_143, %add3A_145 : vector<16xf32>
          %div3A_147 = arith.constant 2.000000e+00 : f32
          %div3A_148 = vector.broadcast %div3A_147 : f32 to vector<16xf32>
          %div3A_149 = arith.divf %div3A_148, %add3A_146 : vector<16xf32>
          %sub3A_150 = arith.constant 1.000000e+00 : f32
          %sub3A_151 = vector.broadcast %sub3A_150 : f32 to vector<16xf32>
          %sub3A_152 = arith.subf %sub3A_151, %div3A_149 : vector<16xf32>
          %swap3A_153 = arith.constant 0 : i32
          %swap3A_154 = arith.index_cast %swap3A_153 : i32 to index
          %swap3A_155 = arith.index_cast %add3A_136 : i32 to index
          %swap3A_156 = arith.constant 16 : index
          %swap3A_157 = tpu.vector_load %arg8[%swap3A_154, %swap3A_155, %swap3A_156] {strides = array<i32>} : memref<2x1024x32xf32, #tpu.memory_space<vmem>>, vector<16xf32>,
          tpu.vector_store %arg8[%swap3A_154, %swap3A_155, %swap3A_156], %sub3A_152 {strides = array<i32>} : memref<2x1024x32xf32, #tpu.memory_space<vmem>>, vector<16xf32>,
          %add3A_158 = arith.constant 1 : i32
          %add3A_159 = arith.addi %mul3A_116, %add3A_158 : i32
          %get3A_160 = arith.constant 0 : i32
          %get3A_161 = arith.index_cast %get3A_160 : i32 to index
          %get3A_162 = arith.index_cast %add3A_159 : i32 to index
          %get3A_163 = arith.constant 0 : index
          %get3A_164 = tpu.vector_load %arg8[%get3A_161, %get3A_162, %get3A_163] {strides = array<i32>} : memref<2x1024x32xf32, #tpu.memory_space<vmem>>, vector<16xf32>,
          %add3A_165 = arith.addf %get3A_164, %get3A_164 : vector<16xf32>
          %exp3A_166 = math.exp %add3A_165 : vector<16xf32>
          %add3A_167 = arith.constant 1.000000e+00 : f32
          %add3A_168 = vector.broadcast %add3A_167 : f32 to vector<16xf32>
          %add3A_169 = arith.addf %exp3A_166, %add3A_168 : vector<16xf32>
          %div3A_170 = arith.constant 2.000000e+00 : f32
          %div3A_171 = vector.broadcast %div3A_170 : f32 to vector<16xf32>
          %div3A_172 = arith.divf %div3A_171, %add3A_169 : vector<16xf32>
          %sub3A_173 = arith.constant 1.000000e+00 : f32
          %sub3A_174 = vector.broadcast %sub3A_173 : f32 to vector<16xf32>
          %sub3A_175 = arith.subf %sub3A_174, %div3A_172 : vector<16xf32>
          %swap3A_176 = arith.constant 0 : i32
          %swap3A_177 = arith.index_cast %swap3A_176 : i32 to index
          %swap3A_178 = arith.index_cast %add3A_159 : i32 to index
          %swap3A_179 = arith.constant 0 : index
          %swap3A_180 = tpu.vector_load %arg8[%swap3A_177, %swap3A_178, %swap3A_179] {strides = array<i32>} : memref<2x1024x32xf32, #tpu.memory_space<vmem>>, vector<16xf32>,
          tpu.vector_store %arg8[%swap3A_177, %swap3A_178, %swap3A_179], %sub3A_175 {strides = array<i32>} : memref<2x1024x32xf32, #tpu.memory_space<vmem>>, vector<16xf32>,
          %add3A_181 = arith.constant 1 : i32
          %add3A_182 = arith.addi %mul3A_116, %add3A_181 : i32
          %get3A_183 = arith.constant 0 : i32
          %get3A_184 = arith.index_cast %get3A_183 : i32 to index
          %get3A_185 = arith.index_cast %add3A_182 : i32 to index
          %get3A_186 = arith.constant 16 : index
          %get3A_187 = tpu.vector_load %arg8[%get3A_184, %get3A_185, %get3A_186] {strides = array<i32>} : memref<2x1024x32xf32, #tpu.memory_space<vmem>>, vector<16xf32>,
          %add3A_188 = arith.addf %get3A_187, %get3A_187 : vector<16xf32>
          %exp3A_189 = math.exp %add3A_188 : vector<16xf32>
          %add3A_190 = arith.constant 1.000000e+00 : f32
          %add3A_191 = vector.broadcast %add3A_190 : f32 to vector<16xf32>
          %add3A_192 = arith.addf %exp3A_189, %add3A_191 : vector<16xf32>
          %div3A_193 = arith.constant 2.000000e+00 : f32
          %div3A_194 = vector.broadcast %div3A_193 : f32 to vector<16xf32>
          %div3A_195 = arith.divf %div3A_194, %add3A_192 : vector<16xf32>
          %sub3A_196 = arith.constant 1.000000e+00 : f32
          %sub3A_197 = vector.broadcast %sub3A_196 : f32 to vector<16xf32>
          %sub3A_198 = arith.subf %sub3A_197, %div3A_195 : vector<16xf32>
          %swap3A_199 = arith.constant 0 : i32
          %swap3A_200 = arith.index_cast %swap3A_199 : i32 to index
          %swap3A_201 = arith.index_cast %add3A_182 : i32 to index
          %swap3A_202 = arith.constant 16 : index
          %swap3A_203 = tpu.vector_load %arg8[%swap3A_200, %swap3A_201, %swap3A_202] {strides = array<i32>} : memref<2x1024x32xf32, #tpu.memory_space<vmem>>, vector<16xf32>,
          tpu.vector_store %arg8[%swap3A_200, %swap3A_201, %swap3A_202], %sub3A_198 {strides = array<i32>} : memref<2x1024x32xf32, #tpu.memory_space<vmem>>, vector<16xf32>,
          %add3A_204 = arith.constant 2 : i32
          %add3A_205 = arith.addi %mul3A_116, %add3A_204 : i32
          %get3A_206 = arith.constant 0 : i32
          %get3A_207 = arith.index_cast %get3A_206 : i32 to index
          %get3A_208 = arith.index_cast %add3A_205 : i32 to index
          %get3A_209 = arith.constant 0 : index
          %get3A_210 = tpu.vector_load %arg8[%get3A_207, %get3A_208, %get3A_209] {strides = array<i32>} : memref<2x1024x32xf32, #tpu.memory_space<vmem>>, vector<16xf32>,
          %add3A_211 = arith.addf %get3A_210, %get3A_210 : vector<16xf32>
          %exp3A_212 = math.exp %add3A_211 : vector<16xf32>
          %add3A_213 = arith.constant 1.000000e+00 : f32
          %add3A_214 = vector.broadcast %add3A_213 : f32 to vector<16xf32>
          %add3A_215 = arith.addf %exp3A_212, %add3A_214 : vector<16xf32>
          %div3A_216 = arith.constant 2.000000e+00 : f32
          %div3A_217 = vector.broadcast %div3A_216 : f32 to vector<16xf32>
          %div3A_218 = arith.divf %div3A_217, %add3A_215 : vector<16xf32>
          %sub3A_219 = arith.constant 1.000000e+00 : f32
          %sub3A_220 = vector.broadcast %sub3A_219 : f32 to vector<16xf32>
          %sub3A_221 = arith.subf %sub3A_220, %div3A_218 : vector<16xf32>
          %swap3A_222 = arith.constant 0 : i32
          %swap3A_223 = arith.index_cast %swap3A_222 : i32 to index
          %swap3A_224 = arith.index_cast %add3A_205 : i32 to index
          %swap3A_225 = arith.constant 0 : index
          %swap3A_226 = tpu.vector_load %arg8[%swap3A_223, %swap3A_224, %swap3A_225] {strides = array<i32>} : memref<2x1024x32xf32, #tpu.memory_space<vmem>>, vector<16xf32>,
          tpu.vector_store %arg8[%swap3A_223, %swap3A_224, %swap3A_225], %sub3A_221 {strides = array<i32>} : memref<2x1024x32xf32, #tpu.memory_space<vmem>>, vector<16xf32>,
          %add3A_227 = arith.constant 2 : i32
          %add3A_228 = arith.addi %mul3A_116, %add3A_227 : i32
          %get3A_229 = arith.constant 0 : i32
          %get3A_230 = arith.index_cast %get3A_229 : i32 to index
          %get3A_231 = arith.index_cast %add3A_228 : i32 to index
          %get3A_232 = arith.constant 16 : index
          %get3A_233 = tpu.vector_load %arg8[%get3A_230, %get3A_231, %get3A_232] {strides = array<i32>} : memref<2x1024x32xf32, #tpu.memory_space<vmem>>, vector<16xf32>,
          %add3A_234 = arith.addf %get3A_233, %get3A_233 : vector<16xf32>
          %exp3A_235 = math.exp %add3A_234 : vector<16xf32>
          %add3A_236 = arith.constant 1.000000e+00 : f32
          %add3A_237 = vector.broadcast %add3A_236 : f32 to vector<16xf32>
          %add3A_238 = arith.addf %exp3A_235, %add3A_237 : vector<16xf32>
          %div3A_239 = arith.constant 2.000000e+00 : f32
          %div3A_240 = vector.broadcast %div3A_239 : f32 to vector<16xf32>
          %div3A_241 = arith.divf %div3A_240, %add3A_238 : vector<16xf32>
          %sub3A_242 = arith.constant 1.000000e+00 : f32
          %sub3A_243 = vector.broadcast %sub3A_242 : f32 to vector<16xf32>
          %sub3A_244 = arith.subf %sub3A_243, %div3A_241 : vector<16xf32>
          %swap3A_245 = arith.constant 0 : i32
          %swap3A_246 = arith.index_cast %swap3A_245 : i32 to index
          %swap3A_247 = arith.index_cast %add3A_228 : i32 to index
          %swap3A_248 = arith.constant 16 : index
          %swap3A_249 = tpu.vector_load %arg8[%swap3A_246, %swap3A_247, %swap3A_248] {strides = array<i32>} : memref<2x1024x32xf32, #tpu.memory_space<vmem>>, vector<16xf32>,
          tpu.vector_store %arg8[%swap3A_246, %swap3A_247, %swap3A_248], %sub3A_244 {strides = array<i32>} : memref<2x1024x32xf32, #tpu.memory_space<vmem>>, vector<16xf32>,
          %add3A_250 = arith.constant 3 : i32
          %add3A_251 = arith.addi %mul3A_116, %add3A_250 : i32
          %get3A_252 = arith.constant 0 : i32
          %get3A_253 = arith.index_cast %get3A_252 : i32 to index
          %get3A_254 = arith.index_cast %add3A_251 : i32 to index
          %get3A_255 = arith.constant 0 : index
          %get3A_256 = tpu.vector_load %arg8[%get3A_253, %get3A_254, %get3A_255] {strides = array<i32>} : memref<2x1024x32xf32, #tpu.memory_space<vmem>>, vector<16xf32>,
          %add3A_257 = arith.addf %get3A_256, %get3A_256 : vector<16xf32>
          %exp3A_258 = math.exp %add3A_257 : vector<16xf32>
          %add3A_259 = arith.constant 1.000000e+00 : f32
          %add3A_260 = vector.broadcast %add3A_259 : f32 to vector<16xf32>
          %add3A_261 = arith.addf %exp3A_258, %add3A_260 : vector<16xf32>
          %div3A_262 = arith.constant 2.000000e+00 : f32
          %div3A_263 = vector.broadcast %div3A_262 : f32 to vector<16xf32>
          %div3A_264 = arith.divf %div3A_263, %add3A_261 : vector<16xf32>
          %sub3A_265 = arith.constant 1.000000e+00 : f32
          %sub3A_266 = vector.broadcast %sub3A_265 : f32 to vector<16xf32>
          %sub3A_267 = arith.subf %sub3A_266, %div3A_264 : vector<16xf32>
          %swap3A_268 = arith.constant 0 : i32
          %swap3A_269 = arith.index_cast %swap3A_268 : i32 to index
          %swap3A_270 = arith.index_cast %add3A_251 : i32 to index
          %swap3A_271 = arith.constant 0 : index
          %swap3A_272 = tpu.vector_load %arg8[%swap3A_269, %swap3A_270, %swap3A_271] {strides = array<i32>} : memref<2x1024x32xf32, #tpu.memory_space<vmem>>, vector<16xf32>,
          tpu.vector_store %arg8[%swap3A_269, %swap3A_270, %swap3A_271], %sub3A_267 {strides = array<i32>} : memref<2x1024x32xf32, #tpu.memory_space<vmem>>, vector<16xf32>,
          %add3A_273 = arith.constant 3 : i32
          %add3A_274 = arith.addi %mul3A_116, %add3A_273 : i32
          %get3A_275 = arith.constant 0 : i32
          %get3A_276 = arith.index_cast %get3A_275 : i32 to index
          %get3A_277 = arith.index_cast %add3A_274 : i32 to index
          %get3A_278 = arith.constant 16 : index
          %get3A_279 = tpu.vector_load %arg8[%get3A_276, %get3A_277, %get3A_278] {strides = array<i32>} : memref<2x1024x32xf32, #tpu.memory_space<vmem>>, vector<16xf32>,
          %add3A_280 = arith.addf %get3A_279, %get3A_279 : vector<16xf32>
          %exp3A_281 = math.exp %add3A_280 : vector<16xf32>
          %add3A_282 = arith.constant 1.000000e+00 : f32
          %add3A_283 = vector.broadcast %add3A_282 : f32 to vector<16xf32>
          %add3A_284 = arith.addf %exp3A_281, %add3A_283 : vector<16xf32>
          %div3A_285 = arith.constant 2.000000e+00 : f32
          %div3A_286 = vector.broadcast %div3A_285 : f32 to vector<16xf32>
          %div3A_287 = arith.divf %div3A_286, %add3A_284 : vector<16xf32>
          %sub3A_288 = arith.constant 1.000000e+00 : f32
          %sub3A_289 = vector.broadcast %sub3A_288 : f32 to vector<16xf32>
          %sub3A_290 = arith.subf %sub3A_289, %div3A_287 : vector<16xf32>
          %swap3A_291 = arith.constant 0 : i32
          %swap3A_292 = arith.index_cast %swap3A_291 : i32 to index
          %swap3A_293 = arith.index_cast %add3A_274 : i32 to index
          %swap3A_294 = arith.constant 16 : index
          %swap3A_295 = tpu.vector_load %arg8[%swap3A_292, %swap3A_293, %swap3A_294] {strides = array<i32>} : memref<2x1024x32xf32, #tpu.memory_space<vmem>>, vector<16xf32>,
          tpu.vector_store %arg8[%swap3A_292, %swap3A_293, %swap3A_294], %sub3A_290 {strides = array<i32>} : memref<2x1024x32xf32, #tpu.memory_space<vmem>>, vector<16xf32>,
          %add3A_296 = arith.constant 4 : i32
          %add3A_297 = arith.addi %mul3A_116, %add3A_296 : i32
          %get3A_298 = arith.constant 0 : i32
          %get3A_299 = arith.index_cast %get3A_298 : i32 to index
          %get3A_300 = arith.index_cast %add3A_297 : i32 to index
          %get3A_301 = arith.constant 0 : index
          %get3A_302 = tpu.vector_load %arg8[%get3A_299, %get3A_300, %get3A_301] {strides = array<i32>} : memref<2x1024x32xf32, #tpu.memory_space<vmem>>, vector<16xf32>,
          %add3A_303 = arith.addf %get3A_302, %get3A_302 : vector<16xf32>
          %exp3A_304 = math.exp %add3A_303 : vector<16xf32>
          %add3A_305 = arith.constant 1.000000e+00 : f32
          %add3A_306 = vector.broadcast %add3A_305 : f32 to vector<16xf32>
          %add3A_307 = arith.addf %exp3A_304, %add3A_306 : vector<16xf32>
          %div3A_308 = arith.constant 2.000000e+00 : f32
          %div3A_309 = vector.broadcast %div3A_308 : f32 to vector<16xf32>
          %div3A_310 = arith.divf %div3A_309, %add3A_307 : vector<16xf32>
          %sub3A_311 = arith.constant 1.000000e+00 : f32
          %sub3A_312 = vector.broadcast %sub3A_311 : f32 to vector<16xf32>
          %sub3A_313 = arith.subf %sub3A_312, %div3A_310 : vector<16xf32>
          %swap3A_314 = arith.constant 0 : i32
          %swap3A_315 = arith.index_cast %swap3A_314 : i32 to index
          %swap3A_316 = arith.index_cast %add3A_297 : i32 to index
          %swap3A_317 = arith.constant 0 : index
          %swap3A_318 = tpu.vector_load %arg8[%swap3A_315, %swap3A_316, %swap3A_317] {strides = array<i32>} : memref<2x1024x32xf32, #tpu.memory_space<vmem>>, vector<16xf32>,
          tpu.vector_store %arg8[%swap3A_315, %swap3A_316, %swap3A_317], %sub3A_313 {strides = array<i32>} : memref<2x1024x32xf32, #tpu.memory_space<vmem>>, vector<16xf32>,
          %add3A_319 = arith.constant 4 : i32
          %add3A_320 = arith.addi %mul3A_116, %add3A_319 : i32
          %get3A_321 = arith.constant 0 : i32
          %get3A_322 = arith.index_cast %get3A_321 : i32 to index
          %get3A_323 = arith.index_cast %add3A_320 : i32 to index
          %get3A_324 = arith.constant 16 : index
          %get3A_325 = tpu.vector_load %arg8[%get3A_322, %get3A_323, %get3A_324] {strides = array<i32>} : memref<2x1024x32xf32, #tpu.memory_space<vmem>>, vector<16xf32>,
          %add3A_326 = arith.addf %get3A_325, %get3A_325 : vector<16xf32>
          %exp3A_327 = math.exp %add3A_326 : vector<16xf32>
          %add3A_328 = arith.constant 1.000000e+00 : f32
          %add3A_329 = vector.broadcast %add3A_328 : f32 to vector<16xf32>
          %add3A_330 = arith.addf %exp3A_327, %add3A_329 : vector<16xf32>
          %div3A_331 = arith.constant 2.000000e+00 : f32
          %div3A_332 = vector.broadcast %div3A_331 : f32 to vector<16xf32>
          %div3A_333 = arith.divf %div3A_332, %add3A_330 : vector<16xf32>
          %sub3A_334 = arith.constant 1.000000e+00 : f32
          %sub3A_335 = vector.broadcast %sub3A_334 : f32 to vector<16xf32>
          %sub3A_336 = arith.subf %sub3A_335, %div3A_333 : vector<16xf32>
          %swap3A_337 = arith.constant 0 : i32
          %swap3A_338 = arith.index_cast %swap3A_337 : i32 to index
          %swap3A_339 = arith.index_cast %add3A_320 : i32 to index
          %swap3A_340 = arith.constant 16 : index
          %swap3A_341 = tpu.vector_load %arg8[%swap3A_338, %swap3A_339, %swap3A_340] {strides = array<i32>} : memref<2x1024x32xf32, #tpu.memory_space<vmem>>, vector<16xf32>,
          tpu.vector_store %arg8[%swap3A_338, %swap3A_339, %swap3A_340], %sub3A_336 {strides = array<i32>} : memref<2x1024x32xf32, #tpu.memory_space<vmem>>, vector<16xf32>,
          %add3A_342 = arith.constant 5 : i32
          %add3A_343 = arith.addi %mul3A_116, %add3A_342 : i32
          %get3A_344 = arith.constant 0 : i32
          %get3A_345 = arith.index_cast %get3A_344 : i32 to index
          %get3A_346 = arith.index_cast %add3A_343 : i32 to index
          %get3A_347 = arith.constant 0 : index
          %get3A_348 = tpu.vector_load %arg8[%get3A_345, %get3A_346, %get3A_347] {strides = array<i32>} : memref<2x1024x32xf32, #tpu.memory_space<vmem>>, vector<16xf32>,
          %add3A_349 = arith.addf %get3A_348, %get3A_348 : vector<16xf32>
          %exp3A_350 = math.exp %add3A_349 : vector<16xf32>
          %add3A_351 = arith.constant 1.000000e+00 : f32
          %add3A_352 = vector.broadcast %add3A_351 : f32 to vector<16xf32>
          %add3A_353 = arith.addf %exp3A_350, %add3A_352 : vector<16xf32>
          %div3A_354 = arith.constant 2.000000e+00 : f32
          %div3A_355 = vector.broadcast %div3A_354 : f32 to vector<16xf32>
          %div3A_356 = arith.divf %div3A_355, %add3A_353 : vector<16xf32>
          %sub3A_357 = arith.constant 1.000000e+00 : f32
          %sub3A_358 = vector.broadcast %sub3A_357 : f32 to vector<16xf32>
          %sub3A_359 = arith.subf %sub3A_358, %div3A_356 : vector<16xf32>
          %swap3A_360 = arith.constant 0 : i32
          %swap3A_361 = arith.index_cast %swap3A_360 : i32 to index
          %swap3A_362 = arith.index_cast %add3A_343 : i32 to index
          %swap3A_363 = arith.constant 0 : index
          %swap3A_364 = tpu.vector_load %arg8[%swap3A_361, %swap3A_362, %swap3A_363] {strides = array<i32>} : memref<2x1024x32xf32, #tpu.memory_space<vmem>>, vector<16xf32>,
          tpu.vector_store %arg8[%swap3A_361, %swap3A_362, %swap3A_363], %sub3A_359 {strides = array<i32>} : memref<2x1024x32xf32, #tpu.memory_space<vmem>>, vector<16xf32>,
          %add3A_365 = arith.constant 5 : i32
          %add3A_366 = arith.addi %mul3A_116, %add3A_365 : i32
          %get3A_367 = arith.constant 0 : i32
          %get3A_368 = arith.index_cast %get3A_367 : i32 to index
          %get3A_369 = arith.index_cast %add3A_366 : i32 to index
          %get3A_370 = arith.constant 16 : index
          %get3A_371 = tpu.vector_load %arg8[%get3A_368, %get3A_369, %get3A_370] {strides = array<i32>} : memref<2x1024x32xf32, #tpu.memory_space<vmem>>, vector<16xf32>,
          %add3A_372 = arith.addf %get3A_371, %get3A_371 : vector<16xf32>
          %exp3A_373 = math.exp %add3A_372 : vector<16xf32>
          %add3A_374 = arith.constant 1.000000e+00 : f32
          %add3A_375 = vector.broadcast %add3A_374 : f32 to vector<16xf32>
          %add3A_376 = arith.addf %exp3A_373, %add3A_375 : vector<16xf32>
          %div3A_377 = arith.constant 2.000000e+00 : f32
          %div3A_378 = vector.broadcast %div3A_377 : f32 to vector<16xf32>
          %div3A_379 = arith.divf %div3A_378, %add3A_376 : vector<16xf32>
          %sub3A_380 = arith.constant 1.000000e+00 : f32
          %sub3A_381 = vector.broadcast %sub3A_380 : f32 to vector<16xf32>
          %sub3A_382 = arith.subf %sub3A_381, %div3A_379 : vector<16xf32>
          %swap3A_383 = arith.constant 0 : i32
          %swap3A_384 = arith.index_cast %swap3A_383 : i32 to index
          %swap3A_385 = arith.index_cast %add3A_366 : i32 to index
          %swap3A_386 = arith.constant 16 : index
          %swap3A_387 = tpu.vector_load %arg8[%swap3A_384, %swap3A_385, %swap3A_386] {strides = array<i32>} : memref<2x1024x32xf32, #tpu.memory_space<vmem>>, vector<16xf32>,
          tpu.vector_store %arg8[%swap3A_384, %swap3A_385, %swap3A_386], %sub3A_382 {strides = array<i32>} : memref<2x1024x32xf32, #tpu.memory_space<vmem>>, vector<16xf32>,
          %add3A_388 = arith.constant 6 : i32
          %add3A_389 = arith.addi %mul3A_116, %add3A_388 : i32
          %get3A_390 = arith.constant 0 : i32
          %get3A_391 = arith.index_cast %get3A_390 : i32 to index
          %get3A_392 = arith.index_cast %add3A_389 : i32 to index
          %get3A_393 = arith.constant 0 : index
          %get3A_394 = tpu.vector_load %arg8[%get3A_391, %get3A_392, %get3A_393] {strides = array<i32>} : memref<2x1024x32xf32, #tpu.memory_space<vmem>>, vector<16xf32>,
          %add3A_395 = arith.addf %get3A_394, %get3A_394 : vector<16xf32>
          %exp3A_396 = math.exp %add3A_395 : vector<16xf32>
          %add3A_397 = arith.constant 1.000000e+00 : f32
          %add3A_398 = vector.broadcast %add3A_397 : f32 to vector<16xf32>
          %add3A_399 = arith.addf %exp3A_396, %add3A_398 : vector<16xf32>
          %div3A_400 = arith.constant 2.000000e+00 : f32
          %div3A_401 = vector.broadcast %div3A_400 : f32 to vector<16xf32>
          %div3A_402 = arith.divf %div3A_401, %add3A_399 : vector<16xf32>
          %sub3A_403 = arith.constant 1.000000e+00 : f32
          %sub3A_404 = vector.broadcast %sub3A_403 : f32 to vector<16xf32>
          %sub3A_405 = arith.subf %sub3A_404, %div3A_402 : vector<16xf32>
          %swap3A_406 = arith.constant 0 : i32
          %swap3A_407 = arith.index_cast %swap3A_406 : i32 to index
          %swap3A_408 = arith.index_cast %add3A_389 : i32 to index
          %swap3A_409 = arith.constant 0 : index
          %swap3A_410 = tpu.vector_load %arg8[%swap3A_407, %swap3A_408, %swap3A_409] {strides = array<i32>} : memref<2x1024x32xf32, #tpu.memory_space<vmem>>, vector<16xf32>,
          tpu.vector_store %arg8[%swap3A_407, %swap3A_408, %swap3A_409], %sub3A_405 {strides = array<i32>} : memref<2x1024x32xf32, #tpu.memory_space<vmem>>, vector<16xf32>,
          %add3A_411 = arith.constant 6 : i32
          %add3A_412 = arith.addi %mul3A_116, %add3A_411 : i32
          %get3A_413 = arith.constant 0 : i32
          %get3A_414 = arith.index_cast %get3A_413 : i32 to index
          %get3A_415 = arith.index_cast %add3A_412 : i32 to index
          %get3A_416 = arith.constant 16 : index
          %get3A_417 = tpu.vector_load %arg8[%get3A_414, %get3A_415, %get3A_416] {strides = array<i32>} : memref<2x1024x32xf32, #tpu.memory_space<vmem>>, vector<16xf32>,
          %add3A_418 = arith.addf %get3A_417, %get3A_417 : vector<16xf32>
          %exp3A_419 = math.exp %add3A_418 : vector<16xf32>
          %add3A_420 = arith.constant 1.000000e+00 : f32
          %add3A_421 = vector.broadcast %add3A_420 : f32 to vector<16xf32>
          %add3A_422 = arith.addf %exp3A_419, %add3A_421 : vector<16xf32>
          %div3A_423 = arith.constant 2.000000e+00 : f32
          %div3A_424 = vector.broadcast %div3A_423 : f32 to vector<16xf32>
          %div3A_425 = arith.divf %div3A_424, %add3A_422 : vector<16xf32>
          %sub3A_426 = arith.constant 1.000000e+00 : f32
          %sub3A_427 = vector.broadcast %sub3A_426 : f32 to vector<16xf32>
          %sub3A_428 = arith.subf %sub3A_427, %div3A_425 : vector<16xf32>
          %swap3A_429 = arith.constant 0 : i32
          %swap3A_430 = arith.index_cast %swap3A_429 : i32 to index
          %swap3A_431 = arith.index_cast %add3A_412 : i32 to index
          %swap3A_432 = arith.constant 16 : index
          %swap3A_433 = tpu.vector_load %arg8[%swap3A_430, %swap3A_431, %swap3A_432] {strides = array<i32>} : memref<2x1024x32xf32, #tpu.memory_space<vmem>>, vector<16xf32>,
          tpu.vector_store %arg8[%swap3A_430, %swap3A_431, %swap3A_432], %sub3A_428 {strides = array<i32>} : memref<2x1024x32xf32, #tpu.memory_space<vmem>>, vector<16xf32>,
          %add3A_434 = arith.constant 7 : i32
          %add3A_435 = arith.addi %mul3A_116, %add3A_434 : i32
          %get3A_436 = arith.constant 0 : i32
          %get3A_437 = arith.index_cast %get3A_436 : i32 to index
          %get3A_438 = arith.index_cast %add3A_435 : i32 to index
          %get3A_439 = arith.constant 0 : index
          %get3A_440 = tpu.vector_load %arg8[%get3A_437, %get3A_438, %get3A_439] {strides = array<i32>} : memref<2x1024x32xf32, #tpu.memory_space<vmem>>, vector<16xf32>,
          %add3A_441 = arith.addf %get3A_440, %get3A_440 : vector<16xf32>
          %exp3A_442 = math.exp %add3A_441 : vector<16xf32>
          %add3A_443 = arith.constant 1.000000e+00 : f32
          %add3A_444 = vector.broadcast %add3A_443 : f32 to vector<16xf32>
          %add3A_445 = arith.addf %exp3A_442, %add3A_444 : vector<16xf32>
          %div3A_446 = arith.constant 2.000000e+00 : f32
          %div3A_447 = vector.broadcast %div3A_446 : f32 to vector<16xf32>
          %div3A_448 = arith.divf %div3A_447, %add3A_445 : vector<16xf32>
          %sub3A_449 = arith.constant 1.000000e+00 : f32
          %sub3A_450 = vector.broadcast %sub3A_449 : f32 to vector<16xf32>
          %sub3A_451 = arith.subf %sub3A_450, %div3A_448 : vector<16xf32>
          %swap3A_452 = arith.constant 0 : i32
          %swap3A_453 = arith.index_cast %swap3A_452 : i32 to index
          %swap3A_454 = arith.index_cast %add3A_435 : i32 to index
          %swap3A_455 = arith.constant 0 : index
          %swap3A_456 = tpu.vector_load %arg8[%swap3A_453, %swap3A_454, %swap3A_455] {strides = array<i32>} : memref<2x1024x32xf32, #tpu.memory_space<vmem>>, vector<16xf32>,
          tpu.vector_store %arg8[%swap3A_453, %swap3A_454, %swap3A_455], %sub3A_451 {strides = array<i32>} : memref<2x1024x32xf32, #tpu.memory_space<vmem>>, vector<16xf32>,
          %add3A_457 = arith.constant 7 : i32
          %add3A_458 = arith.addi %mul3A_116, %add3A_457 : i32
          %get3A_459 = arith.constant 0 : i32
          %get3A_460 = arith.index_cast %get3A_459 : i32 to index
          %get3A_461 = arith.index_cast %add3A_458 : i32 to index
          %get3A_462 = arith.constant 16 : index
          %get3A_463 = tpu.vector_load %arg8[%get3A_460, %get3A_461, %get3A_462] {strides = array<i32>} : memref<2x1024x32xf32, #tpu.memory_space<vmem>>, vector<16xf32>,
          %add3A_464 = arith.addf %get3A_463, %get3A_463 : vector<16xf32>
          %exp3A_465 = math.exp %add3A_464 : vector<16xf32>
          %add3A_466 = arith.constant 1.000000e+00 : f32
          %add3A_467 = vector.broadcast %add3A_466 : f32 to vector<16xf32>
          %add3A_468 = arith.addf %exp3A_465, %add3A_467 : vector<16xf32>
          %div3A_469 = arith.constant 2.000000e+00 : f32
          %div3A_470 = vector.broadcast %div3A_469 : f32 to vector<16xf32>
          %div3A_471 = arith.divf %div3A_470, %add3A_468 : vector<16xf32>
          %sub3A_472 = arith.constant 1.000000e+00 : f32
          %sub3A_473 = vector.broadcast %sub3A_472 : f32 to vector<16xf32>
          %sub3A_474 = arith.subf %sub3A_473, %div3A_471 : vector<16xf32>
          %swap3A_475 = arith.constant 0 : i32
          %swap3A_476 = arith.index_cast %swap3A_475 : i32 to index
          %swap3A_477 = arith.index_cast %add3A_458 : i32 to index
          %swap3A_478 = arith.constant 16 : index
          %swap3A_479 = tpu.vector_load %arg8[%swap3A_476, %swap3A_477, %swap3A_478] {strides = array<i32>} : memref<2x1024x32xf32, #tpu.memory_space<vmem>>, vector<16xf32>,
          tpu.vector_store %arg8[%swap3A_476, %swap3A_477, %swap3A_478], %sub3A_474 {strides = array<i32>} : memref<2x1024x32xf32, #tpu.memory_space<vmem>>, vector<16xf32>,
          %add3A_480 = arith.constant 8 : i32
          %add3A_481 = arith.addi %mul3A_116, %add3A_480 : i32
          %get3A_482 = arith.constant 0 : i32
          %get3A_483 = arith.index_cast %get3A_482 : i32 to index
          %get3A_484 = arith.index_cast %add3A_481 : i32 to index
          %get3A_485 = arith.constant 0 : index
          %get3A_486 = tpu.vector_load %arg8[%get3A_483, %get3A_484, %get3A_485] {strides = array<i32>} : memref<2x1024x32xf32, #tpu.memory_space<vmem>>, vector<16xf32>,
          %add3A_487 = arith.addf %get3A_486, %get3A_486 : vector<16xf32>
          %exp3A_488 = math.exp %add3A_487 : vector<16xf32>
          %add3A_489 = arith.constant 1.000000e+00 : f32
          %add3A_490 = vector.broadcast %add3A_489 : f32 to vector<16xf32>
          %add3A_491 = arith.addf %exp3A_488, %add3A_490 : vector<16xf32>
          %div3A_492 = arith.constant 2.000000e+00 : f32
          %div3A_493 = vector.broadcast %div3A_492 : f32 to vector<16xf32>
          %div3A_494 = arith.divf %div3A_493, %add3A_491 : vector<16xf32>
          %sub3A_495 = arith.constant 1.000000e+00 : f32
          %sub3A_496 = vector.broadcast %sub3A_495 : f32 to vector<16xf32>
          %sub3A_497 = arith.subf %sub3A_496, %div3A_494 : vector<16xf32>
          %swap3A_498 = arith.constant 0 : i32
          %swap3A_499 = arith.index_cast %swap3A_498 : i32 to index
          %swap3A_500 = arith.index_cast %add3A_481 : i32 to index
          %swap3A_501 = arith.constant 0 : index
          %swap3A_502 = tpu.vector_load %arg8[%swap3A_499, %swap3A_500, %swap3A_501] {strides = array<i32>} : memref<2x1024x32xf32, #tpu.memory_space<vmem>>, vector<16xf32>,
          tpu.vector_store %arg8[%swap3A_499, %swap3A_500, %swap3A_501], %sub3A_497 {strides = array<i32>} : memref<2x1024x32xf32, #tpu.memory_space<vmem>>, vector<16xf32>,
          %add3A_503 = arith.constant 8 : i32
          %add3A_504 = arith.addi %mul3A_116, %add3A_503 : i32
          %get3A_505 = arith.constant 0 : i32
          %get3A_506 = arith.index_cast %get3A_505 : i32 to index
          %get3A_507 = arith.index_cast %add3A_504 : i32 to index
          %get3A_508 = arith.constant 16 : index
          %get3A_509 = tpu.vector_load %arg8[%get3A_506, %get3A_507, %get3A_508] {strides = array<i32>} : memref<2x1024x32xf32, #tpu.memory_space<vmem>>, vector<16xf32>,
          %add3A_510 = arith.addf %get3A_509, %get3A_509 : vector<16xf32>
          %exp3A_511 = math.exp %add3A_510 : vector<16xf32>
          %add3A_512 = arith.constant 1.000000e+00 : f32
          %add3A_513 = vector.broadcast %add3A_512 : f32 to vector<16xf32>
          %add3A_514 = arith.addf %exp3A_511, %add3A_513 : vector<16xf32>
          %div3A_515 = arith.constant 2.000000e+00 : f32
          %div3A_516 = vector.broadcast %div3A_515 : f32 to vector<16xf32>
          %div3A_517 = arith.divf %div3A_516, %add3A_514 : vector<16xf32>
          %sub3A_518 = arith.constant 1.000000e+00 : f32
          %sub3A_519 = vector.broadcast %sub3A_518 : f32 to vector<16xf32>
          %sub3A_520 = arith.subf %sub3A_519, %div3A_517 : vector<16xf32>
          %swap3A_521 = arith.constant 0 : i32
          %swap3A_522 = arith.index_cast %swap3A_521 : i32 to index
          %swap3A_523 = arith.index_cast %add3A_504 : i32 to index
          %swap3A_524 = arith.constant 16 : index
          %swap3A_525 = tpu.vector_load %arg8[%swap3A_522, %swap3A_523, %swap3A_524] {strides = array<i32>} : memref<2x1024x32xf32, #tpu.memory_space<vmem>>, vector<16xf32>,
          tpu.vector_store %arg8[%swap3A_522, %swap3A_523, %swap3A_524], %sub3A_520 {strides = array<i32>} : memref<2x1024x32xf32, #tpu.memory_space<vmem>>, vector<16xf32>,
          %add3A_526 = arith.constant 9 : i32
          %add3A_527 = arith.addi %mul3A_116, %add3A_526 : i32
          %get3A_528 = arith.constant 0 : i32
          %get3A_529 = arith.index_cast %get3A_528 : i32 to index
          %get3A_530 = arith.index_cast %add3A_527 : i32 to index
          %get3A_531 = arith.constant 0 : index
          %get3A_532 = tpu.vector_load %arg8[%get3A_529, %get3A_530, %get3A_531] {strides = array<i32>} : memref<2x1024x32xf32, #tpu.memory_space<vmem>>, vector<16xf32>,
          %add3A_533 = arith.addf %get3A_532, %get3A_532 : vector<16xf32>
          %exp3A_534 = math.exp %add3A_533 : vector<16xf32>
          %add3A_535 = arith.constant 1.000000e+00 : f32
          %add3A_536 = vector.broadcast %add3A_535 : f32 to vector<16xf32>
          %add3A_537 = arith.addf %exp3A_534, %add3A_536 : vector<16xf32>
          %div3A_538 = arith.constant 2.000000e+00 : f32
          %div3A_539 = vector.broadcast %div3A_538 : f32 to vector<16xf32>
          %div3A_540 = arith.divf %div3A_539, %add3A_537 : vector<16xf32>
          %sub3A_541 = arith.constant 1.000000e+00 : f32
          %sub3A_542 = vector.broadcast %sub3A_541 : f32 to vector<16xf32>
          %sub3A_543 = arith.subf %sub3A_542, %div3A_540 : vector<16xf32>
          %swap3A_544 = arith.constant 0 : i32
          %swap3A_545 = arith.index_cast %swap3A_544 : i32 to index
          %swap3A_546 = arith.index_cast %add3A_527 : i32 to index
          %swap3A_547 = arith.constant 0 : index
          %swap3A_548 = tpu.vector_load %arg8[%swap3A_545, %swap3A_546, %swap3A_547] {strides = array<i32>} : memref<2x1024x32xf32, #tpu.memory_space<vmem>>, vector<16xf32>,
          tpu.vector_store %arg8[%swap3A_545, %swap3A_546, %swap3A_547], %sub3A_543 {strides = array<i32>} : memref<2x1024x32xf32, #tpu.memory_space<vmem>>, vector<16xf32>,
          %add3A_549 = arith.constant 9 : i32
          %add3A_550 = arith.addi %mul3A_116, %add3A_549 : i32
          %get3A_551 = arith.constant 0 : i32
          %get3A_552 = arith.index_cast %get3A_551 : i32 to index
          %get3A_553 = arith.index_cast %add3A_550 : i32 to index
          %get3A_554 = arith.constant 16 : index
          %get3A_555 = tpu.vector_load %arg8[%get3A_552, %get3A_553, %get3A_554] {strides = array<i32>} : memref<2x1024x32xf32, #tpu.memory_space<vmem>>, vector<16xf32>,
          %add3A_556 = arith.addf %get3A_555, %get3A_555 : vector<16xf32>
          %exp3A_557 = math.exp %add3A_556 : vector<16xf32>
          %add3A_558 = arith.constant 1.000000e+00 : f32
          %add3A_559 = vector.broadcast %add3A_558 : f32 to vector<16xf32>
          %add3A_560 = arith.addf %exp3A_557, %add3A_559 : vector<16xf32>
          %div3A_561 = arith.constant 2.000000e+00 : f32
          %div3A_562 = vector.broadcast %div3A_561 : f32 to vector<16xf32>
          %div3A_563 = arith.divf %div3A_562, %add3A_560 : vector<16xf32>
          %sub3A_564 = arith.constant 1.000000e+00 : f32
          %sub3A_565 = vector.broadcast %sub3A_564 : f32 to vector<16xf32>
          %sub3A_566 = arith.subf %sub3A_565, %div3A_563 : vector<16xf32>
          %swap3A_567 = arith.constant 0 : i32
          %swap3A_568 = arith.index_cast %swap3A_567 : i32 to index
          %swap3A_569 = arith.index_cast %add3A_550 : i32 to index
          %swap3A_570 = arith.constant 16 : index
          %swap3A_571 = tpu.vector_load %arg8[%swap3A_568, %swap3A_569, %swap3A_570] {strides = array<i32>} : memref<2x1024x32xf32, #tpu.memory_space<vmem>>, vector<16xf32>,
          tpu.vector_store %arg8[%swap3A_568, %swap3A_569, %swap3A_570], %sub3A_566 {strides = array<i32>} : memref<2x1024x32xf32, #tpu.memory_space<vmem>>, vector<16xf32>,
          %add3A_572 = arith.constant 10 : i32
          %add3A_573 = arith.addi %mul3A_116, %add3A_572 : i32
          %get3A_574 = arith.constant 0 : i32
          %get3A_575 = arith.index_cast %get3A_574 : i32 to index
          %get3A_576 = arith.index_cast %add3A_573 : i32 to index
          %get3A_577 = arith.constant 0 : index
          %get3A_578 = tpu.vector_load %arg8[%get3A_575, %get3A_576, %get3A_577] {strides = array<i32>} : memref<2x1024x32xf32, #tpu.memory_space<vmem>>, vector<16xf32>,
          %add3A_579 = arith.addf %get3A_578, %get3A_578 : vector<16xf32>
          %exp3A_580 = math.exp %add3A_579 : vector<16xf32>
          %add3A_581 = arith.constant 1.000000e+00 : f32
          %add3A_582 = vector.broadcast %add3A_581 : f32 to vector<16xf32>
          %add3A_583 = arith.addf %exp3A_580, %add3A_582 : vector<16xf32>
          %div3A_584 = arith.constant 2.000000e+00 : f32
          %div3A_585 = vector.broadcast %div3A_584 : f32 to vector<16xf32>
          %div3A_586 = arith.divf %div3A_585, %add3A_583 : vector<16xf32>
          %sub3A_587 = arith.constant 1.000000e+00 : f32
          %sub3A_588 = vector.broadcast %sub3A_587 : f32 to vector<16xf32>
          %sub3A_589 = arith.subf %sub3A_588, %div3A_586 : vector<16xf32>
          %swap3A_590 = arith.constant 0 : i32
          %swap3A_591 = arith.index_cast %swap3A_590 : i32 to index
          %swap3A_592 = arith.index_cast %add3A_573 : i32 to index
          %swap3A_593 = arith.constant 0 : index
          %swap3A_594 = tpu.vector_load %arg8[%swap3A_591, %swap3A_592, %swap3A_593] {strides = array<i32>} : memref<2x1024x32xf32, #tpu.memory_space<vmem>>, vector<16xf32>,
          tpu.vector_store %arg8[%swap3A_591, %swap3A_592, %swap3A_593], %sub3A_589 {strides = array<i32>} : memref<2x1024x32xf32, #tpu.memory_space<vmem>>, vector<16xf32>,
          %add3A_595 = arith.constant 10 : i32
          %add3A_596 = arith.addi %mul3A_116, %add3A_595 : i32
          %get3A_597 = arith.constant 0 : i32
          %get3A_598 = arith.index_cast %get3A_597 : i32 to index
          %get3A_599 = arith.index_cast %add3A_596 : i32 to index
          %get3A_600 = arith.constant 16 : index
          %get3A_601 = tpu.vector_load %arg8[%get3A_598, %get3A_599, %get3A_600] {strides = array<i32>} : memref<2x1024x32xf32, #tpu.memory_space<vmem>>, vector<16xf32>,
          %add3A_602 = arith.addf %get3A_601, %get3A_601 : vector<16xf32>
          %exp3A_603 = math.exp %add3A_602 : vector<16xf32>
          %add3A_604 = arith.constant 1.000000e+00 : f32
          %add3A_605 = vector.broadcast %add3A_604 : f32 to vector<16xf32>
          %add3A_606 = arith.addf %exp3A_603, %add3A_605 : vector<16xf32>
          %div3A_607 = arith.constant 2.000000e+00 : f32
          %div3A_608 = vector.broadcast %div3A_607 : f32 to vector<16xf32>
          %div3A_609 = arith.divf %div3A_608, %add3A_606 : vector<16xf32>
          %sub3A_610 = arith.constant 1.000000e+00 : f32
          %sub3A_611 = vector.broadcast %sub3A_610 : f32 to vector<16xf32>
          %sub3A_612 = arith.subf %sub3A_611, %div3A_609 : vector<16xf32>
          %swap3A_613 = arith.constant 0 : i32
          %swap3A_614 = arith.index_cast %swap3A_613 : i32 to index
          %swap3A_615 = arith.index_cast %add3A_596 : i32 to index
          %swap3A_616 = arith.constant 16 : index
          %swap3A_617 = tpu.vector_load %arg8[%swap3A_614, %swap3A_615, %swap3A_616] {strides = array<i32>} : memref<2x1024x32xf32, #tpu.memory_space<vmem>>, vector<16xf32>,
          tpu.vector_store %arg8[%swap3A_614, %swap3A_615, %swap3A_616], %sub3A_612 {strides = array<i32>} : memref<2x1024x32xf32, #tpu.memory_space<vmem>>, vector<16xf32>,
          %add3A_618 = arith.constant 11 : i32
          %add3A_619 = arith.addi %mul3A_116, %add3A_618 : i32
          %get3A_620 = arith.constant 0 : i32
          %get3A_621 = arith.index_cast %get3A_620 : i32 to index
          %get3A_622 = arith.index_cast %add3A_619 : i32 to index
          %get3A_623 = arith.constant 0 : index
          %get3A_624 = tpu.vector_load %arg8[%get3A_621, %get3A_622, %get3A_623] {strides = array<i32>} : memref<2x1024x32xf32, #tpu.memory_space<vmem>>, vector<16xf32>,
          %add3A_625 = arith.addf %get3A_624, %get3A_624 : vector<16xf32>
          %exp3A_626 = math.exp %add3A_625 : vector<16xf32>
          %add3A_627 = arith.constant 1.000000e+00 : f32
          %add3A_628 = vector.broadcast %add3A_627 : f32 to vector<16xf32>
          %add3A_629 = arith.addf %exp3A_626, %add3A_628 : vector<16xf32>
          %div3A_630 = arith.constant 2.000000e+00 : f32
          %div3A_631 = vector.broadcast %div3A_630 : f32 to vector<16xf32>
          %div3A_632 = arith.divf %div3A_631, %add3A_629 : vector<16xf32>
          %sub3A_633 = arith.constant 1.000000e+00 : f32
          %sub3A_634 = vector.broadcast %sub3A_633 : f32 to vector<16xf32>
          %sub3A_635 = arith.subf %sub3A_634, %div3A_632 : vector<16xf32>
          %swap3A_636 = arith.constant 0 : i32
          %swap3A_637 = arith.index_cast %swap3A_636 : i32 to index
          %swap3A_638 = arith.index_cast %add3A_619 : i32 to index
          %swap3A_639 = arith.constant 0 : index
          %swap3A_640 = tpu.vector_load %arg8[%swap3A_637, %swap3A_638, %swap3A_639] {strides = array<i32>} : memref<2x1024x32xf32, #tpu.memory_space<vmem>>, vector<16xf32>,
          tpu.vector_store %arg8[%swap3A_637, %swap3A_638, %swap3A_639], %sub3A_635 {strides = array<i32>} : memref<2x1024x32xf32, #tpu.memory_space<vmem>>, vector<16xf32>,
          %add3A_641 = arith.constant 11 : i32
          %add3A_642 = arith.addi %mul3A_116, %add3A_641 : i32
          %get3A_643 = arith.constant 0 : i32
          %get3A_644 = arith.index_cast %get3A_643 : i32 to index
          %get3A_645 = arith.index_cast %add3A_642 : i32 to index
          %get3A_646 = arith.constant 16 : index
          %get3A_647 = tpu.vector_load %arg8[%get3A_644, %get3A_645, %get3A_646] {strides = array<i32>} : memref<2x1024x32xf32, #tpu.memory_space<vmem>>, vector<16xf32>,
          %add3A_648 = arith.addf %get3A_647, %get3A_647 : vector<16xf32>
          %exp3A_649 = math.exp %add3A_648 : vector<16xf32>
          %add3A_650 = arith.constant 1.000000e+00 : f32
          %add3A_651 = vector.broadcast %add3A_650 : f32 to vector<16xf32>
          %add3A_652 = arith.addf %exp3A_649, %add3A_651 : vector<16xf32>
          %div3A_653 = arith.constant 2.000000e+00 : f32
          %div3A_654 = vector.broadcast %div3A_653 : f32 to vector<16xf32>
          %div3A_655 = arith.divf %div3A_654, %add3A_652 : vector<16xf32>
          %sub3A_656 = arith.constant 1.000000e+00 : f32
          %sub3A_657 = vector.broadcast %sub3A_656 : f32 to vector<16xf32>
          %sub3A_658 = arith.subf %sub3A_657, %div3A_655 : vector<16xf32>
          %swap3A_659 = arith.constant 0 : i32
          %swap3A_660 = arith.index_cast %swap3A_659 : i32 to index
          %swap3A_661 = arith.index_cast %add3A_642 : i32 to index
          %swap3A_662 = arith.constant 16 : index
          %swap3A_663 = tpu.vector_load %arg8[%swap3A_660, %swap3A_661, %swap3A_662] {strides = array<i32>} : memref<2x1024x32xf32, #tpu.memory_space<vmem>>, vector<16xf32>,
          tpu.vector_store %arg8[%swap3A_660, %swap3A_661, %swap3A_662], %sub3A_658 {strides = array<i32>} : memref<2x1024x32xf32, #tpu.memory_space<vmem>>, vector<16xf32>,
          %add3A_664 = arith.constant 12 : i32
          %add3A_665 = arith.addi %mul3A_116, %add3A_664 : i32
          %get3A_666 = arith.constant 0 : i32
          %get3A_667 = arith.index_cast %get3A_666 : i32 to index
          %get3A_668 = arith.index_cast %add3A_665 : i32 to index
          %get3A_669 = arith.constant 0 : index
          %get3A_670 = tpu.vector_load %arg8[%get3A_667, %get3A_668, %get3A_669] {strides = array<i32>} : memref<2x1024x32xf32, #tpu.memory_space<vmem>>, vector<16xf32>,
          %add3A_671 = arith.addf %get3A_670, %get3A_670 : vector<16xf32>
          %exp3A_672 = math.exp %add3A_671 : vector<16xf32>
          %add3A_673 = arith.constant 1.000000e+00 : f32
          %add3A_674 = vector.broadcast %add3A_673 : f32 to vector<16xf32>
          %add3A_675 = arith.addf %exp3A_672, %add3A_674 : vector<16xf32>
          %div3A_676 = arith.constant 2.000000e+00 : f32
          %div3A_677 = vector.broadcast %div3A_676 : f32 to vector<16xf32>
          %div3A_678 = arith.divf %div3A_677, %add3A_675 : vector<16xf32>
          %sub3A_679 = arith.constant 1.000000e+00 : f32
          %sub3A_680 = vector.broadcast %sub3A_679 : f32 to vector<16xf32>
          %sub3A_681 = arith.subf %sub3A_680, %div3A_678 : vector<16xf32>
          %swap3A_682 = arith.constant 0 : i32
          %swap3A_683 = arith.index_cast %swap3A_682 : i32 to index
          %swap3A_684 = arith.index_cast %add3A_665 : i32 to index
          %swap3A_685 = arith.constant 0 : index
          %swap3A_686 = tpu.vector_load %arg8[%swap3A_683, %swap3A_684, %swap3A_685] {strides = array<i32>} : memref<2x1024x32xf32, #tpu.memory_space<vmem>>, vector<16xf32>,
          tpu.vector_store %arg8[%swap3A_683, %swap3A_684, %swap3A_685], %sub3A_681 {strides = array<i32>} : memref<2x1024x32xf32, #tpu.memory_space<vmem>>, vector<16xf32>,
          %add3A_687 = arith.constant 12 : i32
          %add3A_688 = arith.addi %mul3A_116, %add3A_687 : i32
          %get3A_689 = arith.constant 0 : i32
          %get3A_690 = arith.index_cast %get3A_689 : i32 to index
          %get3A_691 = arith.index_cast %add3A_688 : i32 to index
          %get3A_692 = arith.constant 16 : index
          %get3A_693 = tpu.vector_load %arg8[%get3A_690, %get3A_691, %get3A_692] {strides = array<i32>} : memref<2x1024x32xf32, #tpu.memory_space<vmem>>, vector<16xf32>,
          %add3A_694 = arith.addf %get3A_693, %get3A_693 : vector<16xf32>
          %exp3A_695 = math.exp %add3A_694 : vector<16xf32>
          %add3A_696 = arith.constant 1.000000e+00 : f32
          %add3A_697 = vector.broadcast %add3A_696 : f32 to vector<16xf32>
          %add3A_698 = arith.addf %exp3A_695, %add3A_697 : vector<16xf32>
          %div3A_699 = arith.constant 2.000000e+00 : f32
          %div3A_700 = vector.broadcast %div3A_699 : f32 to vector<16xf32>
          %div3A_701 = arith.divf %div3A_700, %add3A_698 : vector<16xf32>
          %sub3A_702 = arith.constant 1.000000e+00 : f32
          %sub3A_703 = vector.broadcast %sub3A_702 : f32 to vector<16xf32>
          %sub3A_704 = arith.subf %sub3A_703, %div3A_701 : vector<16xf32>
          %swap3A_705 = arith.constant 0 : i32
          %swap3A_706 = arith.index_cast %swap3A_705 : i32 to index
          %swap3A_707 = arith.index_cast %add3A_688 : i32 to index
          %swap3A_708 = arith.constant 16 : index
          %swap3A_709 = tpu.vector_load %arg8[%swap3A_706, %swap3A_707, %swap3A_708] {strides = array<i32>} : memref<2x1024x32xf32, #tpu.memory_space<vmem>>, vector<16xf32>,
          tpu.vector_store %arg8[%swap3A_706, %swap3A_707, %swap3A_708], %sub3A_704 {strides = array<i32>} : memref<2x1024x32xf32, #tpu.memory_space<vmem>>, vector<16xf32>,
          %add3A_710 = arith.constant 13 : i32
          %add3A_711 = arith.addi %mul3A_116, %add3A_710 : i32
          %get3A_712 = arith.constant 0 : i32
          %get3A_713 = arith.index_cast %get3A_712 : i32 to index
          %get3A_714 = arith.index_cast %add3A_711 : i32 to index
          %get3A_715 = arith.constant 0 : index
          %get3A_716 = tpu.vector_load %arg8[%get3A_713, %get3A_714, %get3A_715] {strides = array<i32>} : memref<2x1024x32xf32, #tpu.memory_space<vmem>>, vector<16xf32>,
          %add3A_717 = arith.addf %get3A_716, %get3A_716 : vector<16xf32>
          %exp3A_718 = math.exp %add3A_717 : vector<16xf32>
          %add3A_719 = arith.constant 1.000000e+00 : f32
          %add3A_720 = vector.broadcast %add3A_719 : f32 to vector<16xf32>
          %add3A_721 = arith.addf %exp3A_718, %add3A_720 : vector<16xf32>
          %div3A_722 = arith.constant 2.000000e+00 : f32
          %div3A_723 = vector.broadcast %div3A_722 : f32 to vector<16xf32>
          %div3A_724 = arith.divf %div3A_723, %add3A_721 : vector<16xf32>
          %sub3A_725 = arith.constant 1.000000e+00 : f32
          %sub3A_726 = vector.broadcast %sub3A_725 : f32 to vector<16xf32>
          %sub3A_727 = arith.subf %sub3A_726, %div3A_724 : vector<16xf32>
          %swap3A_728 = arith.constant 0 : i32
          %swap3A_729 = arith.index_cast %swap3A_728 : i32 to index
          %swap3A_730 = arith.index_cast %add3A_711 : i32 to index
          %swap3A_731 = arith.constant 0 : index
          %swap3A_732 = tpu.vector_load %arg8[%swap3A_729, %swap3A_730, %swap3A_731] {strides = array<i32>} : memref<2x1024x32xf32, #tpu.memory_space<vmem>>, vector<16xf32>,
          tpu.vector_store %arg8[%swap3A_729, %swap3A_730, %swap3A_731], %sub3A_727 {strides = array<i32>} : memref<2x1024x32xf32, #tpu.memory_space<vmem>>, vector<16xf32>,
          %add3A_733 = arith.constant 13 : i32
          %add3A_734 = arith.addi %mul3A_116, %add3A_733 : i32
          %get3A_735 = arith.constant 0 : i32
          %get3A_736 = arith.index_cast %get3A_735 : i32 to index
          %get3A_737 = arith.index_cast %add3A_734 : i32 to index
          %get3A_738 = arith.constant 16 : index
          %get3A_739 = tpu.vector_load %arg8[%get3A_736, %get3A_737, %get3A_738] {strides = array<i32>} : memref<2x1024x32xf32, #tpu.memory_space<vmem>>, vector<16xf32>,
          %add3A_740 = arith.addf %get3A_739, %get3A_739 : vector<16xf32>
          %exp3A_741 = math.exp %add3A_740 : vector<16xf32>
          %add3A_742 = arith.constant 1.000000e+00 : f32
          %add3A_743 = vector.broadcast %add3A_742 : f32 to vector<16xf32>
          %add3A_744 = arith.addf %exp3A_741, %add3A_743 : vector<16xf32>
          %div3A_745 = arith.constant 2.000000e+00 : f32
          %div3A_746 = vector.broadcast %div3A_745 : f32 to vector<16xf32>
          %div3A_747 = arith.divf %div3A_746, %add3A_744 : vector<16xf32>
          %sub3A_748 = arith.constant 1.000000e+00 : f32
          %sub3A_749 = vector.broadcast %sub3A_748 : f32 to vector<16xf32>
          %sub3A_750 = arith.subf %sub3A_749, %div3A_747 : vector<16xf32>
          %swap3A_751 = arith.constant 0 : i32
          %swap3A_752 = arith.index_cast %swap3A_751 : i32 to index
          %swap3A_753 = arith.index_cast %add3A_734 : i32 to index
          %swap3A_754 = arith.constant 16 : index
          %swap3A_755 = tpu.vector_load %arg8[%swap3A_752, %swap3A_753, %swap3A_754] {strides = array<i32>} : memref<2x1024x32xf32, #tpu.memory_space<vmem>>, vector<16xf32>,
          tpu.vector_store %arg8[%swap3A_752, %swap3A_753, %swap3A_754], %sub3A_750 {strides = array<i32>} : memref<2x1024x32xf32, #tpu.memory_space<vmem>>, vector<16xf32>,
          %add3A_756 = arith.constant 14 : i32
          %add3A_757 = arith.addi %mul3A_116, %add3A_756 : i32
          %get3A_758 = arith.constant 0 : i32
          %get3A_759 = arith.index_cast %get3A_758 : i32 to index
          %get3A_760 = arith.index_cast %add3A_757 : i32 to index
          %get3A_761 = arith.constant 0 : index
          %get3A_762 = tpu.vector_load %arg8[%get3A_759, %get3A_760, %get3A_761] {strides = array<i32>} : memref<2x1024x32xf32, #tpu.memory_space<vmem>>, vector<16xf32>,
          %add3A_763 = arith.addf %get3A_762, %get3A_762 : vector<16xf32>
          %exp3A_764 = math.exp %add3A_763 : vector<16xf32>
          %add3A_765 = arith.constant 1.000000e+00 : f32
          %add3A_766 = vector.broadcast %add3A_765 : f32 to vector<16xf32>
          %add3A_767 = arith.addf %exp3A_764, %add3A_766 : vector<16xf32>
          %div3A_768 = arith.constant 2.000000e+00 : f32
          %div3A_769 = vector.broadcast %div3A_768 : f32 to vector<16xf32>
          %div3A_770 = arith.divf %div3A_769, %add3A_767 : vector<16xf32>
          %sub3A_771 = arith.constant 1.000000e+00 : f32
          %sub3A_772 = vector.broadcast %sub3A_771 : f32 to vector<16xf32>
          %sub3A_773 = arith.subf %sub3A_772, %div3A_770 : vector<16xf32>
          %swap3A_774 = arith.constant 0 : i32
          %swap3A_775 = arith.index_cast %swap3A_774 : i32 to index
          %swap3A_776 = arith.index_cast %add3A_757 : i32 to index
          %swap3A_777 = arith.constant 0 : index
          %swap3A_778 = tpu.vector_load %arg8[%swap3A_775, %swap3A_776, %swap3A_777] {strides = array<i32>} : memref<2x1024x32xf32, #tpu.memory_space<vmem>>, vector<16xf32>,
          tpu.vector_store %arg8[%swap3A_775, %swap3A_776, %swap3A_777], %sub3A_773 {strides = array<i32>} : memref<2x1024x32xf32, #tpu.memory_space<vmem>>, vector<16xf32>,
          %add3A_779 = arith.constant 14 : i32
          %add3A_780 = arith.addi %mul3A_116, %add3A_779 : i32
          %get3A_781 = arith.constant 0 : i32
          %get3A_782 = arith.index_cast %get3A_781 : i32 to index
          %get3A_783 = arith.index_cast %add3A_780 : i32 to index
          %get3A_784 = arith.constant 16 : index
          %get3A_785 = tpu.vector_load %arg8[%get3A_782, %get3A_783, %get3A_784] {strides = array<i32>} : memref<2x1024x32xf32, #tpu.memory_space<vmem>>, vector<16xf32>,
          %add3A_786 = arith.addf %get3A_785, %get3A_785 : vector<16xf32>
          %exp3A_787 = math.exp %add3A_786 : vector<16xf32>
          %add3A_788 = arith.constant 1.000000e+00 : f32
          %add3A_789 = vector.broadcast %add3A_788 : f32 to vector<16xf32>
          %add3A_790 = arith.addf %exp3A_787, %add3A_789 : vector<16xf32>
          %div3A_791 = arith.constant 2.000000e+00 : f32
          %div3A_792 = vector.broadcast %div3A_791 : f32 to vector<16xf32>
          %div3A_793 = arith.divf %div3A_792, %add3A_790 : vector<16xf32>
          %sub3A_794 = arith.constant 1.000000e+00 : f32
          %sub3A_795 = vector.broadcast %sub3A_794 : f32 to vector<16xf32>
          %sub3A_796 = arith.subf %sub3A_795, %div3A_793 : vector<16xf32>
          %swap3A_797 = arith.constant 0 : i32
          %swap3A_798 = arith.index_cast %swap3A_797 : i32 to index
          %swap3A_799 = arith.index_cast %add3A_780 : i32 to index
          %swap3A_800 = arith.constant 16 : index
          %swap3A_801 = tpu.vector_load %arg8[%swap3A_798, %swap3A_799, %swap3A_800] {strides = array<i32>} : memref<2x1024x32xf32, #tpu.memory_space<vmem>>, vector<16xf32>,
          tpu.vector_store %arg8[%swap3A_798, %swap3A_799, %swap3A_800], %sub3A_796 {strides = array<i32>} : memref<2x1024x32xf32, #tpu.memory_space<vmem>>, vector<16xf32>,
          %add3A_802 = arith.constant 15 : i32
          %add3A_803 = arith.addi %mul3A_116, %add3A_802 : i32
          %get3A_804 = arith.constant 0 : i32
          %get3A_805 = arith.index_cast %get3A_804 : i32 to index
          %get3A_806 = arith.index_cast %add3A_803 : i32 to index
          %get3A_807 = arith.constant 0 : index
          %get3A_808 = tpu.vector_load %arg8[%get3A_805, %get3A_806, %get3A_807] {strides = array<i32>} : memref<2x1024x32xf32, #tpu.memory_space<vmem>>, vector<16xf32>,
          %add3A_809 = arith.addf %get3A_808, %get3A_808 : vector<16xf32>
          %exp3A_810 = math.exp %add3A_809 : vector<16xf32>
          %add3A_811 = arith.constant 1.000000e+00 : f32
          %add3A_812 = vector.broadcast %add3A_811 : f32 to vector<16xf32>
          %add3A_813 = arith.addf %exp3A_810, %add3A_812 : vector<16xf32>
          %div3A_814 = arith.constant 2.000000e+00 : f32
          %div3A_815 = vector.broadcast %div3A_814 : f32 to vector<16xf32>
          %div3A_816 = arith.divf %div3A_815, %add3A_813 : vector<16xf32>
          %sub3A_817 = arith.constant 1.000000e+00 : f32
          %sub3A_818 = vector.broadcast %sub3A_817 : f32 to vector<16xf32>
          %sub3A_819 = arith.subf %sub3A_818, %div3A_816 : vector<16xf32>
          %swap3A_820 = arith.constant 0 : i32
          %swap3A_821 = arith.index_cast %swap3A_820 : i32 to index
          %swap3A_822 = arith.index_cast %add3A_803 : i32 to index
          %swap3A_823 = arith.constant 0 : index
          %swap3A_824 = tpu.vector_load %arg8[%swap3A_821, %swap3A_822, %swap3A_823] {strides = array<i32>} : memref<2x1024x32xf32, #tpu.memory_space<vmem>>, vector<16xf32>,
          tpu.vector_store %arg8[%swap3A_821, %swap3A_822, %swap3A_823], %sub3A_819 {strides = array<i32>} : memref<2x1024x32xf32, #tpu.memory_space<vmem>>, vector<16xf32>,
          %add3A_825 = arith.constant 15 : i32
          %add3A_826 = arith.addi %mul3A_116, %add3A_825 : i32
          %get3A_827 = arith.constant 0 : i32
          %get3A_828 = arith.index_cast %get3A_827 : i32 to index
          %get3A_829 = arith.index_cast %add3A_826 : i32 to index
          %get3A_830 = arith.constant 16 : index
          %get3A_831 = tpu.vector_load %arg8[%get3A_828, %get3A_829, %get3A_830] {strides = array<i32>} : memref<2x1024x32xf32, #tpu.memory_space<vmem>>, vector<16xf32>,
          %add3A_832 = arith.addf %get3A_831, %get3A_831 : vector<16xf32>
          %exp3A_833 = math.exp %add3A_832 : vector<16xf32>
          %add3A_834 = arith.constant 1.000000e+00 : f32
          %add3A_835 = vector.broadcast %add3A_834 : f32 to vector<16xf32>
          %add3A_836 = arith.addf %exp3A_833, %add3A_835 : vector<16xf32>
          %div3A_837 = arith.constant 2.000000e+00 : f32
          %div3A_838 = vector.broadcast %div3A_837 : f32 to vector<16xf32>
          %div3A_839 = arith.divf %div3A_838, %add3A_836 : vector<16xf32>
          %sub3A_840 = arith.constant 1.000000e+00 : f32
          %sub3A_841 = vector.broadcast %sub3A_840 : f32 to vector<16xf32>
          %sub3A_842 = arith.subf %sub3A_841, %div3A_839 : vector<16xf32>
          %swap3A_843 = arith.constant 0 : i32
          %swap3A_844 = arith.index_cast %swap3A_843 : i32 to index
          %swap3A_845 = arith.index_cast %add3A_826 : i32 to index
          %swap3A_846 = arith.constant 16 : index
          %swap3A_847 = tpu.vector_load %arg8[%swap3A_844, %swap3A_845, %swap3A_846] {strides = array<i32>} : memref<2x1024x32xf32, #tpu.memory_space<vmem>>, vector<16xf32>,
          tpu.vector_store %arg8[%swap3A_844, %swap3A_845, %swap3A_846], %sub3A_842 {strides = array<i32>} : memref<2x1024x32xf32, #tpu.memory_space<vmem>>, vector<16xf32>,
        }
        %scan3A_103 = arith.constant 64 : i32
        %lt3A_104 = arith.constant 25 : i32
        %lt3A_105 = arith.cmpi slt, %add3A_26, %lt3A_104 : i32
        %convert_element_type3A_106 = arith.extui %lt3A_105 : i1 to i32
        %cond3A_107 = arith.constant 0 : i32
        %cond3A_108 = arith.cmpi ne, %convert_element_type3A_106, %cond3A_107 : i32
        scf.if %cond3A_108 {
          %mul3A_114 = arith.constant 25 : i32
          %mul3A_115 = arith.muli %add3A, %mul3A_114 : i32
          %add3A_116 = arith.addi %mul3A_115, %add3A_26 : i32
          %mul3A_117 = arith.constant 1024 : i32
          %mul3A_118 = arith.muli %add3A_116, %mul3A_117 : i32
          %dma_start3A = arith.constant 0 : i32
          %dma_start3A_119 = arith.constant 0 : i32
          %dma_start3A_120 = arith.constant 0 : i32
          %dma_start3A_121 = tpu.memref_slice %arg8[%dma_start3A, %dma_start3A_119, %dma_start3A_120] : memref<2x1024x32xf32, #tpu.memory_space<vmem>> -> memref<1x1024x32xf32, #tpu.memory_space<vmem>>
          %dma_start3A_122 = tpu.memref_squeeze %dma_start3A_121 : memref<1x1024x32xf32, #tpu.memory_space<vmem>> -> memref<1024x32xf32, #tpu.memory_space<vmem>>
          %dma_start3A_123 = arith.constant 0 : i32
          %dma_start3A_124 = tpu.memref_slice %arg6[%mul3A_118, %dma_start3A_123] : memref<819200x128xf32, #tpu.memory_space<hbm>> -> memref<1024x32xf32, #tpu.memory_space<hbm>>
          %dma_start3A_125 = arith.constant 0 : i32
          %dma_start3A_126 = tpu.memref_slice %arg6[%mul3A_118, %dma_start3A_125] : memref<819200x128xf32, #tpu.memory_space<hbm>> -> memref<1024x32xf32, #tpu.memory_space<hbm>>
          %dma_start3A_127 = arith.constant 0 : i32
          %dma_start3A_128 = arith.constant 0 : i32
          %dma_start3A_129 = tpu.memref_slice %arg8[%dma_start3A, %dma_start3A_127, %dma_start3A_128] : memref<2x1024x32xf32, #tpu.memory_space<vmem>> -> memref<1x1024x32xf32, #tpu.memory_space<vmem>>
          %dma_start3A_130 = tpu.memref_squeeze %dma_start3A_129 : memref<1x1024x32xf32, #tpu.memory_space<vmem>> -> memref<1024x32xf32, #tpu.memory_space<vmem>>
          tpu.enqueue_dma source(%dma_start3A_130 : memref<1024x32xf32, #tpu.memory_space<vmem>>) target(%dma_start3A_126 : memref<1024x32xf32, #tpu.memory_space<hbm>>) target_semaphore(%arg11 : memref<!tpu.dma_semaphore, #tpu.memory_space<semaphore_mem>>)
        } else {
        }
        %ge3A_109 = arith.constant 25 : i32
        %ge3A_110 = arith.cmpi sge, %add3A_26, %ge3A_109 : i32
        %convert_element_type3A_111 = arith.extui %ge3A_110 : i1 to i32
        %cond3A_112 = arith.constant 0 : i32
        %cond3A_113 = arith.cmpi ne, %convert_element_type3A_111, %cond3A_112 : i32
        scf.if %cond3A_113 {
          %mul3A_114 = arith.constant 1024 : i32
          %mul3A_115 = arith.muli %add3A, %mul3A_114 : i32
          %dma_start3A = arith.constant 0 : i32
          %dma_start3A_116 = arith.constant 0 : i32
          %dma_start3A_117 = arith.constant 0 : i32
          %dma_start3A_118 = tpu.memref_slice %arg8[%dma_start3A, %dma_start3A_116, %dma_start3A_117] : memref<2x1024x32xf32, #tpu.memory_space<vmem>> -> memref<1x1024x32xf32, #tpu.memory_space<vmem>>
          %dma_start3A_119 = tpu.memref_squeeze %dma_start3A_118 : memref<1x1024x32xf32, #tpu.memory_space<vmem>> -> memref<1024x32xf32, #tpu.memory_space<vmem>>
          %dma_start3A_120 = arith.constant 0 : i32
          %dma_start3A_121 = tpu.memref_slice %arg5[%mul3A_115, %dma_start3A_120] : memref<4096x128xf32, #tpu.memory_space<hbm>> -> memref<1024x32xf32, #tpu.memory_space<hbm>>
          %dma_start3A_122 = arith.constant 0 : i32
          %dma_start3A_123 = tpu.memref_slice %arg5[%mul3A_115, %dma_start3A_122] : memref<4096x128xf32, #tpu.memory_space<hbm>> -> memref<1024x32xf32, #tpu.memory_space<hbm>>
          %dma_start3A_124 = arith.constant 0 : i32
          %dma_start3A_125 = arith.constant 0 : i32
          %dma_start3A_126 = tpu.memref_slice %arg8[%dma_start3A, %dma_start3A_124, %dma_start3A_125] : memref<2x1024x32xf32, #tpu.memory_space<vmem>> -> memref<1x1024x32xf32, #tpu.memory_space<vmem>>
          %dma_start3A_127 = tpu.memref_squeeze %dma_start3A_126 : memref<1x1024x32xf32, #tpu.memory_space<vmem>> -> memref<1024x32xf32, #tpu.memory_space<vmem>>
          tpu.enqueue_dma source(%dma_start3A_127 : memref<1024x32xf32, #tpu.memory_space<vmem>>) target(%dma_start3A_123 : memref<1024x32xf32, #tpu.memory_space<hbm>>) target_semaphore(%arg11 : memref<!tpu.dma_semaphore, #tpu.memory_space<semaphore_mem>>)
        } else {
        }
      } else {
      }
      %mul3A_55 = arith.constant 2 : i32
      %mul3A_56 = arith.muli %mul3A_55, %scan3A_22 : i32
      %add3A_57 = arith.constant 1 : i32
      %add3A_58 = arith.addi %mul3A_56, %add3A_57 : i32
      %ge3A_59 = arith.constant 1 : i32
      %ge3A_60 = arith.cmpi sge, %add3A_58, %ge3A_59 : i32
      %convert_element_type3A_61 = arith.extui %ge3A_60 : i1 to i32
      %cond3A_62 = arith.constant 0 : i32
      %cond3A_63 = arith.cmpi ne, %convert_element_type3A_61, %cond3A_62 : i32
      scf.if %cond3A_63 {
        %sub3A = arith.constant 1 : i32
        %sub3A_88 = arith.subi %add3A_58, %sub3A : i32
        %lt3A_89 = arith.constant 25 : i32
        %lt3A_90 = arith.cmpi slt, %sub3A_88, %lt3A_89 : i32
        %convert_element_type3A_91 = arith.extui %lt3A_90 : i1 to i32
        %cond3A_92 = arith.constant 0 : i32
        %cond3A_93 = arith.cmpi ne, %convert_element_type3A_91, %cond3A_92 : i32
        scf.if %cond3A_93 {
          %mul3A_99 = arith.constant 25 : i32
          %mul3A_100 = arith.muli %add3A, %mul3A_99 : i32
          %add3A_101 = arith.addi %mul3A_100, %sub3A_88 : i32
          %mul3A_102 = arith.constant 1024 : i32
          %mul3A_103 = arith.muli %add3A_101, %mul3A_102 : i32
          %dma_wait3A = arith.constant 0 : i32
          %dma_wait3A_104 = arith.constant 0 : i32
          %dma_wait3A_105 = arith.constant 0 : i32
          %dma_wait3A_106 = tpu.memref_slice %arg8[%dma_wait3A, %dma_wait3A_104, %dma_wait3A_105] : memref<2x1024x32xf32, #tpu.memory_space<vmem>> -> memref<1x1024x32xf32, #tpu.memory_space<vmem>>
          %dma_wait3A_107 = tpu.memref_squeeze %dma_wait3A_106 : memref<1x1024x32xf32, #tpu.memory_space<vmem>> -> memref<1024x32xf32, #tpu.memory_space<vmem>>
          %dma_wait3A_108 = arith.constant 0 : i32
          %dma_wait3A_109 = tpu.memref_slice %arg6[%mul3A_103, %dma_wait3A_108] : memref<819200x128xf32, #tpu.memory_space<hbm>> -> memref<1024x32xf32, #tpu.memory_space<hbm>>
          %dma_wait3A_110 = arith.constant 0 : i32
          %dma_wait3A_111 = tpu.memref_slice %arg6[%mul3A_103, %dma_wait3A_110] : memref<819200x128xf32, #tpu.memory_space<hbm>> -> memref<1024x32xf32, #tpu.memory_space<hbm>>
          %dma_wait3A_112 = arith.constant 0 : i32
          %dma_wait3A_113 = arith.constant 0 : i32
          %dma_wait3A_114 = tpu.memref_slice %arg8[%dma_wait3A, %dma_wait3A_112, %dma_wait3A_113] : memref<2x1024x32xf32, #tpu.memory_space<vmem>> -> memref<1x1024x32xf32, #tpu.memory_space<vmem>>
          %dma_wait3A_115 = tpu.memref_squeeze %dma_wait3A_114 : memref<1x1024x32xf32, #tpu.memory_space<vmem>> -> memref<1024x32xf32, #tpu.memory_space<vmem>>
          tpu.wait_dma2 semaphore(%arg11 : memref<!tpu.dma_semaphore, #tpu.memory_space<semaphore_mem>>) src(%dma_wait3A_115 : memref<1024x32xf32, #tpu.memory_space<vmem>>) dst(%dma_wait3A_111 : memref<1024x32xf32, #tpu.memory_space<hbm>>)
        } else {
        }
        %ge3A_94 = arith.constant 25 : i32
        %ge3A_95 = arith.cmpi sge, %sub3A_88, %ge3A_94 : i32
        %convert_element_type3A_96 = arith.extui %ge3A_95 : i1 to i32
        %cond3A_97 = arith.constant 0 : i32
        %cond3A_98 = arith.cmpi ne, %convert_element_type3A_96, %cond3A_97 : i32
        scf.if %cond3A_98 {
          %mul3A_99 = arith.constant 1024 : i32
          %mul3A_100 = arith.muli %add3A, %mul3A_99 : i32
          %dma_wait3A = arith.constant 0 : i32
          %dma_wait3A_101 = arith.constant 0 : i32
          %dma_wait3A_102 = arith.constant 0 : i32
          %dma_wait3A_103 = tpu.memref_slice %arg8[%dma_wait3A, %dma_wait3A_101, %dma_wait3A_102] : memref<2x1024x32xf32, #tpu.memory_space<vmem>> -> memref<1x1024x32xf32, #tpu.memory_space<vmem>>
          %dma_wait3A_104 = tpu.memref_squeeze %dma_wait3A_103 : memref<1x1024x32xf32, #tpu.memory_space<vmem>> -> memref<1024x32xf32, #tpu.memory_space<vmem>>
          %dma_wait3A_105 = arith.constant 0 : i32
          %dma_wait3A_106 = tpu.memref_slice %arg5[%mul3A_100, %dma_wait3A_105] : memref<4096x128xf32, #tpu.memory_space<hbm>> -> memref<1024x32xf32, #tpu.memory_space<hbm>>
          %dma_wait3A_107 = arith.constant 0 : i32
          %dma_wait3A_108 = tpu.memref_slice %arg5[%mul3A_100, %dma_wait3A_107] : memref<4096x128xf32, #tpu.memory_space<hbm>> -> memref<1024x32xf32, #tpu.memory_space<hbm>>
          %dma_wait3A_109 = arith.constant 0 : i32
          %dma_wait3A_110 = arith.constant 0 : i32
          %dma_wait3A_111 = tpu.memref_slice %arg8[%dma_wait3A, %dma_wait3A_109, %dma_wait3A_110] : memref<2x1024x32xf32, #tpu.memory_space<vmem>> -> memref<1x1024x32xf32, #tpu.memory_space<vmem>>
          %dma_wait3A_112 = tpu.memref_squeeze %dma_wait3A_111 : memref<1x1024x32xf32, #tpu.memory_space<vmem>> -> memref<1024x32xf32, #tpu.memory_space<vmem>>
          tpu.wait_dma2 semaphore(%arg11 : memref<!tpu.dma_semaphore, #tpu.memory_space<semaphore_mem>>) src(%dma_wait3A_112 : memref<1024x32xf32, #tpu.memory_space<vmem>>) dst(%dma_wait3A_108 : memref<1024x32xf32, #tpu.memory_space<hbm>>)
        } else {
        }
      } else {
      }
      %add3A_64 = arith.constant 1 : i32
      %add3A_65 = arith.addi %add3A_58, %add3A_64 : i32
      %lt3A_66 = arith.constant 25 : i32
      %lt3A_67 = arith.cmpi slt, %add3A_65, %lt3A_66 : i32
      %lt3A_68 = arith.constant 26 : i32
      %lt3A_69 = arith.cmpi slt, %add3A_65, %lt3A_68 : i32
      %lt3A_70 = arith.constant 4 : i32
      %lt3A_71 = arith.cmpi slt, %add3A, %lt3A_70 : i32
      %and3A_72 = arith.andi %lt3A_69, %lt3A_71 : i1
      %or3A_73 = arith.ori %lt3A_67, %and3A_72 : i1
      %convert_element_type3A_74 = arith.extui %or3A_73 : i1 to i32
      %cond3A_75 = arith.constant 0 : i32
      %cond3A_76 = arith.cmpi ne, %convert_element_type3A_74, %cond3A_75 : i32
      scf.if %cond3A_76 {
        %mul3A_88 = arith.constant 1024 : i32
        %mul3A_89 = arith.muli %add3A_65, %mul3A_88 : i32
        %dma_start3A = arith.constant 0 : i32
        %dma_start3A_90 = arith.constant 0 : i32
        %dma_start3A_91 = arith.constant 0 : i32
        %dma_start3A_92 = tpu.memref_slice %arg8[%dma_start3A, %dma_start3A_90, %dma_start3A_91] : memref<2x1024x32xf32, #tpu.memory_space<vmem>> -> memref<1x1024x32xf32, #tpu.memory_space<vmem>>
        %dma_start3A_93 = tpu.memref_squeeze %dma_start3A_92 : memref<1x1024x32xf32, #tpu.memory_space<vmem>> -> memref<1024x32xf32, #tpu.memory_space<vmem>>
        %dma_start3A_94 = tpu.memref_slice %arg7[%mul3A_89] : memref<26624xi32, #tpu.memory_space<vmem>> -> memref<1024xi32, #tpu.memory_space<vmem>>
        %dma_start3A_95 = arith.constant 0 : i32
        %dma_start3A_96 = arith.constant 0 : i32
        %dma_start3A_97 = tpu.memref_slice %arg4[%dma_start3A_95, %dma_start3A_96] : memref<1000000x32xf32, #tpu.memory_space<hbm>> -> memref<1000000x32xf32, #tpu.memory_space<hbm>>
        tpu.enqueue_indirect_dma source(%dma_start3A_97 : memref<1000000x32xf32, #tpu.memory_space<hbm>>) target(%dma_start3A_93 : memref<1024x32xf32, #tpu.memory_space<vmem>>) offsets(%dma_start3A_94 : memref<1024xi32, #tpu.memory_space<vmem>>) semaphore(%arg9 : memref<!tpu.dma_semaphore, #tpu.memory_space<semaphore_mem>>)
      } else {
      }
      %lt3A_77 = arith.constant 25 : i32
      %lt3A_78 = arith.cmpi slt, %add3A_58, %lt3A_77 : i32
      %lt3A_79 = arith.constant 26 : i32
      %lt3A_80 = arith.cmpi slt, %add3A_58, %lt3A_79 : i32
      %lt3A_81 = arith.constant 4 : i32
      %lt3A_82 = arith.cmpi slt, %add3A, %lt3A_81 : i32
      %and3A_83 = arith.andi %lt3A_80, %lt3A_82 : i1
      %or3A_84 = arith.ori %lt3A_78, %and3A_83 : i1
      %convert_element_type3A_85 = arith.extui %or3A_84 : i1 to i32
      %cond3A_86 = arith.constant 0 : i32
      %cond3A_87 = arith.cmpi ne, %convert_element_type3A_85, %cond3A_86 : i32
      scf.if %cond3A_87 {
        %mul3A_88 = arith.constant 1024 : i32
        %mul3A_89 = arith.muli %add3A_58, %mul3A_88 : i32
        %dma_wait3A = arith.constant 1 : i32
        %dma_wait3A_90 = arith.constant 0 : i32
        %dma_wait3A_91 = arith.constant 0 : i32
        %dma_wait3A_92 = tpu.memref_slice %arg8[%dma_wait3A, %dma_wait3A_90, %dma_wait3A_91] : memref<2x1024x32xf32, #tpu.memory_space<vmem>> -> memref<1x1024x32xf32, #tpu.memory_space<vmem>>
        %dma_wait3A_93 = tpu.memref_squeeze %dma_wait3A_92 : memref<1x1024x32xf32, #tpu.memory_space<vmem>> -> memref<1024x32xf32, #tpu.memory_space<vmem>>
        %dma_wait3A_94 = tpu.memref_slice %arg7[%mul3A_89] : memref<26624xi32, #tpu.memory_space<vmem>> -> memref<1024xi32, #tpu.memory_space<vmem>>
        %dma_wait3A_95 = arith.constant 0 : i32
        %dma_wait3A_96 = arith.constant 0 : i32
        %dma_wait3A_97 = tpu.memref_slice %arg4[%dma_wait3A_95, %dma_wait3A_96] : memref<1000000x32xf32, #tpu.memory_space<hbm>> -> memref<1000000x32xf32, #tpu.memory_space<hbm>>
        tpu.wait_indirect_dma semaphore(%arg10 : memref<!tpu.dma_semaphore, #tpu.memory_space<semaphore_mem>>) src(%dma_wait3A_97 : memref<1000000x32xf32, #tpu.memory_space<hbm>>) dst(%dma_wait3A_93 : memref<1024x32xf32, #tpu.memory_space<vmem>>)
        %scan3A_98 = arith.constant 0 : i32
        %scan3A_99 = arith.constant 0 : i32
        %scan3A_100 = arith.constant 64 : i32
        %scan3A_101 = arith.addi %scan3A_99, %scan3A_100 : i32
        %scan3A_102 = arith.constant 1 : i32
        scf.for %scan3A_114 = %scan3A_99 to %scan3A_101 step %scan3A_102  : i32 {
          %mul3A_115 = arith.constant 16 : i32
          %mul3A_116 = arith.muli %scan3A_114, %mul3A_115 : i32
          %add3A_117 = arith.constant 0 : i32
          %add3A_118 = arith.addi %mul3A_116, %add3A_117 : i32
          %get3A = arith.constant 1 : i32
          %get3A_119 = arith.index_cast %get3A : i32 to index
          %get3A_120 = arith.index_cast %add3A_118 : i32 to index
          %get3A_121 = arith.constant 0 : index
          %get3A_122 = tpu.vector_load %arg8[%get3A_119, %get3A_120, %get3A_121] {strides = array<i32>} : memref<2x1024x32xf32, #tpu.memory_space<vmem>>, vector<16xf32>,
          %add3A_123 = arith.addf %get3A_122, %get3A_122 : vector<16xf32>
          %exp3A = math.exp %add3A_123 : vector<16xf32>
          %add3A_124 = arith.constant 1.000000e+00 : f32
          %add3A_125 = vector.broadcast %add3A_124 : f32 to vector<16xf32>
          %add3A_126 = arith.addf %exp3A, %add3A_125 : vector<16xf32>
          %div3A = arith.constant 2.000000e+00 : f32
          %div3A_127 = vector.broadcast %div3A : f32 to vector<16xf32>
          %div3A_128 = arith.divf %div3A_127, %add3A_126 : vector<16xf32>
          %sub3A = arith.constant 1.000000e+00 : f32
          %sub3A_129 = vector.broadcast %sub3A : f32 to vector<16xf32>
          %sub3A_130 = arith.subf %sub3A_129, %div3A_128 : vector<16xf32>
          %swap3A = arith.constant 1 : i32
          %swap3A_131 = arith.index_cast %swap3A : i32 to index
          %swap3A_132 = arith.index_cast %add3A_118 : i32 to index
          %swap3A_133 = arith.constant 0 : index
          %swap3A_134 = tpu.vector_load %arg8[%swap3A_131, %swap3A_132, %swap3A_133] {strides = array<i32>} : memref<2x1024x32xf32, #tpu.memory_space<vmem>>, vector<16xf32>,
          tpu.vector_store %arg8[%swap3A_131, %swap3A_132, %swap3A_133], %sub3A_130 {strides = array<i32>} : memref<2x1024x32xf32, #tpu.memory_space<vmem>>, vector<16xf32>,
          %add3A_135 = arith.constant 0 : i32
          %add3A_136 = arith.addi %mul3A_116, %add3A_135 : i32
          %get3A_137 = arith.constant 1 : i32
          %get3A_138 = arith.index_cast %get3A_137 : i32 to index
          %get3A_139 = arith.index_cast %add3A_136 : i32 to index
          %get3A_140 = arith.constant 16 : index
          %get3A_141 = tpu.vector_load %arg8[%get3A_138, %get3A_139, %get3A_140] {strides = array<i32>} : memref<2x1024x32xf32, #tpu.memory_space<vmem>>, vector<16xf32>,
          %add3A_142 = arith.addf %get3A_141, %get3A_141 : vector<16xf32>
          %exp3A_143 = math.exp %add3A_142 : vector<16xf32>
          %add3A_144 = arith.constant 1.000000e+00 : f32
          %add3A_145 = vector.broadcast %add3A_144 : f32 to vector<16xf32>
          %add3A_146 = arith.addf %exp3A_143, %add3A_145 : vector<16xf32>
          %div3A_147 = arith.constant 2.000000e+00 : f32
          %div3A_148 = vector.broadcast %div3A_147 : f32 to vector<16xf32>
          %div3A_149 = arith.divf %div3A_148, %add3A_146 : vector<16xf32>
          %sub3A_150 = arith.constant 1.000000e+00 : f32
          %sub3A_151 = vector.broadcast %sub3A_150 : f32 to vector<16xf32>
          %sub3A_152 = arith.subf %sub3A_151, %div3A_149 : vector<16xf32>
          %swap3A_153 = arith.constant 1 : i32
          %swap3A_154 = arith.index_cast %swap3A_153 : i32 to index
          %swap3A_155 = arith.index_cast %add3A_136 : i32 to index
          %swap3A_156 = arith.constant 16 : index
          %swap3A_157 = tpu.vector_load %arg8[%swap3A_154, %swap3A_155, %swap3A_156] {strides = array<i32>} : memref<2x1024x32xf32, #tpu.memory_space<vmem>>, vector<16xf32>,
          tpu.vector_store %arg8[%swap3A_154, %swap3A_155, %swap3A_156], %sub3A_152 {strides = array<i32>} : memref<2x1024x32xf32, #tpu.memory_space<vmem>>, vector<16xf32>,
          %add3A_158 = arith.constant 1 : i32
          %add3A_159 = arith.addi %mul3A_116, %add3A_158 : i32
          %get3A_160 = arith.constant 1 : i32
          %get3A_161 = arith.index_cast %get3A_160 : i32 to index
          %get3A_162 = arith.index_cast %add3A_159 : i32 to index
          %get3A_163 = arith.constant 0 : index
          %get3A_164 = tpu.vector_load %arg8[%get3A_161, %get3A_162, %get3A_163] {strides = array<i32>} : memref<2x1024x32xf32, #tpu.memory_space<vmem>>, vector<16xf32>,
          %add3A_165 = arith.addf %get3A_164, %get3A_164 : vector<16xf32>
          %exp3A_166 = math.exp %add3A_165 : vector<16xf32>
          %add3A_167 = arith.constant 1.000000e+00 : f32
          %add3A_168 = vector.broadcast %add3A_167 : f32 to vector<16xf32>
          %add3A_169 = arith.addf %exp3A_166, %add3A_168 : vector<16xf32>
          %div3A_170 = arith.constant 2.000000e+00 : f32
          %div3A_171 = vector.broadcast %div3A_170 : f32 to vector<16xf32>
          %div3A_172 = arith.divf %div3A_171, %add3A_169 : vector<16xf32>
          %sub3A_173 = arith.constant 1.000000e+00 : f32
          %sub3A_174 = vector.broadcast %sub3A_173 : f32 to vector<16xf32>
          %sub3A_175 = arith.subf %sub3A_174, %div3A_172 : vector<16xf32>
          %swap3A_176 = arith.constant 1 : i32
          %swap3A_177 = arith.index_cast %swap3A_176 : i32 to index
          %swap3A_178 = arith.index_cast %add3A_159 : i32 to index
          %swap3A_179 = arith.constant 0 : index
          %swap3A_180 = tpu.vector_load %arg8[%swap3A_177, %swap3A_178, %swap3A_179] {strides = array<i32>} : memref<2x1024x32xf32, #tpu.memory_space<vmem>>, vector<16xf32>,
          tpu.vector_store %arg8[%swap3A_177, %swap3A_178, %swap3A_179], %sub3A_175 {strides = array<i32>} : memref<2x1024x32xf32, #tpu.memory_space<vmem>>, vector<16xf32>,
          %add3A_181 = arith.constant 1 : i32
          %add3A_182 = arith.addi %mul3A_116, %add3A_181 : i32
          %get3A_183 = arith.constant 1 : i32
          %get3A_184 = arith.index_cast %get3A_183 : i32 to index
          %get3A_185 = arith.index_cast %add3A_182 : i32 to index
          %get3A_186 = arith.constant 16 : index
          %get3A_187 = tpu.vector_load %arg8[%get3A_184, %get3A_185, %get3A_186] {strides = array<i32>} : memref<2x1024x32xf32, #tpu.memory_space<vmem>>, vector<16xf32>,
          %add3A_188 = arith.addf %get3A_187, %get3A_187 : vector<16xf32>
          %exp3A_189 = math.exp %add3A_188 : vector<16xf32>
          %add3A_190 = arith.constant 1.000000e+00 : f32
          %add3A_191 = vector.broadcast %add3A_190 : f32 to vector<16xf32>
          %add3A_192 = arith.addf %exp3A_189, %add3A_191 : vector<16xf32>
          %div3A_193 = arith.constant 2.000000e+00 : f32
          %div3A_194 = vector.broadcast %div3A_193 : f32 to vector<16xf32>
          %div3A_195 = arith.divf %div3A_194, %add3A_192 : vector<16xf32>
          %sub3A_196 = arith.constant 1.000000e+00 : f32
          %sub3A_197 = vector.broadcast %sub3A_196 : f32 to vector<16xf32>
          %sub3A_198 = arith.subf %sub3A_197, %div3A_195 : vector<16xf32>
          %swap3A_199 = arith.constant 1 : i32
          %swap3A_200 = arith.index_cast %swap3A_199 : i32 to index
          %swap3A_201 = arith.index_cast %add3A_182 : i32 to index
          %swap3A_202 = arith.constant 16 : index
          %swap3A_203 = tpu.vector_load %arg8[%swap3A_200, %swap3A_201, %swap3A_202] {strides = array<i32>} : memref<2x1024x32xf32, #tpu.memory_space<vmem>>, vector<16xf32>,
          tpu.vector_store %arg8[%swap3A_200, %swap3A_201, %swap3A_202], %sub3A_198 {strides = array<i32>} : memref<2x1024x32xf32, #tpu.memory_space<vmem>>, vector<16xf32>,
          %add3A_204 = arith.constant 2 : i32
          %add3A_205 = arith.addi %mul3A_116, %add3A_204 : i32
          %get3A_206 = arith.constant 1 : i32
          %get3A_207 = arith.index_cast %get3A_206 : i32 to index
          %get3A_208 = arith.index_cast %add3A_205 : i32 to index
          %get3A_209 = arith.constant 0 : index
          %get3A_210 = tpu.vector_load %arg8[%get3A_207, %get3A_208, %get3A_209] {strides = array<i32>} : memref<2x1024x32xf32, #tpu.memory_space<vmem>>, vector<16xf32>,
          %add3A_211 = arith.addf %get3A_210, %get3A_210 : vector<16xf32>
          %exp3A_212 = math.exp %add3A_211 : vector<16xf32>
          %add3A_213 = arith.constant 1.000000e+00 : f32
          %add3A_214 = vector.broadcast %add3A_213 : f32 to vector<16xf32>
          %add3A_215 = arith.addf %exp3A_212, %add3A_214 : vector<16xf32>
          %div3A_216 = arith.constant 2.000000e+00 : f32
          %div3A_217 = vector.broadcast %div3A_216 : f32 to vector<16xf32>
          %div3A_218 = arith.divf %div3A_217, %add3A_215 : vector<16xf32>
          %sub3A_219 = arith.constant 1.000000e+00 : f32
          %sub3A_220 = vector.broadcast %sub3A_219 : f32 to vector<16xf32>
          %sub3A_221 = arith.subf %sub3A_220, %div3A_218 : vector<16xf32>
          %swap3A_222 = arith.constant 1 : i32
          %swap3A_223 = arith.index_cast %swap3A_222 : i32 to index
          %swap3A_224 = arith.index_cast %add3A_205 : i32 to index
          %swap3A_225 = arith.constant 0 : index
          %swap3A_226 = tpu.vector_load %arg8[%swap3A_223, %swap3A_224, %swap3A_225] {strides = array<i32>} : memref<2x1024x32xf32, #tpu.memory_space<vmem>>, vector<16xf32>,
          tpu.vector_store %arg8[%swap3A_223, %swap3A_224, %swap3A_225], %sub3A_221 {strides = array<i32>} : memref<2x1024x32xf32, #tpu.memory_space<vmem>>, vector<16xf32>,
          %add3A_227 = arith.constant 2 : i32
          %add3A_228 = arith.addi %mul3A_116, %add3A_227 : i32
          %get3A_229 = arith.constant 1 : i32
          %get3A_230 = arith.index_cast %get3A_229 : i32 to index
          %get3A_231 = arith.index_cast %add3A_228 : i32 to index
          %get3A_232 = arith.constant 16 : index
          %get3A_233 = tpu.vector_load %arg8[%get3A_230, %get3A_231, %get3A_232] {strides = array<i32>} : memref<2x1024x32xf32, #tpu.memory_space<vmem>>, vector<16xf32>,
          %add3A_234 = arith.addf %get3A_233, %get3A_233 : vector<16xf32>
          %exp3A_235 = math.exp %add3A_234 : vector<16xf32>
          %add3A_236 = arith.constant 1.000000e+00 : f32
          %add3A_237 = vector.broadcast %add3A_236 : f32 to vector<16xf32>
          %add3A_238 = arith.addf %exp3A_235, %add3A_237 : vector<16xf32>
          %div3A_239 = arith.constant 2.000000e+00 : f32
          %div3A_240 = vector.broadcast %div3A_239 : f32 to vector<16xf32>
          %div3A_241 = arith.divf %div3A_240, %add3A_238 : vector<16xf32>
          %sub3A_242 = arith.constant 1.000000e+00 : f32
          %sub3A_243 = vector.broadcast %sub3A_242 : f32 to vector<16xf32>
          %sub3A_244 = arith.subf %sub3A_243, %div3A_241 : vector<16xf32>
          %swap3A_245 = arith.constant 1 : i32
          %swap3A_246 = arith.index_cast %swap3A_245 : i32 to index
          %swap3A_247 = arith.index_cast %add3A_228 : i32 to index
          %swap3A_248 = arith.constant 16 : index
          %swap3A_249 = tpu.vector_load %arg8[%swap3A_246, %swap3A_247, %swap3A_248] {strides = array<i32>} : memref<2x1024x32xf32, #tpu.memory_space<vmem>>, vector<16xf32>,
          tpu.vector_store %arg8[%swap3A_246, %swap3A_247, %swap3A_248], %sub3A_244 {strides = array<i32>} : memref<2x1024x32xf32, #tpu.memory_space<vmem>>, vector<16xf32>,
          %add3A_250 = arith.constant 3 : i32
          %add3A_251 = arith.addi %mul3A_116, %add3A_250 : i32
          %get3A_252 = arith.constant 1 : i32
          %get3A_253 = arith.index_cast %get3A_252 : i32 to index
          %get3A_254 = arith.index_cast %add3A_251 : i32 to index
          %get3A_255 = arith.constant 0 : index
          %get3A_256 = tpu.vector_load %arg8[%get3A_253, %get3A_254, %get3A_255] {strides = array<i32>} : memref<2x1024x32xf32, #tpu.memory_space<vmem>>, vector<16xf32>,
          %add3A_257 = arith.addf %get3A_256, %get3A_256 : vector<16xf32>
          %exp3A_258 = math.exp %add3A_257 : vector<16xf32>
          %add3A_259 = arith.constant 1.000000e+00 : f32
          %add3A_260 = vector.broadcast %add3A_259 : f32 to vector<16xf32>
          %add3A_261 = arith.addf %exp3A_258, %add3A_260 : vector<16xf32>
          %div3A_262 = arith.constant 2.000000e+00 : f32
          %div3A_263 = vector.broadcast %div3A_262 : f32 to vector<16xf32>
          %div3A_264 = arith.divf %div3A_263, %add3A_261 : vector<16xf32>
          %sub3A_265 = arith.constant 1.000000e+00 : f32
          %sub3A_266 = vector.broadcast %sub3A_265 : f32 to vector<16xf32>
          %sub3A_267 = arith.subf %sub3A_266, %div3A_264 : vector<16xf32>
          %swap3A_268 = arith.constant 1 : i32
          %swap3A_269 = arith.index_cast %swap3A_268 : i32 to index
          %swap3A_270 = arith.index_cast %add3A_251 : i32 to index
          %swap3A_271 = arith.constant 0 : index
          %swap3A_272 = tpu.vector_load %arg8[%swap3A_269, %swap3A_270, %swap3A_271] {strides = array<i32>} : memref<2x1024x32xf32, #tpu.memory_space<vmem>>, vector<16xf32>,
          tpu.vector_store %arg8[%swap3A_269, %swap3A_270, %swap3A_271], %sub3A_267 {strides = array<i32>} : memref<2x1024x32xf32, #tpu.memory_space<vmem>>, vector<16xf32>,
          %add3A_273 = arith.constant 3 : i32
          %add3A_274 = arith.addi %mul3A_116, %add3A_273 : i32
          %get3A_275 = arith.constant 1 : i32
          %get3A_276 = arith.index_cast %get3A_275 : i32 to index
          %get3A_277 = arith.index_cast %add3A_274 : i32 to index
          %get3A_278 = arith.constant 16 : index
          %get3A_279 = tpu.vector_load %arg8[%get3A_276, %get3A_277, %get3A_278] {strides = array<i32>} : memref<2x1024x32xf32, #tpu.memory_space<vmem>>, vector<16xf32>,
          %add3A_280 = arith.addf %get3A_279, %get3A_279 : vector<16xf32>
          %exp3A_281 = math.exp %add3A_280 : vector<16xf32>
          %add3A_282 = arith.constant 1.000000e+00 : f32
          %add3A_283 = vector.broadcast %add3A_282 : f32 to vector<16xf32>
          %add3A_284 = arith.addf %exp3A_281, %add3A_283 : vector<16xf32>
          %div3A_285 = arith.constant 2.000000e+00 : f32
          %div3A_286 = vector.broadcast %div3A_285 : f32 to vector<16xf32>
          %div3A_287 = arith.divf %div3A_286, %add3A_284 : vector<16xf32>
          %sub3A_288 = arith.constant 1.000000e+00 : f32
          %sub3A_289 = vector.broadcast %sub3A_288 : f32 to vector<16xf32>
          %sub3A_290 = arith.subf %sub3A_289, %div3A_287 : vector<16xf32>
          %swap3A_291 = arith.constant 1 : i32
          %swap3A_292 = arith.index_cast %swap3A_291 : i32 to index
          %swap3A_293 = arith.index_cast %add3A_274 : i32 to index
          %swap3A_294 = arith.constant 16 : index
          %swap3A_295 = tpu.vector_load %arg8[%swap3A_292, %swap3A_293, %swap3A_294] {strides = array<i32>} : memref<2x1024x32xf32, #tpu.memory_space<vmem>>, vector<16xf32>,
          tpu.vector_store %arg8[%swap3A_292, %swap3A_293, %swap3A_294], %sub3A_290 {strides = array<i32>} : memref<2x1024x32xf32, #tpu.memory_space<vmem>>, vector<16xf32>,
          %add3A_296 = arith.constant 4 : i32
          %add3A_297 = arith.addi %mul3A_116, %add3A_296 : i32
          %get3A_298 = arith.constant 1 : i32
          %get3A_299 = arith.index_cast %get3A_298 : i32 to index
          %get3A_300 = arith.index_cast %add3A_297 : i32 to index
          %get3A_301 = arith.constant 0 : index
          %get3A_302 = tpu.vector_load %arg8[%get3A_299, %get3A_300, %get3A_301] {strides = array<i32>} : memref<2x1024x32xf32, #tpu.memory_space<vmem>>, vector<16xf32>,
          %add3A_303 = arith.addf %get3A_302, %get3A_302 : vector<16xf32>
          %exp3A_304 = math.exp %add3A_303 : vector<16xf32>
          %add3A_305 = arith.constant 1.000000e+00 : f32
          %add3A_306 = vector.broadcast %add3A_305 : f32 to vector<16xf32>
          %add3A_307 = arith.addf %exp3A_304, %add3A_306 : vector<16xf32>
          %div3A_308 = arith.constant 2.000000e+00 : f32
          %div3A_309 = vector.broadcast %div3A_308 : f32 to vector<16xf32>
          %div3A_310 = arith.divf %div3A_309, %add3A_307 : vector<16xf32>
          %sub3A_311 = arith.constant 1.000000e+00 : f32
          %sub3A_312 = vector.broadcast %sub3A_311 : f32 to vector<16xf32>
          %sub3A_313 = arith.subf %sub3A_312, %div3A_310 : vector<16xf32>
          %swap3A_314 = arith.constant 1 : i32
          %swap3A_315 = arith.index_cast %swap3A_314 : i32 to index
          %swap3A_316 = arith.index_cast %add3A_297 : i32 to index
          %swap3A_317 = arith.constant 0 : index
          %swap3A_318 = tpu.vector_load %arg8[%swap3A_315, %swap3A_316, %swap3A_317] {strides = array<i32>} : memref<2x1024x32xf32, #tpu.memory_space<vmem>>, vector<16xf32>,
          tpu.vector_store %arg8[%swap3A_315, %swap3A_316, %swap3A_317], %sub3A_313 {strides = array<i32>} : memref<2x1024x32xf32, #tpu.memory_space<vmem>>, vector<16xf32>,
          %add3A_319 = arith.constant 4 : i32
          %add3A_320 = arith.addi %mul3A_116, %add3A_319 : i32
          %get3A_321 = arith.constant 1 : i32
          %get3A_322 = arith.index_cast %get3A_321 : i32 to index
          %get3A_323 = arith.index_cast %add3A_320 : i32 to index
          %get3A_324 = arith.constant 16 : index
          %get3A_325 = tpu.vector_load %arg8[%get3A_322, %get3A_323, %get3A_324] {strides = array<i32>} : memref<2x1024x32xf32, #tpu.memory_space<vmem>>, vector<16xf32>,
          %add3A_326 = arith.addf %get3A_325, %get3A_325 : vector<16xf32>
          %exp3A_327 = math.exp %add3A_326 : vector<16xf32>
          %add3A_328 = arith.constant 1.000000e+00 : f32
          %add3A_329 = vector.broadcast %add3A_328 : f32 to vector<16xf32>
          %add3A_330 = arith.addf %exp3A_327, %add3A_329 : vector<16xf32>
          %div3A_331 = arith.constant 2.000000e+00 : f32
          %div3A_332 = vector.broadcast %div3A_331 : f32 to vector<16xf32>
          %div3A_333 = arith.divf %div3A_332, %add3A_330 : vector<16xf32>
          %sub3A_334 = arith.constant 1.000000e+00 : f32
          %sub3A_335 = vector.broadcast %sub3A_334 : f32 to vector<16xf32>
          %sub3A_336 = arith.subf %sub3A_335, %div3A_333 : vector<16xf32>
          %swap3A_337 = arith.constant 1 : i32
          %swap3A_338 = arith.index_cast %swap3A_337 : i32 to index
          %swap3A_339 = arith.index_cast %add3A_320 : i32 to index
          %swap3A_340 = arith.constant 16 : index
          %swap3A_341 = tpu.vector_load %arg8[%swap3A_338, %swap3A_339, %swap3A_340] {strides = array<i32>} : memref<2x1024x32xf32, #tpu.memory_space<vmem>>, vector<16xf32>,
          tpu.vector_store %arg8[%swap3A_338, %swap3A_339, %swap3A_340], %sub3A_336 {strides = array<i32>} : memref<2x1024x32xf32, #tpu.memory_space<vmem>>, vector<16xf32>,
          %add3A_342 = arith.constant 5 : i32
          %add3A_343 = arith.addi %mul3A_116, %add3A_342 : i32
          %get3A_344 = arith.constant 1 : i32
          %get3A_345 = arith.index_cast %get3A_344 : i32 to index
          %get3A_346 = arith.index_cast %add3A_343 : i32 to index
          %get3A_347 = arith.constant 0 : index
          %get3A_348 = tpu.vector_load %arg8[%get3A_345, %get3A_346, %get3A_347] {strides = array<i32>} : memref<2x1024x32xf32, #tpu.memory_space<vmem>>, vector<16xf32>,
          %add3A_349 = arith.addf %get3A_348, %get3A_348 : vector<16xf32>
          %exp3A_350 = math.exp %add3A_349 : vector<16xf32>
          %add3A_351 = arith.constant 1.000000e+00 : f32
          %add3A_352 = vector.broadcast %add3A_351 : f32 to vector<16xf32>
          %add3A_353 = arith.addf %exp3A_350, %add3A_352 : vector<16xf32>
          %div3A_354 = arith.constant 2.000000e+00 : f32
          %div3A_355 = vector.broadcast %div3A_354 : f32 to vector<16xf32>
          %div3A_356 = arith.divf %div3A_355, %add3A_353 : vector<16xf32>
          %sub3A_357 = arith.constant 1.000000e+00 : f32
          %sub3A_358 = vector.broadcast %sub3A_357 : f32 to vector<16xf32>
          %sub3A_359 = arith.subf %sub3A_358, %div3A_356 : vector<16xf32>
          %swap3A_360 = arith.constant 1 : i32
          %swap3A_361 = arith.index_cast %swap3A_360 : i32 to index
          %swap3A_362 = arith.index_cast %add3A_343 : i32 to index
          %swap3A_363 = arith.constant 0 : index
          %swap3A_364 = tpu.vector_load %arg8[%swap3A_361, %swap3A_362, %swap3A_363] {strides = array<i32>} : memref<2x1024x32xf32, #tpu.memory_space<vmem>>, vector<16xf32>,
          tpu.vector_store %arg8[%swap3A_361, %swap3A_362, %swap3A_363], %sub3A_359 {strides = array<i32>} : memref<2x1024x32xf32, #tpu.memory_space<vmem>>, vector<16xf32>,
          %add3A_365 = arith.constant 5 : i32
          %add3A_366 = arith.addi %mul3A_116, %add3A_365 : i32
          %get3A_367 = arith.constant 1 : i32
          %get3A_368 = arith.index_cast %get3A_367 : i32 to index
          %get3A_369 = arith.index_cast %add3A_366 : i32 to index
          %get3A_370 = arith.constant 16 : index
          %get3A_371 = tpu.vector_load %arg8[%get3A_368, %get3A_369, %get3A_370] {strides = array<i32>} : memref<2x1024x32xf32, #tpu.memory_space<vmem>>, vector<16xf32>,
          %add3A_372 = arith.addf %get3A_371, %get3A_371 : vector<16xf32>
          %exp3A_373 = math.exp %add3A_372 : vector<16xf32>
          %add3A_374 = arith.constant 1.000000e+00 : f32
          %add3A_375 = vector.broadcast %add3A_374 : f32 to vector<16xf32>
          %add3A_376 = arith.addf %exp3A_373, %add3A_375 : vector<16xf32>
          %div3A_377 = arith.constant 2.000000e+00 : f32
          %div3A_378 = vector.broadcast %div3A_377 : f32 to vector<16xf32>
          %div3A_379 = arith.divf %div3A_378, %add3A_376 : vector<16xf32>
          %sub3A_380 = arith.constant 1.000000e+00 : f32
          %sub3A_381 = vector.broadcast %sub3A_380 : f32 to vector<16xf32>
          %sub3A_382 = arith.subf %sub3A_381, %div3A_379 : vector<16xf32>
          %swap3A_383 = arith.constant 1 : i32
          %swap3A_384 = arith.index_cast %swap3A_383 : i32 to index
          %swap3A_385 = arith.index_cast %add3A_366 : i32 to index
          %swap3A_386 = arith.constant 16 : index
          %swap3A_387 = tpu.vector_load %arg8[%swap3A_384, %swap3A_385, %swap3A_386] {strides = array<i32>} : memref<2x1024x32xf32, #tpu.memory_space<vmem>>, vector<16xf32>,
          tpu.vector_store %arg8[%swap3A_384, %swap3A_385, %swap3A_386], %sub3A_382 {strides = array<i32>} : memref<2x1024x32xf32, #tpu.memory_space<vmem>>, vector<16xf32>,
          %add3A_388 = arith.constant 6 : i32
          %add3A_389 = arith.addi %mul3A_116, %add3A_388 : i32
          %get3A_390 = arith.constant 1 : i32
          %get3A_391 = arith.index_cast %get3A_390 : i32 to index
          %get3A_392 = arith.index_cast %add3A_389 : i32 to index
          %get3A_393 = arith.constant 0 : index
          %get3A_394 = tpu.vector_load %arg8[%get3A_391, %get3A_392, %get3A_393] {strides = array<i32>} : memref<2x1024x32xf32, #tpu.memory_space<vmem>>, vector<16xf32>,
          %add3A_395 = arith.addf %get3A_394, %get3A_394 : vector<16xf32>
          %exp3A_396 = math.exp %add3A_395 : vector<16xf32>
          %add3A_397 = arith.constant 1.000000e+00 : f32
          %add3A_398 = vector.broadcast %add3A_397 : f32 to vector<16xf32>
          %add3A_399 = arith.addf %exp3A_396, %add3A_398 : vector<16xf32>
          %div3A_400 = arith.constant 2.000000e+00 : f32
          %div3A_401 = vector.broadcast %div3A_400 : f32 to vector<16xf32>
          %div3A_402 = arith.divf %div3A_401, %add3A_399 : vector<16xf32>
          %sub3A_403 = arith.constant 1.000000e+00 : f32
          %sub3A_404 = vector.broadcast %sub3A_403 : f32 to vector<16xf32>
          %sub3A_405 = arith.subf %sub3A_404, %div3A_402 : vector<16xf32>
          %swap3A_406 = arith.constant 1 : i32
          %swap3A_407 = arith.index_cast %swap3A_406 : i32 to index
          %swap3A_408 = arith.index_cast %add3A_389 : i32 to index
          %swap3A_409 = arith.constant 0 : index
          %swap3A_410 = tpu.vector_load %arg8[%swap3A_407, %swap3A_408, %swap3A_409] {strides = array<i32>} : memref<2x1024x32xf32, #tpu.memory_space<vmem>>, vector<16xf32>,
          tpu.vector_store %arg8[%swap3A_407, %swap3A_408, %swap3A_409], %sub3A_405 {strides = array<i32>} : memref<2x1024x32xf32, #tpu.memory_space<vmem>>, vector<16xf32>,
          %add3A_411 = arith.constant 6 : i32
          %add3A_412 = arith.addi %mul3A_116, %add3A_411 : i32
          %get3A_413 = arith.constant 1 : i32
          %get3A_414 = arith.index_cast %get3A_413 : i32 to index
          %get3A_415 = arith.index_cast %add3A_412 : i32 to index
          %get3A_416 = arith.constant 16 : index
          %get3A_417 = tpu.vector_load %arg8[%get3A_414, %get3A_415, %get3A_416] {strides = array<i32>} : memref<2x1024x32xf32, #tpu.memory_space<vmem>>, vector<16xf32>,
          %add3A_418 = arith.addf %get3A_417, %get3A_417 : vector<16xf32>
          %exp3A_419 = math.exp %add3A_418 : vector<16xf32>
          %add3A_420 = arith.constant 1.000000e+00 : f32
          %add3A_421 = vector.broadcast %add3A_420 : f32 to vector<16xf32>
          %add3A_422 = arith.addf %exp3A_419, %add3A_421 : vector<16xf32>
          %div3A_423 = arith.constant 2.000000e+00 : f32
          %div3A_424 = vector.broadcast %div3A_423 : f32 to vector<16xf32>
          %div3A_425 = arith.divf %div3A_424, %add3A_422 : vector<16xf32>
          %sub3A_426 = arith.constant 1.000000e+00 : f32
          %sub3A_427 = vector.broadcast %sub3A_426 : f32 to vector<16xf32>
          %sub3A_428 = arith.subf %sub3A_427, %div3A_425 : vector<16xf32>
          %swap3A_429 = arith.constant 1 : i32
          %swap3A_430 = arith.index_cast %swap3A_429 : i32 to index
          %swap3A_431 = arith.index_cast %add3A_412 : i32 to index
          %swap3A_432 = arith.constant 16 : index
          %swap3A_433 = tpu.vector_load %arg8[%swap3A_430, %swap3A_431, %swap3A_432] {strides = array<i32>} : memref<2x1024x32xf32, #tpu.memory_space<vmem>>, vector<16xf32>,
          tpu.vector_store %arg8[%swap3A_430, %swap3A_431, %swap3A_432], %sub3A_428 {strides = array<i32>} : memref<2x1024x32xf32, #tpu.memory_space<vmem>>, vector<16xf32>,
          %add3A_434 = arith.constant 7 : i32
          %add3A_435 = arith.addi %mul3A_116, %add3A_434 : i32
          %get3A_436 = arith.constant 1 : i32
          %get3A_437 = arith.index_cast %get3A_436 : i32 to index
          %get3A_438 = arith.index_cast %add3A_435 : i32 to index
          %get3A_439 = arith.constant 0 : index
          %get3A_440 = tpu.vector_load %arg8[%get3A_437, %get3A_438, %get3A_439] {strides = array<i32>} : memref<2x1024x32xf32, #tpu.memory_space<vmem>>, vector<16xf32>,
          %add3A_441 = arith.addf %get3A_440, %get3A_440 : vector<16xf32>
          %exp3A_442 = math.exp %add3A_441 : vector<16xf32>
          %add3A_443 = arith.constant 1.000000e+00 : f32
          %add3A_444 = vector.broadcast %add3A_443 : f32 to vector<16xf32>
          %add3A_445 = arith.addf %exp3A_442, %add3A_444 : vector<16xf32>
          %div3A_446 = arith.constant 2.000000e+00 : f32
          %div3A_447 = vector.broadcast %div3A_446 : f32 to vector<16xf32>
          %div3A_448 = arith.divf %div3A_447, %add3A_445 : vector<16xf32>
          %sub3A_449 = arith.constant 1.000000e+00 : f32
          %sub3A_450 = vector.broadcast %sub3A_449 : f32 to vector<16xf32>
          %sub3A_451 = arith.subf %sub3A_450, %div3A_448 : vector<16xf32>
          %swap3A_452 = arith.constant 1 : i32
          %swap3A_453 = arith.index_cast %swap3A_452 : i32 to index
          %swap3A_454 = arith.index_cast %add3A_435 : i32 to index
          %swap3A_455 = arith.constant 0 : index
          %swap3A_456 = tpu.vector_load %arg8[%swap3A_453, %swap3A_454, %swap3A_455] {strides = array<i32>} : memref<2x1024x32xf32, #tpu.memory_space<vmem>>, vector<16xf32>,
          tpu.vector_store %arg8[%swap3A_453, %swap3A_454, %swap3A_455], %sub3A_451 {strides = array<i32>} : memref<2x1024x32xf32, #tpu.memory_space<vmem>>, vector<16xf32>,
          %add3A_457 = arith.constant 7 : i32
          %add3A_458 = arith.addi %mul3A_116, %add3A_457 : i32
          %get3A_459 = arith.constant 1 : i32
          %get3A_460 = arith.index_cast %get3A_459 : i32 to index
          %get3A_461 = arith.index_cast %add3A_458 : i32 to index
          %get3A_462 = arith.constant 16 : index
          %get3A_463 = tpu.vector_load %arg8[%get3A_460, %get3A_461, %get3A_462] {strides = array<i32>} : memref<2x1024x32xf32, #tpu.memory_space<vmem>>, vector<16xf32>,
          %add3A_464 = arith.addf %get3A_463, %get3A_463 : vector<16xf32>
          %exp3A_465 = math.exp %add3A_464 : vector<16xf32>
          %add3A_466 = arith.constant 1.000000e+00 : f32
          %add3A_467 = vector.broadcast %add3A_466 : f32 to vector<16xf32>
          %add3A_468 = arith.addf %exp3A_465, %add3A_467 : vector<16xf32>
          %div3A_469 = arith.constant 2.000000e+00 : f32
          %div3A_470 = vector.broadcast %div3A_469 : f32 to vector<16xf32>
          %div3A_471 = arith.divf %div3A_470, %add3A_468 : vector<16xf32>
          %sub3A_472 = arith.constant 1.000000e+00 : f32
          %sub3A_473 = vector.broadcast %sub3A_472 : f32 to vector<16xf32>
          %sub3A_474 = arith.subf %sub3A_473, %div3A_471 : vector<16xf32>
          %swap3A_475 = arith.constant 1 : i32
          %swap3A_476 = arith.index_cast %swap3A_475 : i32 to index
          %swap3A_477 = arith.index_cast %add3A_458 : i32 to index
          %swap3A_478 = arith.constant 16 : index
          %swap3A_479 = tpu.vector_load %arg8[%swap3A_476, %swap3A_477, %swap3A_478] {strides = array<i32>} : memref<2x1024x32xf32, #tpu.memory_space<vmem>>, vector<16xf32>,
          tpu.vector_store %arg8[%swap3A_476, %swap3A_477, %swap3A_478], %sub3A_474 {strides = array<i32>} : memref<2x1024x32xf32, #tpu.memory_space<vmem>>, vector<16xf32>,
          %add3A_480 = arith.constant 8 : i32
          %add3A_481 = arith.addi %mul3A_116, %add3A_480 : i32
          %get3A_482 = arith.constant 1 : i32
          %get3A_483 = arith.index_cast %get3A_482 : i32 to index
          %get3A_484 = arith.index_cast %add3A_481 : i32 to index
          %get3A_485 = arith.constant 0 : index
          %get3A_486 = tpu.vector_load %arg8[%get3A_483, %get3A_484, %get3A_485] {strides = array<i32>} : memref<2x1024x32xf32, #tpu.memory_space<vmem>>, vector<16xf32>,
          %add3A_487 = arith.addf %get3A_486, %get3A_486 : vector<16xf32>
          %exp3A_488 = math.exp %add3A_487 : vector<16xf32>
          %add3A_489 = arith.constant 1.000000e+00 : f32
          %add3A_490 = vector.broadcast %add3A_489 : f32 to vector<16xf32>
          %add3A_491 = arith.addf %exp3A_488, %add3A_490 : vector<16xf32>
          %div3A_492 = arith.constant 2.000000e+00 : f32
          %div3A_493 = vector.broadcast %div3A_492 : f32 to vector<16xf32>
          %div3A_494 = arith.divf %div3A_493, %add3A_491 : vector<16xf32>
          %sub3A_495 = arith.constant 1.000000e+00 : f32
          %sub3A_496 = vector.broadcast %sub3A_495 : f32 to vector<16xf32>
          %sub3A_497 = arith.subf %sub3A_496, %div3A_494 : vector<16xf32>
          %swap3A_498 = arith.constant 1 : i32
          %swap3A_499 = arith.index_cast %swap3A_498 : i32 to index
          %swap3A_500 = arith.index_cast %add3A_481 : i32 to index
          %swap3A_501 = arith.constant 0 : index
          %swap3A_502 = tpu.vector_load %arg8[%swap3A_499, %swap3A_500, %swap3A_501] {strides = array<i32>} : memref<2x1024x32xf32, #tpu.memory_space<vmem>>, vector<16xf32>,
          tpu.vector_store %arg8[%swap3A_499, %swap3A_500, %swap3A_501], %sub3A_497 {strides = array<i32>} : memref<2x1024x32xf32, #tpu.memory_space<vmem>>, vector<16xf32>,
          %add3A_503 = arith.constant 8 : i32
          %add3A_504 = arith.addi %mul3A_116, %add3A_503 : i32
          %get3A_505 = arith.constant 1 : i32
          %get3A_506 = arith.index_cast %get3A_505 : i32 to index
          %get3A_507 = arith.index_cast %add3A_504 : i32 to index
          %get3A_508 = arith.constant 16 : index
          %get3A_509 = tpu.vector_load %arg8[%get3A_506, %get3A_507, %get3A_508] {strides = array<i32>} : memref<2x1024x32xf32, #tpu.memory_space<vmem>>, vector<16xf32>,
          %add3A_510 = arith.addf %get3A_509, %get3A_509 : vector<16xf32>
          %exp3A_511 = math.exp %add3A_510 : vector<16xf32>
          %add3A_512 = arith.constant 1.000000e+00 : f32
          %add3A_513 = vector.broadcast %add3A_512 : f32 to vector<16xf32>
          %add3A_514 = arith.addf %exp3A_511, %add3A_513 : vector<16xf32>
          %div3A_515 = arith.constant 2.000000e+00 : f32
          %div3A_516 = vector.broadcast %div3A_515 : f32 to vector<16xf32>
          %div3A_517 = arith.divf %div3A_516, %add3A_514 : vector<16xf32>
          %sub3A_518 = arith.constant 1.000000e+00 : f32
          %sub3A_519 = vector.broadcast %sub3A_518 : f32 to vector<16xf32>
          %sub3A_520 = arith.subf %sub3A_519, %div3A_517 : vector<16xf32>
          %swap3A_521 = arith.constant 1 : i32
          %swap3A_522 = arith.index_cast %swap3A_521 : i32 to index
          %swap3A_523 = arith.index_cast %add3A_504 : i32 to index
          %swap3A_524 = arith.constant 16 : index
          %swap3A_525 = tpu.vector_load %arg8[%swap3A_522, %swap3A_523, %swap3A_524] {strides = array<i32>} : memref<2x1024x32xf32, #tpu.memory_space<vmem>>, vector<16xf32>,
          tpu.vector_store %arg8[%swap3A_522, %swap3A_523, %swap3A_524], %sub3A_520 {strides = array<i32>} : memref<2x1024x32xf32, #tpu.memory_space<vmem>>, vector<16xf32>,
          %add3A_526 = arith.constant 9 : i32
          %add3A_527 = arith.addi %mul3A_116, %add3A_526 : i32
          %get3A_528 = arith.constant 1 : i32
          %get3A_529 = arith.index_cast %get3A_528 : i32 to index
          %get3A_530 = arith.index_cast %add3A_527 : i32 to index
          %get3A_531 = arith.constant 0 : index
          %get3A_532 = tpu.vector_load %arg8[%get3A_529, %get3A_530, %get3A_531] {strides = array<i32>} : memref<2x1024x32xf32, #tpu.memory_space<vmem>>, vector<16xf32>,
          %add3A_533 = arith.addf %get3A_532, %get3A_532 : vector<16xf32>
          %exp3A_534 = math.exp %add3A_533 : vector<16xf32>
          %add3A_535 = arith.constant 1.000000e+00 : f32
          %add3A_536 = vector.broadcast %add3A_535 : f32 to vector<16xf32>
          %add3A_537 = arith.addf %exp3A_534, %add3A_536 : vector<16xf32>
          %div3A_538 = arith.constant 2.000000e+00 : f32
          %div3A_539 = vector.broadcast %div3A_538 : f32 to vector<16xf32>
          %div3A_540 = arith.divf %div3A_539, %add3A_537 : vector<16xf32>
          %sub3A_541 = arith.constant 1.000000e+00 : f32
          %sub3A_542 = vector.broadcast %sub3A_541 : f32 to vector<16xf32>
          %sub3A_543 = arith.subf %sub3A_542, %div3A_540 : vector<16xf32>
          %swap3A_544 = arith.constant 1 : i32
          %swap3A_545 = arith.index_cast %swap3A_544 : i32 to index
          %swap3A_546 = arith.index_cast %add3A_527 : i32 to index
          %swap3A_547 = arith.constant 0 : index
          %swap3A_548 = tpu.vector_load %arg8[%swap3A_545, %swap3A_546, %swap3A_547] {strides = array<i32>} : memref<2x1024x32xf32, #tpu.memory_space<vmem>>, vector<16xf32>,
          tpu.vector_store %arg8[%swap3A_545, %swap3A_546, %swap3A_547], %sub3A_543 {strides = array<i32>} : memref<2x1024x32xf32, #tpu.memory_space<vmem>>, vector<16xf32>,
          %add3A_549 = arith.constant 9 : i32
          %add3A_550 = arith.addi %mul3A_116, %add3A_549 : i32
          %get3A_551 = arith.constant 1 : i32
          %get3A_552 = arith.index_cast %get3A_551 : i32 to index
          %get3A_553 = arith.index_cast %add3A_550 : i32 to index
          %get3A_554 = arith.constant 16 : index
          %get3A_555 = tpu.vector_load %arg8[%get3A_552, %get3A_553, %get3A_554] {strides = array<i32>} : memref<2x1024x32xf32, #tpu.memory_space<vmem>>, vector<16xf32>,
          %add3A_556 = arith.addf %get3A_555, %get3A_555 : vector<16xf32>
          %exp3A_557 = math.exp %add3A_556 : vector<16xf32>
          %add3A_558 = arith.constant 1.000000e+00 : f32
          %add3A_559 = vector.broadcast %add3A_558 : f32 to vector<16xf32>
          %add3A_560 = arith.addf %exp3A_557, %add3A_559 : vector<16xf32>
          %div3A_561 = arith.constant 2.000000e+00 : f32
          %div3A_562 = vector.broadcast %div3A_561 : f32 to vector<16xf32>
          %div3A_563 = arith.divf %div3A_562, %add3A_560 : vector<16xf32>
          %sub3A_564 = arith.constant 1.000000e+00 : f32
          %sub3A_565 = vector.broadcast %sub3A_564 : f32 to vector<16xf32>
          %sub3A_566 = arith.subf %sub3A_565, %div3A_563 : vector<16xf32>
          %swap3A_567 = arith.constant 1 : i32
          %swap3A_568 = arith.index_cast %swap3A_567 : i32 to index
          %swap3A_569 = arith.index_cast %add3A_550 : i32 to index
          %swap3A_570 = arith.constant 16 : index
          %swap3A_571 = tpu.vector_load %arg8[%swap3A_568, %swap3A_569, %swap3A_570] {strides = array<i32>} : memref<2x1024x32xf32, #tpu.memory_space<vmem>>, vector<16xf32>,
          tpu.vector_store %arg8[%swap3A_568, %swap3A_569, %swap3A_570], %sub3A_566 {strides = array<i32>} : memref<2x1024x32xf32, #tpu.memory_space<vmem>>, vector<16xf32>,
          %add3A_572 = arith.constant 10 : i32
          %add3A_573 = arith.addi %mul3A_116, %add3A_572 : i32
          %get3A_574 = arith.constant 1 : i32
          %get3A_575 = arith.index_cast %get3A_574 : i32 to index
          %get3A_576 = arith.index_cast %add3A_573 : i32 to index
          %get3A_577 = arith.constant 0 : index
          %get3A_578 = tpu.vector_load %arg8[%get3A_575, %get3A_576, %get3A_577] {strides = array<i32>} : memref<2x1024x32xf32, #tpu.memory_space<vmem>>, vector<16xf32>,
          %add3A_579 = arith.addf %get3A_578, %get3A_578 : vector<16xf32>
          %exp3A_580 = math.exp %add3A_579 : vector<16xf32>
          %add3A_581 = arith.constant 1.000000e+00 : f32
          %add3A_582 = vector.broadcast %add3A_581 : f32 to vector<16xf32>
          %add3A_583 = arith.addf %exp3A_580, %add3A_582 : vector<16xf32>
          %div3A_584 = arith.constant 2.000000e+00 : f32
          %div3A_585 = vector.broadcast %div3A_584 : f32 to vector<16xf32>
          %div3A_586 = arith.divf %div3A_585, %add3A_583 : vector<16xf32>
          %sub3A_587 = arith.constant 1.000000e+00 : f32
          %sub3A_588 = vector.broadcast %sub3A_587 : f32 to vector<16xf32>
          %sub3A_589 = arith.subf %sub3A_588, %div3A_586 : vector<16xf32>
          %swap3A_590 = arith.constant 1 : i32
          %swap3A_591 = arith.index_cast %swap3A_590 : i32 to index
          %swap3A_592 = arith.index_cast %add3A_573 : i32 to index
          %swap3A_593 = arith.constant 0 : index
          %swap3A_594 = tpu.vector_load %arg8[%swap3A_591, %swap3A_592, %swap3A_593] {strides = array<i32>} : memref<2x1024x32xf32, #tpu.memory_space<vmem>>, vector<16xf32>,
          tpu.vector_store %arg8[%swap3A_591, %swap3A_592, %swap3A_593], %sub3A_589 {strides = array<i32>} : memref<2x1024x32xf32, #tpu.memory_space<vmem>>, vector<16xf32>,
          %add3A_595 = arith.constant 10 : i32
          %add3A_596 = arith.addi %mul3A_116, %add3A_595 : i32
          %get3A_597 = arith.constant 1 : i32
          %get3A_598 = arith.index_cast %get3A_597 : i32 to index
          %get3A_599 = arith.index_cast %add3A_596 : i32 to index
          %get3A_600 = arith.constant 16 : index
          %get3A_601 = tpu.vector_load %arg8[%get3A_598, %get3A_599, %get3A_600] {strides = array<i32>} : memref<2x1024x32xf32, #tpu.memory_space<vmem>>, vector<16xf32>,
          %add3A_602 = arith.addf %get3A_601, %get3A_601 : vector<16xf32>
          %exp3A_603 = math.exp %add3A_602 : vector<16xf32>
          %add3A_604 = arith.constant 1.000000e+00 : f32
          %add3A_605 = vector.broadcast %add3A_604 : f32 to vector<16xf32>
          %add3A_606 = arith.addf %exp3A_603, %add3A_605 : vector<16xf32>
          %div3A_607 = arith.constant 2.000000e+00 : f32
          %div3A_608 = vector.broadcast %div3A_607 : f32 to vector<16xf32>
          %div3A_609 = arith.divf %div3A_608, %add3A_606 : vector<16xf32>
          %sub3A_610 = arith.constant 1.000000e+00 : f32
          %sub3A_611 = vector.broadcast %sub3A_610 : f32 to vector<16xf32>
          %sub3A_612 = arith.subf %sub3A_611, %div3A_609 : vector<16xf32>
          %swap3A_613 = arith.constant 1 : i32
          %swap3A_614 = arith.index_cast %swap3A_613 : i32 to index
          %swap3A_615 = arith.index_cast %add3A_596 : i32 to index
          %swap3A_616 = arith.constant 16 : index
          %swap3A_617 = tpu.vector_load %arg8[%swap3A_614, %swap3A_615, %swap3A_616] {strides = array<i32>} : memref<2x1024x32xf32, #tpu.memory_space<vmem>>, vector<16xf32>,
          tpu.vector_store %arg8[%swap3A_614, %swap3A_615, %swap3A_616], %sub3A_612 {strides = array<i32>} : memref<2x1024x32xf32, #tpu.memory_space<vmem>>, vector<16xf32>,
          %add3A_618 = arith.constant 11 : i32
          %add3A_619 = arith.addi %mul3A_116, %add3A_618 : i32
          %get3A_620 = arith.constant 1 : i32
          %get3A_621 = arith.index_cast %get3A_620 : i32 to index
          %get3A_622 = arith.index_cast %add3A_619 : i32 to index
          %get3A_623 = arith.constant 0 : index
          %get3A_624 = tpu.vector_load %arg8[%get3A_621, %get3A_622, %get3A_623] {strides = array<i32>} : memref<2x1024x32xf32, #tpu.memory_space<vmem>>, vector<16xf32>,
          %add3A_625 = arith.addf %get3A_624, %get3A_624 : vector<16xf32>
          %exp3A_626 = math.exp %add3A_625 : vector<16xf32>
          %add3A_627 = arith.constant 1.000000e+00 : f32
          %add3A_628 = vector.broadcast %add3A_627 : f32 to vector<16xf32>
          %add3A_629 = arith.addf %exp3A_626, %add3A_628 : vector<16xf32>
          %div3A_630 = arith.constant 2.000000e+00 : f32
          %div3A_631 = vector.broadcast %div3A_630 : f32 to vector<16xf32>
          %div3A_632 = arith.divf %div3A_631, %add3A_629 : vector<16xf32>
          %sub3A_633 = arith.constant 1.000000e+00 : f32
          %sub3A_634 = vector.broadcast %sub3A_633 : f32 to vector<16xf32>
          %sub3A_635 = arith.subf %sub3A_634, %div3A_632 : vector<16xf32>
          %swap3A_636 = arith.constant 1 : i32
          %swap3A_637 = arith.index_cast %swap3A_636 : i32 to index
          %swap3A_638 = arith.index_cast %add3A_619 : i32 to index
          %swap3A_639 = arith.constant 0 : index
          %swap3A_640 = tpu.vector_load %arg8[%swap3A_637, %swap3A_638, %swap3A_639] {strides = array<i32>} : memref<2x1024x32xf32, #tpu.memory_space<vmem>>, vector<16xf32>,
          tpu.vector_store %arg8[%swap3A_637, %swap3A_638, %swap3A_639], %sub3A_635 {strides = array<i32>} : memref<2x1024x32xf32, #tpu.memory_space<vmem>>, vector<16xf32>,
          %add3A_641 = arith.constant 11 : i32
          %add3A_642 = arith.addi %mul3A_116, %add3A_641 : i32
          %get3A_643 = arith.constant 1 : i32
          %get3A_644 = arith.index_cast %get3A_643 : i32 to index
          %get3A_645 = arith.index_cast %add3A_642 : i32 to index
          %get3A_646 = arith.constant 16 : index
          %get3A_647 = tpu.vector_load %arg8[%get3A_644, %get3A_645, %get3A_646] {strides = array<i32>} : memref<2x1024x32xf32, #tpu.memory_space<vmem>>, vector<16xf32>,
          %add3A_648 = arith.addf %get3A_647, %get3A_647 : vector<16xf32>
          %exp3A_649 = math.exp %add3A_648 : vector<16xf32>
          %add3A_650 = arith.constant 1.000000e+00 : f32
          %add3A_651 = vector.broadcast %add3A_650 : f32 to vector<16xf32>
          %add3A_652 = arith.addf %exp3A_649, %add3A_651 : vector<16xf32>
          %div3A_653 = arith.constant 2.000000e+00 : f32
          %div3A_654 = vector.broadcast %div3A_653 : f32 to vector<16xf32>
          %div3A_655 = arith.divf %div3A_654, %add3A_652 : vector<16xf32>
          %sub3A_656 = arith.constant 1.000000e+00 : f32
          %sub3A_657 = vector.broadcast %sub3A_656 : f32 to vector<16xf32>
          %sub3A_658 = arith.subf %sub3A_657, %div3A_655 : vector<16xf32>
          %swap3A_659 = arith.constant 1 : i32
          %swap3A_660 = arith.index_cast %swap3A_659 : i32 to index
          %swap3A_661 = arith.index_cast %add3A_642 : i32 to index
          %swap3A_662 = arith.constant 16 : index
          %swap3A_663 = tpu.vector_load %arg8[%swap3A_660, %swap3A_661, %swap3A_662] {strides = array<i32>} : memref<2x1024x32xf32, #tpu.memory_space<vmem>>, vector<16xf32>,
          tpu.vector_store %arg8[%swap3A_660, %swap3A_661, %swap3A_662], %sub3A_658 {strides = array<i32>} : memref<2x1024x32xf32, #tpu.memory_space<vmem>>, vector<16xf32>,
          %add3A_664 = arith.constant 12 : i32
          %add3A_665 = arith.addi %mul3A_116, %add3A_664 : i32
          %get3A_666 = arith.constant 1 : i32
          %get3A_667 = arith.index_cast %get3A_666 : i32 to index
          %get3A_668 = arith.index_cast %add3A_665 : i32 to index
          %get3A_669 = arith.constant 0 : index
          %get3A_670 = tpu.vector_load %arg8[%get3A_667, %get3A_668, %get3A_669] {strides = array<i32>} : memref<2x1024x32xf32, #tpu.memory_space<vmem>>, vector<16xf32>,
          %add3A_671 = arith.addf %get3A_670, %get3A_670 : vector<16xf32>
          %exp3A_672 = math.exp %add3A_671 : vector<16xf32>
          %add3A_673 = arith.constant 1.000000e+00 : f32
          %add3A_674 = vector.broadcast %add3A_673 : f32 to vector<16xf32>
          %add3A_675 = arith.addf %exp3A_672, %add3A_674 : vector<16xf32>
          %div3A_676 = arith.constant 2.000000e+00 : f32
          %div3A_677 = vector.broadcast %div3A_676 : f32 to vector<16xf32>
          %div3A_678 = arith.divf %div3A_677, %add3A_675 : vector<16xf32>
          %sub3A_679 = arith.constant 1.000000e+00 : f32
          %sub3A_680 = vector.broadcast %sub3A_679 : f32 to vector<16xf32>
          %sub3A_681 = arith.subf %sub3A_680, %div3A_678 : vector<16xf32>
          %swap3A_682 = arith.constant 1 : i32
          %swap3A_683 = arith.index_cast %swap3A_682 : i32 to index
          %swap3A_684 = arith.index_cast %add3A_665 : i32 to index
          %swap3A_685 = arith.constant 0 : index
          %swap3A_686 = tpu.vector_load %arg8[%swap3A_683, %swap3A_684, %swap3A_685] {strides = array<i32>} : memref<2x1024x32xf32, #tpu.memory_space<vmem>>, vector<16xf32>,
          tpu.vector_store %arg8[%swap3A_683, %swap3A_684, %swap3A_685], %sub3A_681 {strides = array<i32>} : memref<2x1024x32xf32, #tpu.memory_space<vmem>>, vector<16xf32>,
          %add3A_687 = arith.constant 12 : i32
          %add3A_688 = arith.addi %mul3A_116, %add3A_687 : i32
          %get3A_689 = arith.constant 1 : i32
          %get3A_690 = arith.index_cast %get3A_689 : i32 to index
          %get3A_691 = arith.index_cast %add3A_688 : i32 to index
          %get3A_692 = arith.constant 16 : index
          %get3A_693 = tpu.vector_load %arg8[%get3A_690, %get3A_691, %get3A_692] {strides = array<i32>} : memref<2x1024x32xf32, #tpu.memory_space<vmem>>, vector<16xf32>,
          %add3A_694 = arith.addf %get3A_693, %get3A_693 : vector<16xf32>
          %exp3A_695 = math.exp %add3A_694 : vector<16xf32>
          %add3A_696 = arith.constant 1.000000e+00 : f32
          %add3A_697 = vector.broadcast %add3A_696 : f32 to vector<16xf32>
          %add3A_698 = arith.addf %exp3A_695, %add3A_697 : vector<16xf32>
          %div3A_699 = arith.constant 2.000000e+00 : f32
          %div3A_700 = vector.broadcast %div3A_699 : f32 to vector<16xf32>
          %div3A_701 = arith.divf %div3A_700, %add3A_698 : vector<16xf32>
          %sub3A_702 = arith.constant 1.000000e+00 : f32
          %sub3A_703 = vector.broadcast %sub3A_702 : f32 to vector<16xf32>
          %sub3A_704 = arith.subf %sub3A_703, %div3A_701 : vector<16xf32>
          %swap3A_705 = arith.constant 1 : i32
          %swap3A_706 = arith.index_cast %swap3A_705 : i32 to index
          %swap3A_707 = arith.index_cast %add3A_688 : i32 to index
          %swap3A_708 = arith.constant 16 : index
          %swap3A_709 = tpu.vector_load %arg8[%swap3A_706, %swap3A_707, %swap3A_708] {strides = array<i32>} : memref<2x1024x32xf32, #tpu.memory_space<vmem>>, vector<16xf32>,
          tpu.vector_store %arg8[%swap3A_706, %swap3A_707, %swap3A_708], %sub3A_704 {strides = array<i32>} : memref<2x1024x32xf32, #tpu.memory_space<vmem>>, vector<16xf32>,
          %add3A_710 = arith.constant 13 : i32
          %add3A_711 = arith.addi %mul3A_116, %add3A_710 : i32
          %get3A_712 = arith.constant 1 : i32
          %get3A_713 = arith.index_cast %get3A_712 : i32 to index
          %get3A_714 = arith.index_cast %add3A_711 : i32 to index
          %get3A_715 = arith.constant 0 : index
          %get3A_716 = tpu.vector_load %arg8[%get3A_713, %get3A_714, %get3A_715] {strides = array<i32>} : memref<2x1024x32xf32, #tpu.memory_space<vmem>>, vector<16xf32>,
          %add3A_717 = arith.addf %get3A_716, %get3A_716 : vector<16xf32>
          %exp3A_718 = math.exp %add3A_717 : vector<16xf32>
          %add3A_719 = arith.constant 1.000000e+00 : f32
          %add3A_720 = vector.broadcast %add3A_719 : f32 to vector<16xf32>
          %add3A_721 = arith.addf %exp3A_718, %add3A_720 : vector<16xf32>
          %div3A_722 = arith.constant 2.000000e+00 : f32
          %div3A_723 = vector.broadcast %div3A_722 : f32 to vector<16xf32>
          %div3A_724 = arith.divf %div3A_723, %add3A_721 : vector<16xf32>
          %sub3A_725 = arith.constant 1.000000e+00 : f32
          %sub3A_726 = vector.broadcast %sub3A_725 : f32 to vector<16xf32>
          %sub3A_727 = arith.subf %sub3A_726, %div3A_724 : vector<16xf32>
          %swap3A_728 = arith.constant 1 : i32
          %swap3A_729 = arith.index_cast %swap3A_728 : i32 to index
          %swap3A_730 = arith.index_cast %add3A_711 : i32 to index
          %swap3A_731 = arith.constant 0 : index
          %swap3A_732 = tpu.vector_load %arg8[%swap3A_729, %swap3A_730, %swap3A_731] {strides = array<i32>} : memref<2x1024x32xf32, #tpu.memory_space<vmem>>, vector<16xf32>,
          tpu.vector_store %arg8[%swap3A_729, %swap3A_730, %swap3A_731], %sub3A_727 {strides = array<i32>} : memref<2x1024x32xf32, #tpu.memory_space<vmem>>, vector<16xf32>,
          %add3A_733 = arith.constant 13 : i32
          %add3A_734 = arith.addi %mul3A_116, %add3A_733 : i32
          %get3A_735 = arith.constant 1 : i32
          %get3A_736 = arith.index_cast %get3A_735 : i32 to index
          %get3A_737 = arith.index_cast %add3A_734 : i32 to index
          %get3A_738 = arith.constant 16 : index
          %get3A_739 = tpu.vector_load %arg8[%get3A_736, %get3A_737, %get3A_738] {strides = array<i32>} : memref<2x1024x32xf32, #tpu.memory_space<vmem>>, vector<16xf32>,
          %add3A_740 = arith.addf %get3A_739, %get3A_739 : vector<16xf32>
          %exp3A_741 = math.exp %add3A_740 : vector<16xf32>
          %add3A_742 = arith.constant 1.000000e+00 : f32
          %add3A_743 = vector.broadcast %add3A_742 : f32 to vector<16xf32>
          %add3A_744 = arith.addf %exp3A_741, %add3A_743 : vector<16xf32>
          %div3A_745 = arith.constant 2.000000e+00 : f32
          %div3A_746 = vector.broadcast %div3A_745 : f32 to vector<16xf32>
          %div3A_747 = arith.divf %div3A_746, %add3A_744 : vector<16xf32>
          %sub3A_748 = arith.constant 1.000000e+00 : f32
          %sub3A_749 = vector.broadcast %sub3A_748 : f32 to vector<16xf32>
          %sub3A_750 = arith.subf %sub3A_749, %div3A_747 : vector<16xf32>
          %swap3A_751 = arith.constant 1 : i32
          %swap3A_752 = arith.index_cast %swap3A_751 : i32 to index
          %swap3A_753 = arith.index_cast %add3A_734 : i32 to index
          %swap3A_754 = arith.constant 16 : index
          %swap3A_755 = tpu.vector_load %arg8[%swap3A_752, %swap3A_753, %swap3A_754] {strides = array<i32>} : memref<2x1024x32xf32, #tpu.memory_space<vmem>>, vector<16xf32>,
          tpu.vector_store %arg8[%swap3A_752, %swap3A_753, %swap3A_754], %sub3A_750 {strides = array<i32>} : memref<2x1024x32xf32, #tpu.memory_space<vmem>>, vector<16xf32>,
          %add3A_756 = arith.constant 14 : i32
          %add3A_757 = arith.addi %mul3A_116, %add3A_756 : i32
          %get3A_758 = arith.constant 1 : i32
          %get3A_759 = arith.index_cast %get3A_758 : i32 to index
          %get3A_760 = arith.index_cast %add3A_757 : i32 to index
          %get3A_761 = arith.constant 0 : index
          %get3A_762 = tpu.vector_load %arg8[%get3A_759, %get3A_760, %get3A_761] {strides = array<i32>} : memref<2x1024x32xf32, #tpu.memory_space<vmem>>, vector<16xf32>,
          %add3A_763 = arith.addf %get3A_762, %get3A_762 : vector<16xf32>
          %exp3A_764 = math.exp %add3A_763 : vector<16xf32>
          %add3A_765 = arith.constant 1.000000e+00 : f32
          %add3A_766 = vector.broadcast %add3A_765 : f32 to vector<16xf32>
          %add3A_767 = arith.addf %exp3A_764, %add3A_766 : vector<16xf32>
          %div3A_768 = arith.constant 2.000000e+00 : f32
          %div3A_769 = vector.broadcast %div3A_768 : f32 to vector<16xf32>
          %div3A_770 = arith.divf %div3A_769, %add3A_767 : vector<16xf32>
          %sub3A_771 = arith.constant 1.000000e+00 : f32
          %sub3A_772 = vector.broadcast %sub3A_771 : f32 to vector<16xf32>
          %sub3A_773 = arith.subf %sub3A_772, %div3A_770 : vector<16xf32>
          %swap3A_774 = arith.constant 1 : i32
          %swap3A_775 = arith.index_cast %swap3A_774 : i32 to index
          %swap3A_776 = arith.index_cast %add3A_757 : i32 to index
          %swap3A_777 = arith.constant 0 : index
          %swap3A_778 = tpu.vector_load %arg8[%swap3A_775, %swap3A_776, %swap3A_777] {strides = array<i32>} : memref<2x1024x32xf32, #tpu.memory_space<vmem>>, vector<16xf32>,
          tpu.vector_store %arg8[%swap3A_775, %swap3A_776, %swap3A_777], %sub3A_773 {strides = array<i32>} : memref<2x1024x32xf32, #tpu.memory_space<vmem>>, vector<16xf32>,
          %add3A_779 = arith.constant 14 : i32
          %add3A_780 = arith.addi %mul3A_116, %add3A_779 : i32
          %get3A_781 = arith.constant 1 : i32
          %get3A_782 = arith.index_cast %get3A_781 : i32 to index
          %get3A_783 = arith.index_cast %add3A_780 : i32 to index
          %get3A_784 = arith.constant 16 : index
          %get3A_785 = tpu.vector_load %arg8[%get3A_782, %get3A_783, %get3A_784] {strides = array<i32>} : memref<2x1024x32xf32, #tpu.memory_space<vmem>>, vector<16xf32>,
          %add3A_786 = arith.addf %get3A_785, %get3A_785 : vector<16xf32>
          %exp3A_787 = math.exp %add3A_786 : vector<16xf32>
          %add3A_788 = arith.constant 1.000000e+00 : f32
          %add3A_789 = vector.broadcast %add3A_788 : f32 to vector<16xf32>
          %add3A_790 = arith.addf %exp3A_787, %add3A_789 : vector<16xf32>
          %div3A_791 = arith.constant 2.000000e+00 : f32
          %div3A_792 = vector.broadcast %div3A_791 : f32 to vector<16xf32>
          %div3A_793 = arith.divf %div3A_792, %add3A_790 : vector<16xf32>
          %sub3A_794 = arith.constant 1.000000e+00 : f32
          %sub3A_795 = vector.broadcast %sub3A_794 : f32 to vector<16xf32>
          %sub3A_796 = arith.subf %sub3A_795, %div3A_793 : vector<16xf32>
          %swap3A_797 = arith.constant 1 : i32
          %swap3A_798 = arith.index_cast %swap3A_797 : i32 to index
          %swap3A_799 = arith.index_cast %add3A_780 : i32 to index
          %swap3A_800 = arith.constant 16 : index
          %swap3A_801 = tpu.vector_load %arg8[%swap3A_798, %swap3A_799, %swap3A_800] {strides = array<i32>} : memref<2x1024x32xf32, #tpu.memory_space<vmem>>, vector<16xf32>,
          tpu.vector_store %arg8[%swap3A_798, %swap3A_799, %swap3A_800], %sub3A_796 {strides = array<i32>} : memref<2x1024x32xf32, #tpu.memory_space<vmem>>, vector<16xf32>,
          %add3A_802 = arith.constant 15 : i32
          %add3A_803 = arith.addi %mul3A_116, %add3A_802 : i32
          %get3A_804 = arith.constant 1 : i32
          %get3A_805 = arith.index_cast %get3A_804 : i32 to index
          %get3A_806 = arith.index_cast %add3A_803 : i32 to index
          %get3A_807 = arith.constant 0 : index
          %get3A_808 = tpu.vector_load %arg8[%get3A_805, %get3A_806, %get3A_807] {strides = array<i32>} : memref<2x1024x32xf32, #tpu.memory_space<vmem>>, vector<16xf32>,
          %add3A_809 = arith.addf %get3A_808, %get3A_808 : vector<16xf32>
          %exp3A_810 = math.exp %add3A_809 : vector<16xf32>
          %add3A_811 = arith.constant 1.000000e+00 : f32
          %add3A_812 = vector.broadcast %add3A_811 : f32 to vector<16xf32>
          %add3A_813 = arith.addf %exp3A_810, %add3A_812 : vector<16xf32>
          %div3A_814 = arith.constant 2.000000e+00 : f32
          %div3A_815 = vector.broadcast %div3A_814 : f32 to vector<16xf32>
          %div3A_816 = arith.divf %div3A_815, %add3A_813 : vector<16xf32>
          %sub3A_817 = arith.constant 1.000000e+00 : f32
          %sub3A_818 = vector.broadcast %sub3A_817 : f32 to vector<16xf32>
          %sub3A_819 = arith.subf %sub3A_818, %div3A_816 : vector<16xf32>
          %swap3A_820 = arith.constant 1 : i32
          %swap3A_821 = arith.index_cast %swap3A_820 : i32 to index
          %swap3A_822 = arith.index_cast %add3A_803 : i32 to index
          %swap3A_823 = arith.constant 0 : index
          %swap3A_824 = tpu.vector_load %arg8[%swap3A_821, %swap3A_822, %swap3A_823] {strides = array<i32>} : memref<2x1024x32xf32, #tpu.memory_space<vmem>>, vector<16xf32>,
          tpu.vector_store %arg8[%swap3A_821, %swap3A_822, %swap3A_823], %sub3A_819 {strides = array<i32>} : memref<2x1024x32xf32, #tpu.memory_space<vmem>>, vector<16xf32>,
          %add3A_825 = arith.constant 15 : i32
          %add3A_826 = arith.addi %mul3A_116, %add3A_825 : i32
          %get3A_827 = arith.constant 1 : i32
          %get3A_828 = arith.index_cast %get3A_827 : i32 to index
          %get3A_829 = arith.index_cast %add3A_826 : i32 to index
          %get3A_830 = arith.constant 16 : index
          %get3A_831 = tpu.vector_load %arg8[%get3A_828, %get3A_829, %get3A_830] {strides = array<i32>} : memref<2x1024x32xf32, #tpu.memory_space<vmem>>, vector<16xf32>,
          %add3A_832 = arith.addf %get3A_831, %get3A_831 : vector<16xf32>
          %exp3A_833 = math.exp %add3A_832 : vector<16xf32>
          %add3A_834 = arith.constant 1.000000e+00 : f32
          %add3A_835 = vector.broadcast %add3A_834 : f32 to vector<16xf32>
          %add3A_836 = arith.addf %exp3A_833, %add3A_835 : vector<16xf32>
          %div3A_837 = arith.constant 2.000000e+00 : f32
          %div3A_838 = vector.broadcast %div3A_837 : f32 to vector<16xf32>
          %div3A_839 = arith.divf %div3A_838, %add3A_836 : vector<16xf32>
          %sub3A_840 = arith.constant 1.000000e+00 : f32
          %sub3A_841 = vector.broadcast %sub3A_840 : f32 to vector<16xf32>
          %sub3A_842 = arith.subf %sub3A_841, %div3A_839 : vector<16xf32>
          %swap3A_843 = arith.constant 1 : i32
          %swap3A_844 = arith.index_cast %swap3A_843 : i32 to index
          %swap3A_845 = arith.index_cast %add3A_826 : i32 to index
          %swap3A_846 = arith.constant 16 : index
          %swap3A_847 = tpu.vector_load %arg8[%swap3A_844, %swap3A_845, %swap3A_846] {strides = array<i32>} : memref<2x1024x32xf32, #tpu.memory_space<vmem>>, vector<16xf32>,
          tpu.vector_store %arg8[%swap3A_844, %swap3A_845, %swap3A_846], %sub3A_842 {strides = array<i32>} : memref<2x1024x32xf32, #tpu.memory_space<vmem>>, vector<16xf32>,
        }
        %scan3A_103 = arith.constant 64 : i32
        %lt3A_104 = arith.constant 25 : i32
        %lt3A_105 = arith.cmpi slt, %add3A_58, %lt3A_104 : i32
        %convert_element_type3A_106 = arith.extui %lt3A_105 : i1 to i32
        %cond3A_107 = arith.constant 0 : i32
        %cond3A_108 = arith.cmpi ne, %convert_element_type3A_106, %cond3A_107 : i32
        scf.if %cond3A_108 {
          %mul3A_114 = arith.constant 25 : i32
          %mul3A_115 = arith.muli %add3A, %mul3A_114 : i32
          %add3A_116 = arith.addi %mul3A_115, %add3A_58 : i32
          %mul3A_117 = arith.constant 1024 : i32
          %mul3A_118 = arith.muli %add3A_116, %mul3A_117 : i32
          %dma_start3A = arith.constant 1 : i32
          %dma_start3A_119 = arith.constant 0 : i32
          %dma_start3A_120 = arith.constant 0 : i32
          %dma_start3A_121 = tpu.memref_slice %arg8[%dma_start3A, %dma_start3A_119, %dma_start3A_120] : memref<2x1024x32xf32, #tpu.memory_space<vmem>> -> memref<1x1024x32xf32, #tpu.memory_space<vmem>>
          %dma_start3A_122 = tpu.memref_squeeze %dma_start3A_121 : memref<1x1024x32xf32, #tpu.memory_space<vmem>> -> memref<1024x32xf32, #tpu.memory_space<vmem>>
          %dma_start3A_123 = arith.constant 0 : i32
          %dma_start3A_124 = tpu.memref_slice %arg6[%mul3A_118, %dma_start3A_123] : memref<819200x128xf32, #tpu.memory_space<hbm>> -> memref<1024x32xf32, #tpu.memory_space<hbm>>
          %dma_start3A_125 = arith.constant 0 : i32
          %dma_start3A_126 = tpu.memref_slice %arg6[%mul3A_118, %dma_start3A_125] : memref<819200x128xf32, #tpu.memory_space<hbm>> -> memref<1024x32xf32, #tpu.memory_space<hbm>>
          %dma_start3A_127 = arith.constant 0 : i32
          %dma_start3A_128 = arith.constant 0 : i32
          %dma_start3A_129 = tpu.memref_slice %arg8[%dma_start3A, %dma_start3A_127, %dma_start3A_128] : memref<2x1024x32xf32, #tpu.memory_space<vmem>> -> memref<1x1024x32xf32, #tpu.memory_space<vmem>>
          %dma_start3A_130 = tpu.memref_squeeze %dma_start3A_129 : memref<1x1024x32xf32, #tpu.memory_space<vmem>> -> memref<1024x32xf32, #tpu.memory_space<vmem>>
          tpu.enqueue_dma source(%dma_start3A_130 : memref<1024x32xf32, #tpu.memory_space<vmem>>) target(%dma_start3A_126 : memref<1024x32xf32, #tpu.memory_space<hbm>>) target_semaphore(%arg12 : memref<!tpu.dma_semaphore, #tpu.memory_space<semaphore_mem>>)
        } else {
        }
        %ge3A_109 = arith.constant 25 : i32
        %ge3A_110 = arith.cmpi sge, %add3A_58, %ge3A_109 : i32
        %convert_element_type3A_111 = arith.extui %ge3A_110 : i1 to i32
        %cond3A_112 = arith.constant 0 : i32
        %cond3A_113 = arith.cmpi ne, %convert_element_type3A_111, %cond3A_112 : i32
        scf.if %cond3A_113 {
          %mul3A_114 = arith.constant 1024 : i32
          %mul3A_115 = arith.muli %add3A, %mul3A_114 : i32
          %dma_start3A = arith.constant 1 : i32
          %dma_start3A_116 = arith.constant 0 : i32
          %dma_start3A_117 = arith.constant 0 : i32
          %dma_start3A_118 = tpu.memref_slice %arg8[%dma_start3A, %dma_start3A_116, %dma_start3A_117] : memref<2x1024x32xf32, #tpu.memory_space<vmem>> -> memref<1x1024x32xf32, #tpu.memory_space<vmem>>
          %dma_start3A_119 = tpu.memref_squeeze %dma_start3A_118 : memref<1x1024x32xf32, #tpu.memory_space<vmem>> -> memref<1024x32xf32, #tpu.memory_space<vmem>>
          %dma_start3A_120 = arith.constant 0 : i32
          %dma_start3A_121 = tpu.memref_slice %arg5[%mul3A_115, %dma_start3A_120] : memref<4096x128xf32, #tpu.memory_space<hbm>> -> memref<1024x32xf32, #tpu.memory_space<hbm>>
          %dma_start3A_122 = arith.constant 0 : i32
          %dma_start3A_123 = tpu.memref_slice %arg5[%mul3A_115, %dma_start3A_122] : memref<4096x128xf32, #tpu.memory_space<hbm>> -> memref<1024x32xf32, #tpu.memory_space<hbm>>
          %dma_start3A_124 = arith.constant 0 : i32
          %dma_start3A_125 = arith.constant 0 : i32
          %dma_start3A_126 = tpu.memref_slice %arg8[%dma_start3A, %dma_start3A_124, %dma_start3A_125] : memref<2x1024x32xf32, #tpu.memory_space<vmem>> -> memref<1x1024x32xf32, #tpu.memory_space<vmem>>
          %dma_start3A_127 = tpu.memref_squeeze %dma_start3A_126 : memref<1x1024x32xf32, #tpu.memory_space<vmem>> -> memref<1024x32xf32, #tpu.memory_space<vmem>>
          tpu.enqueue_dma source(%dma_start3A_127 : memref<1024x32xf32, #tpu.memory_space<vmem>>) target(%dma_start3A_123 : memref<1024x32xf32, #tpu.memory_space<hbm>>) target_semaphore(%arg12 : memref<!tpu.dma_semaphore, #tpu.memory_space<semaphore_mem>>)
        } else {
        }
      } else {
      }
    }
    %scan3A_16 = arith.constant 13 : i32
    %lt3A_17 = arith.constant 4 : i32
    %lt3A_18 = arith.cmpi slt, %add3A, %lt3A_17 : i32
    %convert_element_type3A_19 = arith.extui %lt3A_18 : i1 to i32
    %cond3A_20 = arith.constant 0 : i32
    %cond3A_21 = arith.cmpi ne, %convert_element_type3A_19, %cond3A_20 : i32
    scf.if %cond3A_21 {
      %mul3A_22 = arith.constant 1024 : i32
      %mul3A_23 = arith.muli %add3A, %mul3A_22 : i32
      %dma_wait3A = arith.constant 1 : i32
      %dma_wait3A_24 = arith.constant 0 : i32
      %dma_wait3A_25 = arith.constant 0 : i32
      %dma_wait3A_26 = tpu.memref_slice %arg8[%dma_wait3A, %dma_wait3A_24, %dma_wait3A_25] : memref<2x1024x32xf32, #tpu.memory_space<vmem>> -> memref<1x1024x32xf32, #tpu.memory_space<vmem>>
      %dma_wait3A_27 = tpu.memref_squeeze %dma_wait3A_26 : memref<1x1024x32xf32, #tpu.memory_space<vmem>> -> memref<1024x32xf32, #tpu.memory_space<vmem>>
      %dma_wait3A_28 = arith.constant 0 : i32
      %dma_wait3A_29 = tpu.memref_slice %arg5[%mul3A_23, %dma_wait3A_28] : memref<4096x128xf32, #tpu.memory_space<hbm>> -> memref<1024x32xf32, #tpu.memory_space<hbm>>
      %dma_wait3A_30 = arith.constant 0 : i32
      %dma_wait3A_31 = tpu.memref_slice %arg5[%mul3A_23, %dma_wait3A_30] : memref<4096x128xf32, #tpu.memory_space<hbm>> -> memref<1024x32xf32, #tpu.memory_space<hbm>>
      %dma_wait3A_32 = arith.constant 0 : i32
      %dma_wait3A_33 = arith.constant 0 : i32
      %dma_wait3A_34 = tpu.memref_slice %arg8[%dma_wait3A, %dma_wait3A_32, %dma_wait3A_33] : memref<2x1024x32xf32, #tpu.memory_space<vmem>> -> memref<1x1024x32xf32, #tpu.memory_space<vmem>>
      %dma_wait3A_35 = tpu.memref_squeeze %dma_wait3A_34 : memref<1x1024x32xf32, #tpu.memory_space<vmem>> -> memref<1024x32xf32, #tpu.memory_space<vmem>>
      tpu.wait_dma2 semaphore(%arg12 : memref<!tpu.dma_semaphore, #tpu.memory_space<semaphore_mem>>) src(%dma_wait3A_35 : memref<1024x32xf32, #tpu.memory_space<vmem>>) dst(%dma_wait3A_31 : memref<1024x32xf32, #tpu.memory_space<hbm>>)
    } else {
    }
    return
  }
}

</mosaic_0001>

<sc_bundles>
// kernel: kernel.3.cloned.1.call-start
scs
__scs_entry_jumppad:
0x0: {  	(pc) =	sbr.rel $0x88, $3  }
0x1: {  	(tag) =	ssettag $0x0;
	lr =	simm.s32 $0x1  }
0x2: {  	[smem:$0x3F9E] =	sst lr;
	_ =	strace $0xD0000000  }
0x3: {  	_ = 	snop  }
0x4: {  	_ = 	snop  }
0x5: {  	_ = 	snop  }
0x6: {  	_ = 	snop  }
0x7: {  	_ = 	snop  }
__scs_overlays_trampoline_lowered:
0x8: {  	[smem:$0x3FAD] =	sst s0  }
0x9: {  	[smem:$0x3FAE] =	sst s1  }
0xa: {  	[smem:$0x3FAF] =	sst s2  }
0xb: {  	[smem:$0x3FB0] =	sst s3  }
0xc: {  	[smem:$0x3FB1] =	sst s4  }
0xd: {  	[smem:$0x3FB2] =	sst s5  }
0xe: {  	[smem:$0x3FB3] =	sst s6  }
0xf: {  	[smem:$0x3FB4] =	sst s7  }
0x10: {  	[smem:$0x3FB5] =	sst s8  }
0x11: {  	[smem:$0x3FB6] =	sst s9;
	s0 =	simm.s32 @!p0 $0x0  }
0x12: {  	s1 =	sld [smem:$0x3F9C];
	s0 =	simm.s32 @p0 $0x1  }
0x13: {  	[smem:$0x3FB7] =	sst s0;
	s0 =	simm.s32 @!p1 $0x0  }
0x14: {  	s2 =	sld [smem:$0x3F9B];
	s0 =	simm.s32 @p1 $0x1  }
0x15: {  	[smem:$0x3FB8] =	sst s0;
	s0 =	simm.s32 @!p2 $0x0  }
0x16: {  	s3 =	sld [smem:$0x3FDB];
	s0 =	simm.s32 @p2 $0x1  }
0x17: {  	s4 =	simm.s32 $0x1BF5;
	[smem:$0x3FBA] =	sst s0  }
0x18: {  	s0 =	sld [smem:$0x3F9D];
	_ =	swait.ge [sflag:s4], $0x0  }
0x19: {  	s7 =	sld [smem:$0x3F9E]  }
0x1a: {  	s8 =	sadd.s32 $0xFFFFE003, lr  }
0x1b: {  	s9 =	sadd.s32 $0xFFFFFEF7, lr;
	s5 =	simm.s32 $0xFFFFFFFF;
	p2 =	slt.u32 s8, $0xFFFFF086  }
0x1c: {  	p1 =	slt.u32 s9, $0xF7A;
	s5 =	simm.s32 @!p2 $0x0  }
0x1d: {  	s5 =	simm.s32 @p1 $0x1;
	p0 =	seq.s32 s7, s2  }
0x1e: {  	s7 =	smul.u32 @!p0 $0xF7A, s2;
	p2 =	seq.s32 @!p0 s5, $0x0  }
0x1f: {  	s9 =	smul.u32 $0xF7A, s1;
	s8 =	simm.s32 @!p0 $0x1BF5;
	p2 =	por !p2, p0  }
0x20: {  	[sflag:s8] =	ssyncset.s32 @!p0 $0xFFFFF086;
	s6 =	sadd.s32 @!p0 s3, s7;
	s7 =	simm.s32 @!p0 $0x108  }
0x21: {  	s3 =	sadd.s32 s3, s9;
	s6 =	sadd.s32 @!p0 $0x88, s6;
	s7 =	simm.s32 @p2 $0x1082  }
0x22: {  	[simem:s7], [sflag:s8] =	dma.local @!p0 [hbm:s6], $0xF7A  }
0x23: {  	s9 =	sor.u32 $0xD0000000, s2;
	s6 =	simm.s32 $0x108;
	_ =	swait.ge @!p0 [sflag:s8], $0x0  }
0x24: {  	s3 =	sadd.s32 $0x88, s3;
	s6 =	simm.s32 @!p1 $0x1082;
	[sflag:s4] =	ssyncset.s32 $0xFFFFF086  }
0x25: {  	[simem:s6], [sflag:s4] =	dma.local [hbm:s3], $0xF7A  }
0x26: {  	[smem:$0x3F9E] =	sst s1;
	(tag) =	ssettag s2;
	_ =	strace s9  }
0x27: {  	s1 =	sld [smem:$0x3FAE]  }
0x28: {  	s2 =	sld [smem:$0x3FAF]  }
0x29: {  	s4 =	sld [smem:$0x3FB1]  }
0x2a: {  	p0 =	seq.s32 s5, $0x0;
	s5 =	sld [smem:$0x3FB2]  }
0x2b: {  	s6 =	sld [smem:$0x3FB3]  }
0x2c: {  	s7 =	sld [smem:$0x3FB4]  }
0x2d: {  	s3 =	simm.s32 $0x108;
	s8 =	sld [smem:$0x3FB5]  }
0x2e: {  	s3 =	simm.s32 @!p0 $0x1082;
	s9 =	sld [smem:$0x3FB6]  }
0x2f: {  	lr =	sadd.s32 s0, s3;
	s0 =	sld [smem:$0x3FAD]  }
0x30: {  	s3 =	sld [smem:$0x3FB0]  }
0x31: {  	[smem:$0x3FB9] =	sst s10  }
0x32: {  	s10 =	sld [smem:$0x3FB7];
	_ =	sdelay $0x3  }
0x33: {  	p0 =	seq.s32 s10, $0x1;
	s10 =	sld [smem:$0x3FB9];
	_ =	sdelay $0x3  }
0x34: {  	[smem:$0x3FB9] =	sst s10  }
0x35: {  	s10 =	sld [smem:$0x3FB8];
	_ =	sdelay $0x3  }
0x36: {  	p1 =	seq.s32 s10, $0x1;
	s10 =	sld [smem:$0x3FB9];
	_ =	sdelay $0x3  }
0x37: {  	[smem:$0x3FB9] =	sst s10  }
0x38: {  	s10 =	sld [smem:$0x3FBA]  }
0x39: {  	_ = 	snop;
	(pc) =	sbr.ind lr, $3  }
0x3a: {  	_ = 	snop  }
0x3b: {  	_ = 	snop  }
0x3c: {  	p2 =	seq.s32 s10, $0x1;
	s10 =	sld [smem:$0x3FB9]  }
0x3d: {  	_ =	shalt  }
0x3e: {  	_ =	shalt  }
0x3f: {  	_ =	shalt  }
0x40: {  	_ =	shalt  }
0x41: {  	_ =	shalt  }
0x42: {  	_ =	shalt  }
0x43: {  	_ =	shalt  }
0x44: {  	_ =	shalt  }
0x45: {  	_ =	shalt  }
0x46: {  	_ =	shalt  }
0x47: {  	_ =	shalt  }
0x48: {  	_ =	shalt  }
0x49: {  	_ =	shalt  }
0x4a: {  	_ =	shalt  }
0x4b: {  	_ =	shalt  }
0x4c: {  	_ =	shalt  }
0x4d: {  	_ =	shalt  }
0x4e: {  	_ =	shalt  }
0x4f: {  	_ =	shalt  }
0x50: {  	_ =	shalt  }
0x51: {  	_ =	shalt  }
0x52: {  	_ =	shalt  }
0x53: {  	_ =	shalt  }
0x54: {  	_ =	shalt  }
0x55: {  	_ =	shalt  }
0x56: {  	_ =	shalt  }
0x57: {  	_ =	shalt  }
0x58: {  	_ =	shalt  }
0x59: {  	_ =	shalt  }
0x5a: {  	_ =	shalt  }
0x5b: {  	_ =	shalt  }
0x5c: {  	_ =	shalt  }
0x5d: {  	_ =	shalt  }
0x5e: {  	_ =	shalt  }
0x5f: {  	_ =	shalt  }
0x60: {  	_ =	shalt  }
0x61: {  	_ =	shalt  }
0x62: {  	_ =	shalt  }
0x63: {  	_ =	shalt  }
0x64: {  	_ =	shalt  }
0x65: {  	_ =	shalt  }
0x66: {  	_ =	shalt  }
0x67: {  	_ =	shalt  }
0x68: {  	_ =	shalt  }
0x69: {  	_ =	shalt  }
0x6a: {  	_ =	shalt  }
0x6b: {  	_ =	shalt  }
0x6c: {  	_ =	shalt  }
0x6d: {  	_ =	shalt  }
0x6e: {  	_ =	shalt  }
0x6f: {  	_ =	shalt  }
0x70: {  	_ =	shalt  }
0x71: {  	_ =	shalt  }
0x72: {  	_ =	shalt  }
0x73: {  	_ =	shalt  }
0x74: {  	_ =	shalt  }
0x75: {  	_ =	shalt  }
0x76: {  	_ =	shalt  }
0x77: {  	_ =	shalt  }
0x78: {  	_ =	shalt  }
0x79: {  	_ =	shalt  }
0x7a: {  	_ =	shalt  }
0x7b: {  	_ =	shalt  }
0x7c: {  	_ =	shalt  }
0x7d: {  	_ =	shalt  }
0x7e: {  	_ =	shalt  }
0x7f: {  	_ =	shalt  }
0x80: {  	_ =	shalt  }
0x81: {  	_ =	shalt  }
0x82: {  	_ =	shalt  }
0x83: {  	_ =	shalt  }
0x84: {  	_ =	shalt  }
0x85: {  	_ =	shalt  }
0x86: {  	_ =	shalt  }
0x87: {  	_ =	shalt  }
.Lfunc_end0:
.L_simem_size_0:
called_computation.1_lowered:
.L_overlay_start_0:
0x88: {  	s2 =	sld [smem:$0x3FD9]  }
0x89: {  	s3 =	sld [smem:$0x3FFE];
	_ =	sdelay $0x1  }
0x8a: {  	s1 =	srdreg.scid  }
0x8b: {  	s0 =	sand.u32 $0x1, s1  }
0x8c: {  	s14 =	sshll.u32 s0, $0xA;
	s2 =	sadd.s32 s3, s2  }
0x8d: {  	s2 =	sadd.s32 s2, s14  }
0x8e: {  	[smem:$0x3FC5] =	sst s2  }
0x8f: {  	_ = 	snop  }
0x90: {  	s2 =	sld [smem:$0x3FD0];
	_ =	sdelay $0x2  }
0x91: {  	s4 =	simm.s32 $0xA;
	s5 =	simm.s32 $0x10;
	s15 =	sld [smem:$0x3FC9]  }
0x92: {  	[smem:s5], [sflag:s4] =	dma.local [hbm:s2], $0x1  }
0x93: {  	_ =	swait.eq [sflag:s4], $0x1  }
0x94: {  	[sflag:s4] =	ssyncset.done $0x0  }
0x95: {  	[sflag:s4] =	ssyncadd.s32 $0xFFFFFFFF  }
0x96: {  	s16 =	sld [smem:$0x11];
	(tm) =	ssettm $0x1  }
0x97: {  	s17 =	sld [smem:$0x3FFB];
	_ =	sdelay $0x3  }
0x98: {  	_ =	strace s17  }
0x99: {  	s4 =	sld [smem:$0x3FFC];
	_ =	sdelay $0x3  }
0x9a: {  	_ =	strace s4  }
0x9b: {  	s4 =	sld [smem:$0x3FFD];
	_ =	sdelay $0x3  }
0x9c: {  	_ =	strace s4  }
0x9d: {  	_ =	strace $0x8FFFFFFF  }
0x9e: {  	s18 =	sld [smem:$0x3FDB];
	_ =	sdelay $0x1  }
0x9f: {  	s19 =	simm.s32 $_scs_section_size  }
0xa0: {  	s6 =	simm.s32 $_size__tile_overlayer_lowered;
	s7 =	simm.s32 $_tile_overlayer_lowered  }
0xa1: {  	s22 =	simm.s32 $0x1BFF;
	s21 =	sshll.u32 s7, $0x1;
	s4 =	sadd.s32 s19, s18  }
0xa2: {  	s8 =	simm.s32 $0x0;
	s20 =	sshll.u32 s6, $0x1;
	s6 =	sadd.s32 s21, s4  }
0xa3: {  	[timem:s8], [sflag:s22] =	dma.local [hbm:s6], s20  }
0xa4: {  	_ =	swait.ge [sflag:s22], s20  }
0xa5: {  	s5 =	ssub.s32 $0x0, s20;
	[sflag:s22] =	ssyncset.done $0x0  }
0xa6: {  	[sflag:s22] =	ssyncadd.s32 s5;
	_ =	sdelay $0x1  }
0xa7: {  	s23 =	simm.s32 $0x1B8B  }
0xa8: {  	_ =	swait.ge [sflag:s23], $0x1  }
0xa9: {  	[sflag:s23] =	ssyncset.done $0x0  }
0xaa: {  	s25 =	simm.s32 $0x1B8E;
	s24 =	sld [smem:$0x3FFE];
	[sflag:s23] =	ssyncadd.s32 $0xFFFFFFFF  }
0xab: {  	s26 =	simm.s32 $execute0_lowered;
	[smem:$0x3FD2] =	sst s25  }
0xac: {  	s6 =	sshll.u32 s26, $0x1;
	_ =	strace $0x80000046;
	[dreg:$0x1] =	wrdreg $0xFFFFFFFF  }
0xad: {  	s28 =	simm.s32 $_size_execute0_lowered;
	s4 =	sadd.s32 s4, s6;
	[dreg:$0x0] =	wrdreg $0x0  }
0xae: {  	s6 =	sshll.u32 s28, $0x1;
	[dreg:$0x2] =	wrdreg s4  }
0xaf: {  	[dreg:$0x3] =	wrdreg s6  }
0xb0: {  	[dreg:$0x4] =	wrdreg $0xC0  }
0xb1: {  	_ =	task [dreg:s8], $0x5FFFF  }
0xb2: {  	[dreg:$0x1] =	wrdreg $0xFFFFFFFF  }
0xb3: {  	[dreg:$0x0] =	wrdreg $0x60  }
0xb4: {  	[dreg:$0x2] =	wrdreg s15  }
0xb5: {  	[dreg:$0x3] =	wrdreg s16  }
0xb6: {  	[dreg:$0x4] =	wrdreg s24  }
0xb7: {  	[dreg:$0x5] =	wrdreg $0x9  }
0xb8: {  	_ =	task.clear_ibuf [dreg:s8], $0x6FFFF;
	_ =	strace $0x90000046  }
0xb9: {  	s29 =	simm.s32 $0x9;
	_ =	strace $0x80000048  }
0xba: {  	_ =	swait.ge [sflag:s29], $0x1  }
0xbb: {  	[sflag:s29] =	ssyncadd.s32 $0xFFFFFFFF  }
0xbc: {  	_ =	strace $0x90000048  }
0xbd: {  	_ =	sfence  }
0xbe: {  	s30 =	sld [smem:$0x0];
	_ =	sdelay $0x2  }
0xbf: {  	s31 =	sshll.u32 s1, $0xD;
	s1 =	sshrl.u32 s1, $0x2  }
0xc0: {  	s3 =	sand.u32 $0x4000, s31;
	s1 =	sadd.s32 s1, s30  }
0xc1: {  	s0 =	sor.u32 s3, s0;
	s1 =	sshll.u32 s1, $0x11  }
0xc2: {  	s0 =	sor.u32 s1, s0  }
0xc3: {  	s0 =	sadd.s32 $0x8F2B, s0  }
0xc4: {  	[sflag:s0] =	ssyncadd.remote.s32 $0x1  }
0xc5: {  	_ =	sfence.sel $0xFFFF  }
0xc6: {  	[dreg:$0x0] =	wrdreg $0xFFFFFFFF;
	(pc) =	sbr.abs _section_cstart, $3  }
0xc7: {  	[dreg:$0x1] =	wrdreg $0xFFFFFFFF  }
0xc8: {  	_ =	task.clear_ibuf [dreg:s8], $0x2FFFF;
	_ =	strace $0x9FFFFFFF  }
0xc9: {  	(tm) =	ssettm $0x7FFFFFFF  }
tec
execute0_lowered:
.L_overlay_start_1:
0x0: {  	(tag) =	ssettag $0x1  }
0x1: {  	s6 =	rddreg [dreg:$0x0]  }
0x2: {  	s5 =	rddreg [dreg:$0x1]  }
0x3: {  	s4 =	rddreg [dreg:$0x2]  }
0x4: {  	s0 =	rddreg [dreg:$0x3];
	s2 =	simm.s32 $0x0  }
0x5: {  	s3 =	srdreg.scid;
	s1 =	stileid.u32;
	s12 =	simm.s32 $0x6800  }
0x6: {  	s13 =	simm.s32 $0x1;
	s14 =	simm.s32 $0xE800;
	s15 =	simm.s32 $0x20  }
0x7: {  	s16 =	simm.s32 $0x80;
	s17 =	simm.s32 $0x3;
	s18 =	simm.s32 $0x2  }
0x8: {  	s19 =	simm.s32 $0x0;
	s7 =	sand.u32 $0x1, s3;
	s8 =	sshll.u32 s1, $0x1  }
0x9: {  	[smem:$0x7FF] =	sst s2;
	s3 =	sadd.s32 $0xF43400, s4;
	s8 =	sor.u32 s7, s8  }
0xa: {  	p0 =	sgt.u32 s1, $0x1;
	_ =	strace $0x80000047;
	s10 =	smul.u32 $0xC80, s8  }
.Ltmp0:
0xb: {  	s7 =	ssub.s32 $0x2, s7;
	s9 =	sshll.u32 s8, $0xE;
	(pc) =	sbr.rel .LBB2_1-.Ltmp0, $4  }
0xc: {  	s11 =	sshrl.u32 s7, $0x1;
	s31 =	sshll.u32 s8, $0x7;
	s9 =	sadd.s32 s9, s4  }
0xd: {  	s4 =	sadd.s32 $0x11000, s4;
	s11 =	ssub.s32 s7, s11;
	s6 =	sadd.s32 s6, s31  }
0xe: {  	s7 =	smul.u32 $0x19, s8;
	s5 =	sadd.s32 s5, s10;
	s8 =	sadd.s32 $0x1000, s9  }
0xf: {  	s9 =	smax.u32 s11, $0x1;
	s10 =	simm.s32 $0x5;
	s11 =	simm.s32 $0x400  }
.LBB2_13:
0x10: {  	s19 =	sadd.s32 $0x1, s19  }
0x11: {  	p1 =	sne.s32 s19, s9  }
.Ltmp1:
0x12: {  	_ = 	snop;
	(pc) =	sbr.rel @!p1 .LBB2_14-.Ltmp1, $4  }
0x13: {  	s20 =	simm.s32 @!p0 $0x4  }
0x14: {  	_ =	swait.ge @!p0 [sflag:s20], $0x8000  }
0x15: {  	[sflag:s20] =	ssyncset.done @!p0 $0x0  }
0x16: {  	[sflag:s20] =	ssyncadd.s32 @!p0 $0xFFFF8000  }
.LBB2_1:
0x17: {  	[tilespmem:s2], [sflag:$0x5] =	stream.linear.gather [hbm4b:s5+s2], $0x6400, $0x38;
	[tilespmem:$0x16800] =	vst v63  }
0x18: {  	_ =	swait.ge [sflag:s10], $0x6400  }
0x19: {  	[sflag:s10] =	ssyncset.done $0x0  }
0x1a: {  	s20 =	simm.s32 @!p0 $0x0;
	s21 =	simm.s32 @!p0 $0x6400;
	[sflag:s10] =	ssyncadd.s32 $0xFFFF9C00  }
0x1b: {  	[tilespmem:s21], [sflag:$0x5] =	stream.linear.gather @!p0 [hbm4b:s6+s20], $0x400, $0x38;
	[tilespmem:$0x16800] =	vst v63  }
.Ltmp2:
0x1c: {  	s20 =	simm.s32 @!p0 $0x5;
	(pc) =	sbr.rel .LBB2_2-.Ltmp2, $4  }
0x1d: {  	_ =	swait.ge @!p0 [sflag:s20], $0x400  }
0x1e: {  	[sflag:s20] =	ssyncset.done @!p0 $0x0  }
0x1f: {  	[sflag:s20] =	ssyncadd.s32 @!p0 $0xFFFFFC00;
	s20 =	simm.s32 $0x0  }
0x20: {  	[tilespmem:s12], [sflag:$0x1] =	stream.indirect.gather [hbm4b:s3+s11], $0x20, s2, s11, $0xb8;
	[tilespmem:$0x16800] =	vst v63  }
.LBB2_12:
0x21: {  	s20 =	sadd.s32 $0x1, s20  }
0x22: {  	p1 =	sne.s32 s20, $0xD  }
.Ltmp3:
0x23: {  	_ = 	snop;
	(pc) =	sbr.rel @!p1 .LBB2_13-.Ltmp3, $1  }
0x24: {  	_ =	sdelay $0x3  }
.LBB2_2:
0x25: {  	p3 =	seq.s32 s20, $0x0  }
0x26: {  	s22 =	sshll.u32 s20, $0x1;
	p1 =	slt.u32 @!p3 s1, $0x2  }
0x27: {  	s21 =	sor.u32 @!p3 $0x1, s22;
	p2 =	por p3, p1  }
0x28: {  	p1 =	sgt.u32 @!p2 s21, $0x18  }
0x29: {  	p1 =	por p2, !p1  }
.Ltmp4:
0x2a: {  	_ = 	snop;
	(pc) =	sbr.rel @p1 .LBB2_4-.Ltmp4, $4  }
0x2b: {  	s23 =	simm.s32 @!p3 $0x4  }
0x2c: {  	_ =	swait.ge @!p3 [sflag:s23], $0x8000  }
0x2d: {  	[sflag:s23] =	ssyncset.done @!p3 $0x0  }
0x2e: {  	[sflag:s23] =	ssyncadd.s32 @!p3 $0xFFFF8000  }
.Ltmp5:
0x2f: {  	(pc) =	sbr.rel .LBB2_5-.Ltmp5, $3  }
0x30: {  	_ =	sdelay $0x1  }
0x31: {  	p2 =	por @!p3 $0x0, $0x0  }
0x32: {  	s21 =	simm.s32 @!p3 $0x19;
	p1 =	por p2, p2  }
.LBB2_4:
0x33: {  	s23 =	smov.u32 s21  }
0x34: {  	s23 =	simm.s32 @p3 $0x1  }
0x35: {  	p4 =	slt.u32 @!p3 s21, $0x19;
	p1 =	por $0x1, $0x1;
	s21 =	smov.u32 @p2 s23  }
0x36: {  	p1 =	por @!p3 p4, p4;
	s23 =	sshll.u32 s21, $0xA  }
0x37: {  	p1 =	por @!p2 p4, p4;
	p2 =	por $0x1, $0x1;
	s23 =	sand.u32 $0x3FFFFC00, s23  }
0x38: {  	[tilespmem:s14], [sflag:$0x2] =	stream.indirect.gather [hbm4b:s3+s11], $0x20, s23, s11, $0xb8;
	[tilespmem:$0x16800] =	vst v63  }
.LBB2_5:
0x39: {  	_ =	swait.ge [sflag:s13], $0x8000  }
0x3a: {  	[sflag:s13] =	ssyncset.done $0x0  }
0x3b: {  	s23 =	simm.s32 $0x0;
	[sflag:s13] =	ssyncadd.s32 $0xFFFF8000  }
0x3c: {  	v0 =	vld [tilespmem:s23+$0x6800];
	_ =	sdelay $0x2  }
0x3d: {  	v1 =	vld [tilespmem:s23+$0x6810]  }
0x3e: {  	v2 =	vld [tilespmem:s23+$0x6820]  }
0x3f: {  	v3 =	vld [tilespmem:s23+$0x6830];
	v0 =	vadd.f32 v0, v0;
	_ =	sdelay $0x1  }
0x40: {  	v0 =	vmul.f32 $1.442695020e+00, v0  }
0x41: {  	v1 =	vadd.f32 v1, v1  }
0x42: {  	v2 =	vadd.f32 v2, v2;
	(erf) = vpow2.f32 v0  }
0x43: {  	v3 =	vadd.f32 v3, v3;
	v1 =	vmul.f32 $1.442695020e+00, v1  }
0x44: {  	v2 =	vmul.f32 $1.442695020e+00, v2  }
0x45: {  	v0 =	vmul.f32 $1.442695020e+00, v3;
	(erf) = vpow2.f32 v1  }
0x46: {  	(erf) = vpow2.f32 v2  }
0x47: {  	(erf) = vpow2.f32 v0;
	_ =	sdelay $0x1  }
0x48: {  	v1 =	vld [tilespmem:s23+$0x6850]  }
0x49: {  	v2 =	vld [tilespmem:s23+$0x6860]  }
0x4a: {  	v0 =	vld [tilespmem:s23+$0x6840];
	v3 =	vpop (erf)  }
0x4b: {  	v3 =	vadd.f32 $1.000000000e+00, v3  }
0x4c: {  	v4 =	vld [tilespmem:s23+$0x6870]  }
0x4d: {  	v6 =	vld [tilespmem:s23+$0x6880];
	v1 =	vadd.f32 v1, v1;
	v5 =	vpop (erf)  }
0x4e: {  	v8 =	vld [tilespmem:s23+$0x6890];
	v2 =	vadd.f32 v2, v2;
	v5 =	vadd.f32 $1.000000000e+00, v5;
	v7 =	vpop (erf)  }
0x4f: {  	v9 =	vld [tilespmem:s23+$0x68A0];
	v0 =	vadd.f32 v0, v0;
	v7 =	vadd.f32 $1.000000000e+00, v7;
	(erf) = vrcp.f32 v3;
	v3 =	vpop (erf)  }
0x50: {  	v1 =	vmul.f32 $1.442695020e+00, v1;
	(erf) = vrcp.f32 v5;
	v3 =	vadd.f32 $1.000000000e+00, v3  }
0x51: {  	v4 =	vadd.f32 v4, v4;
	v0 =	vmul.f32 $1.442695020e+00, v0;
	v5 =	vld [tilespmem:s23+$0x68B0];
	(erf) = vrcp.f32 v7  }
0x52: {  	v2 =	vmul.f32 $1.442695020e+00, v2;
	(erf) = vrcp.f32 v3;
	v3 =	vadd.f32 v6, v6  }
0x53: {  	(erf) = vpow2.f32 v0;
	v0 =	vmul.f32 $1.442695020e+00, v4;
	v4 =	vadd.f32 v8, v8  }
0x54: {  	(erf) = vpow2.f32 v1;
	v1 =	vmul.f32 $1.442695020e+00, v3;
	v3 =	vadd.f32 v9, v9  }
0x55: {  	(erf) = vpow2.f32 v2;
	v2 =	vmul.f32 $1.442695020e+00, v4  }
0x56: {  	v4 =	vadd.f32 v5, v5  }
0x57: {  	(erf) = vpow2.f32 v0  }
0x58: {  	v0 =	vmul.f32 $1.442695020e+00, v3;
	(erf) = vpow2.f32 v1;
	v3 =	vpop (erf)  }
0x59: {  	(erf) = vpow2.f32 v2;
	v2 =	vpop (erf)  }
0x5a: {  	v1 =	vmul.f32 $1.442695020e+00, v4;
	v4 =	vpop (erf)  }
0x5b: {  	(erf) = vpow2.f32 v0;
	v0 =	vadd.f32 v3, v3;
	v3 =	vpop (erf)  }
0x5c: {  	v5 =	vpop (erf)  }
0x5d: {  	v5 =	vadd.f32 $1.000000000e+00, v5  }
0x5e: {  	(erf) = vpow2.f32 v1;
	v2 =	vadd.f32 v2, v2  }
0x5f: {  	v1 =	vsub.f32 $1.000000000e+00, v0;
	v6 =	vpop (erf)  }
0x60: {  	v0 =	vsub.f32 $1.000000000e+00, v2;
	v2 =	vadd.f32 $1.000000000e+00, v6;
	v6 =	vld [tilespmem:s23+$0x68C0];
	v7 =	vpop (erf)  }
0x61: {  	v8 =	vld [tilespmem:s23+$0x68D0];
	v4 =	vadd.f32 v4, v4;
	v7 =	vadd.f32 $1.000000000e+00, v7;
	(erf) = vrcp.f32 v5;
	v5 =	vpop (erf)  }
0x62: {  	v5 =	vadd.f32 $1.000000000e+00, v5;
	v10 =	vpop (erf)  }
0x63: {  	v9 =	vld [tilespmem:s23+$0x68E0];
	(erf) = vrcp.f32 v2;
	v2 =	vsub.f32 $1.000000000e+00, v4;
	v4 =	vadd.f32 $1.000000000e+00, v10  }
0x64: {  	v10 =	vld [tilespmem:s23+$0x68F0]  }
0x65: {  	v11 =	vld [tilespmem:s23+$0x6900];
	(erf) = vrcp.f32 v7;
	v7 =	vpop (erf);
	v6 =	vadd.f32 v6, v6  }
0x66: {  	v12 =	vld [tilespmem:s23+$0x6910];
	v8 =	vadd.f32 v8, v8;
	v7 =	vadd.f32 $1.000000000e+00, v7;
	(erf) = vrcp.f32 v5;
	v5 =	vpop (erf)  }
0x67: {  	v6 =	vmul.f32 $1.442695020e+00, v6;
	(erf) = vrcp.f32 v4;
	v5 =	vadd.f32 $1.000000000e+00, v5;
	v4 =	vpop (erf)  }
0x68: {  	(erf) = vrcp.f32 v7;
	v7 =	vadd.f32 v9, v9;
	v9 =	vld [tilespmem:s23+$0x6930];
	v4 =	vadd.f32 $1.000000000e+00, v4  }
0x69: {  	v13 =	vld [tilespmem:s23+$0x6920];
	(erf) = vrcp.f32 v5;
	v5 =	vmul.f32 $1.442695020e+00, v8;
	v8 =	vadd.f32 v10, v10  }
0x6a: {  	(erf) = vrcp.f32 v4;
	v4 =	vmul.f32 $1.442695020e+00, v7;
	v7 =	vadd.f32 v11, v11  }
0x6b: {  	(erf) = vpow2.f32 v6;
	v6 =	vmul.f32 $1.442695020e+00, v8;
	v8 =	vadd.f32 v12, v12  }
0x6c: {  	v10 =	vpop (erf);
	(erf) = vpow2.f32 v5;
	v5 =	vmul.f32 $1.442695020e+00, v7  }
0x6d: {  	v11 =	vpop (erf);
	(erf) = vpow2.f32 v4;
	v4 =	vmul.f32 $1.442695020e+00, v8;
	v8 =	vadd.f32 v9, v9  }
0x6e: {  	v12 =	vpop (erf);
	v7 =	vadd.f32 v13, v13;
	(erf) = vpow2.f32 v6;
	v6 =	vadd.f32 v10, v10  }
0x6f: {  	v10 =	vpop (erf);
	(erf) = vpow2.f32 v5;
	v5 =	vadd.f32 v11, v11;
	v11 =	vmul.f32 $1.442695020e+00, v8  }
0x70: {  	v7 =	vmul.f32 $1.442695020e+00, v7;
	v13 =	vpop (erf)  }
0x71: {  	(erf) = vpow2.f32 v4;
	v9 =	vsub.f32 $1.000000000e+00, v6;
	v4 =	vadd.f32 v12, v12;
	v12 =	vpop (erf)  }
0x72: {  	(erf) = vpow2.f32 v7;
	v8 =	vsub.f32 $1.000000000e+00, v5;
	v5 =	vadd.f32 v10, v10;
	v10 =	vpop (erf)  }
0x73: {  	(erf) = vpow2.f32 v11;
	v7 =	vsub.f32 $1.000000000e+00, v4;
	v4 =	vadd.f32 v13, v13;
	v11 =	vpop (erf)  }
0x74: {  	v12 =	vadd.f32 v12, v12;
	v6 =	vsub.f32 $1.000000000e+00, v5;
	v13 =	vpop (erf)  }
0x75: {  	v16 =	vld [tilespmem:s23+$0x6950];
	v5 =	vsub.f32 $1.000000000e+00, v4;
	v13 =	vadd.f32 $1.000000000e+00, v13;
	v14 =	vpop (erf)  }
0x76: {  	v18 =	vld [tilespmem:s23+$0x6960];
	v4 =	vsub.f32 $1.000000000e+00, v12;
	v12 =	vadd.f32 $1.000000000e+00, v14  }
0x77: {  	v20 =	vld [tilespmem:s23+$0x6980]  }
0x78: {  	v22 =	vld [tilespmem:s23+$0x6990];
	v15 =	vpop (erf)  }
0x79: {  	v15 =	vadd.f32 $1.000000000e+00, v15;
	(erf) = vrcp.f32 v13;
	v13 =	vpop (erf)  }
0x7a: {  	v14 =	vld [tilespmem:s23+$0x6940];
	(erf) = vrcp.f32 v12;
	v13 =	vadd.f32 $1.000000000e+00, v13;
	v12 =	vpop (erf)  }
0x7b: {  	v16 =	vadd.f32 v16, v16;
	v12 =	vadd.f32 $1.000000000e+00, v12  }
0x7c: {  	v18 =	vadd.f32 v18, v18;
	v21 =	vadd.f32 v20, v20  }
0x7d: {  	v19 =	vld [tilespmem:s23+$0x6970];
	v20 =	vadd.f32 v22, v22;
	v24 =	vmul.f32 $1.442695020e+00, v16;
	(erf) = vrcp.f32 v15;
	v15 =	vpop (erf)  }
0x7e: {  	v18 =	vmul.f32 $1.442695020e+00, v18;
	v15 =	vadd.f32 $1.000000000e+00, v15;
	(erf) = vrcp.f32 v13;
	v13 =	vpop (erf)  }
0x7f: {  	v14 =	vadd.f32 v14, v14;
	(erf) = vrcp.f32 v12;
	v13 =	vadd.f32 $1.000000000e+00, v13;
	v12 =	vpop (erf)  }
0x80: {  	v17 =	vld [tilespmem:s23+$0x69A0];
	v3 =	vadd.f32 v3, v3;
	(erf) = vrcp.f32 v15;
	v12 =	vadd.f32 $1.000000000e+00, v12  }
0x81: {  	v10 =	vadd.f32 v10, v10;
	v23 =	vmul.f32 $1.442695020e+00, v14;
	v14 =	vld [tilespmem:s23+$0x69B0];
	(erf) = vrcp.f32 v13  }
0x82: {  	v11 =	vadd.f32 v11, v11;
	v15 =	vld [tilespmem:s23+$0x69C0];
	v13 =	vadd.f32 v19, v19;
	(erf) = vrcp.f32 v12  }
0x83: {  	v16 =	vld [tilespmem:s23+$0x69D0];
	v3 =	vsub.f32 $1.000000000e+00, v3;
	v10 =	vsub.f32 $1.000000000e+00, v10;
	(erf) = vpow2.f32 v23  }
0x84: {  	s24 =	simm.s32 $0x800;
	v11 =	vsub.f32 $1.000000000e+00, v11;
	v19 =	vmul.f32 $1.442695020e+00, v13;
	v13 =	vld [tilespmem:s23+$0x69E0];
	v12 =	vpop (erf);
	(erf) = vpow2.f32 v24  }
.LBB2_6:
0x85: {  	p3 =	sne.s32 s24, $0x1F800;
	v24 =	vmul.f32 $1.442695020e+00, v21;
	v17 =	vadd.f32 v17, v17;
	v22 =	vld [tilespmem:s23+$0x69F0];
	v23 =	vpop (erf);
	(erf) = vpow2.f32 v18  }
0x86: {  	v18 =	vmul.f32 $1.442695020e+00, v20;
	v14 =	vadd.f32 v14, v14;
	v20 =	vpop (erf);
	(erf) = vpow2.f32 v19  }
0x87: {  	v26 =	vmul.f32 $1.442695020e+00, v17;
	v25 =	vadd.f32 v15, v15;
	v19 =	vpop (erf);
	(erf) = vpow2.f32 v24  }
0x88: {  	v14 =	vmul.f32 $1.442695020e+00, v14;
	v16 =	vadd.f32 v16, v16;
	v21 =	vpop (erf);
	(erf) = vpow2.f32 v18  }
0x89: {  	[tilespmem:s23+$0x6800] =	vst v1;
	v1 =	vmul.f32 $1.442695020e+00, v25;
	v18 =	vadd.f32 v13, v13;
	v15 =	vpop (erf);
	(erf) = vpow2.f32 v26  }
0x8a: {  	[tilespmem:s23+$0x6810] =	vst v0;
	v0 =	vmul.f32 $1.442695020e+00, v16;
	v16 =	vadd.f32 v22, v22;
	v17 =	vpop (erf);
	(erf) = vpow2.f32 v14  }
0x8b: {  	[tilespmem:s23+$0x6820] =	vst v2;
	v2 =	vadd.f32 v12, v12;
	v12 =	vmul.f32 $1.442695020e+00, v18;
	v13 =	vpop (erf);
	(erf) = vpow2.f32 v1  }
0x8c: {  	v1 =	vadd.f32 v23, v23;
	[tilespmem:s23+$0x6830] =	vst v3;
	v3 =	vmul.f32 $1.442695020e+00, v16;
	v14 =	vpop (erf);
	(erf) = vpow2.f32 v0  }
0x8d: {  	[tilespmem:s23+$0x6840] =	vst v9;
	v0 =	vsub.f32 $1.000000000e+00, v2;
	v14 =	vadd.f32 $1.000000000e+00, v14;
	v9 =	vpop (erf);
	(erf) = vpow2.f32 v12  }
0x8e: {  	v1 =	vsub.f32 $1.000000000e+00, v1;
	[tilespmem:s23+$0x6850] =	vst v8;
	v12 =	vadd.f32 $1.000000000e+00, v9;
	v9 =	vpop (erf);
	(erf) = vpow2.f32 v3  }
0x8f: {  	v3 =	vadd.f32 v20, v20;
	[tilespmem:s23+$0x6860] =	vst v7;
	v9 =	vadd.f32 $1.000000000e+00, v9;
	(erf) = vrcp.f32 v14;
	v2 =	vpop (erf)  }
0x90: {  	[tilespmem:s23+$0x6870] =	vst v6;
	v6 =	vadd.f32 v19, v19;
	v14 =	vadd.f32 $1.000000000e+00, v2;
	(erf) = vrcp.f32 v12;
	v8 =	vpop (erf)  }
0x91: {  	v3 =	vsub.f32 $1.000000000e+00, v3;
	[tilespmem:s23+$0x6880] =	vst v5;
	v8 =	vadd.f32 $1.000000000e+00, v8;
	(erf) = vrcp.f32 v9;
	v7 =	vpop (erf)  }
0x92: {  	[tilespmem:s23+$0x6890] =	vst v4;
	v4 =	vsub.f32 $1.000000000e+00, v6;
	v9 =	vadd.f32 $1.000000000e+00, v7;
	(erf) = vrcp.f32 v14;
	v2 =	vpop (erf)  }
0x93: {  	v7 =	vadd.f32 v21, v21;
	[tilespmem:s23+$0x68A0] =	vst v10;
	v10 =	vadd.f32 $1.000000000e+00, v2;
	(erf) = vrcp.f32 v8;
	v5 =	vpop (erf)  }
0x94: {  	v8 =	vadd.f32 v15, v15;
	[tilespmem:s23+$0x68B0] =	vst v11;
	v11 =	vadd.f32 $1.000000000e+00, v5;
	(erf) = vrcp.f32 v9;
	v6 =	vpop (erf)  }
0x95: {  	[tilespmem:s23+$0x68C0] =	vst v0;
	v0 =	vsub.f32 $1.000000000e+00, v7;
	v12 =	vadd.f32 $1.000000000e+00, v6;
	(erf) = vrcp.f32 v10;
	v2 =	vpop (erf)  }
0x96: {  	[tilespmem:s23+$0x68D0] =	vst v1;
	v1 =	vsub.f32 $1.000000000e+00, v8;
	v2 =	vadd.f32 $1.000000000e+00, v2;
	(erf) = vrcp.f32 v11;
	v5 =	vpop (erf)  }
0x97: {  	v8 =	vadd.f32 v17, v17;
	[tilespmem:s23+$0x68E0] =	vst v3;
	v5 =	vadd.f32 $1.000000000e+00, v5;
	(erf) = vrcp.f32 v12;
	v6 =	vpop (erf)  }
0x98: {  	v9 =	vadd.f32 v13, v13;
	[tilespmem:s23+$0x68F0] =	vst v4;
	v6 =	vadd.f32 $1.000000000e+00, v6;
	v7 =	vpop (erf);
	(erf) = vrcp.f32 v2  }
0x99: {  	[tilespmem:s23+$0x6900] =	vst v0;
	v0 =	vsub.f32 $1.000000000e+00, v8;
	v2 =	vadd.f32 v7, v7;
	v3 =	vpop (erf);
	(erf) = vrcp.f32 v5  }
0x9a: {  	[tilespmem:s23+$0x6910] =	vst v1;
	v1 =	vsub.f32 $1.000000000e+00, v9;
	v3 =	vadd.f32 v3, v3;
	v4 =	vpop (erf);
	(erf) = vrcp.f32 v6  }
0x9b: {  	[tilespmem:s23+$0x6920] =	vst v0;
	v0 =	vsub.f32 $1.000000000e+00, v2;
	v2 =	vadd.f32 v4, v4;
	v4 =	vpop (erf)  }
0x9c: {  	[tilespmem:s23+$0x6930] =	vst v1;
	v1 =	vsub.f32 $1.000000000e+00, v3;
	v3 =	vadd.f32 v4, v4;
	v4 =	vpop (erf)  }
0x9d: {  	[tilespmem:s23+$0x6940] =	vst v0;
	v0 =	vsub.f32 $1.000000000e+00, v2;
	v2 =	vadd.f32 v4, v4;
	v4 =	vpop (erf)  }
0x9e: {  	[tilespmem:s23+$0x6950] =	vst v1;
	v1 =	vsub.f32 $1.000000000e+00, v3;
	v3 =	vadd.f32 v4, v4;
	v4 =	vpop (erf)  }
0x9f: {  	s25 =	sshra.s32 s24, $0x2;
	[tilespmem:s23+$0x6960] =	vst v0;
	v0 =	vsub.f32 $1.000000000e+00, v2;
	v2 =	vadd.f32 v4, v4;
	v4 =	vpop (erf)  }
0xa0: {  	v5 =	vld [tilespmem:s25+$0x6800];
	[tilespmem:s23+$0x6970] =	vst v1;
	v1 =	vsub.f32 $1.000000000e+00, v3;
	v3 =	vadd.f32 v4, v4;
	v4 =	vpop (erf)  }
0xa1: {  	v6 =	vld [tilespmem:s25+$0x6810];
	[tilespmem:s23+$0x6980] =	vst v0;
	v0 =	vsub.f32 $1.000000000e+00, v2;
	v2 =	vadd.f32 v4, v4;
	v4 =	vpop (erf)  }
0xa2: {  	v7 =	vld [tilespmem:s25+$0x6820];
	[tilespmem:s23+$0x6990] =	vst v1;
	v1 =	vsub.f32 $1.000000000e+00, v3;
	v3 =	vadd.f32 v4, v4;
	v4 =	vpop (erf)  }
0xa3: {  	v8 =	vld [tilespmem:s25+$0x6830];
	[tilespmem:s23+$0x69A0] =	vst v0;
	v0 =	vsub.f32 $1.000000000e+00, v2;
	v2 =	vadd.f32 v4, v4;
	v4 =	vpop (erf)  }
0xa4: {  	[tilespmem:s23+$0x69B0] =	vst v1;
	v1 =	vsub.f32 $1.000000000e+00, v3;
	v3 =	vadd.f32 v4, v4  }
0xa5: {  	v4 =	vadd.f32 v5, v5;
	[tilespmem:s23+$0x69C0] =	vst v0;
	v0 =	vsub.f32 $1.000000000e+00, v2  }
0xa6: {  	v2 =	vadd.f32 v6, v6;
	[tilespmem:s23+$0x69D0] =	vst v1;
	v1 =	vsub.f32 $1.000000000e+00, v3  }
0xa7: {  	v3 =	vmul.f32 $1.442695020e+00, v4;
	v4 =	vadd.f32 v7, v7;
	[tilespmem:s23+$0x69E0] =	vst v0  }
0xa8: {  	v0 =	vmul.f32 $1.442695020e+00, v2;
	v2 =	vadd.f32 v8, v8;
	[tilespmem:s23+$0x69F0] =	vst v1;
	s23 =	smov.u32 s25  }
0xa9: {  	v1 =	vmul.f32 $1.442695020e+00, v4;
	(erf) = vpow2.f32 v3  }
0xaa: {  	v2 =	vmul.f32 $1.442695020e+00, v2;
	(erf) = vpow2.f32 v0  }
0xab: {  	(erf) = vpow2.f32 v1  }
0xac: {  	(erf) = vpow2.f32 v2;
	_ =	sdelay $0x3  }
0xad: {  	v0 =	vld [tilespmem:s23+$0x6840]  }
0xae: {  	v1 =	vld [tilespmem:s23+$0x6850]  }
0xaf: {  	v2 =	vld [tilespmem:s23+$0x6860];
	v3 =	vpop (erf)  }
0xb0: {  	v9 =	vadd.f32 $1.000000000e+00, v3;
	v4 =	vld [tilespmem:s23+$0x6870];
	v5 =	vpop (erf)  }
0xb1: {  	v5 =	vadd.f32 $1.000000000e+00, v5;
	v6 =	vld [tilespmem:s23+$0x6880];
	v7 =	vpop (erf)  }
0xb2: {  	v7 =	vadd.f32 $1.000000000e+00, v7;
	v0 =	vadd.f32 v0, v0;
	v8 =	vld [tilespmem:s23+$0x6890];
	(erf) = vrcp.f32 v9;
	v3 =	vpop (erf)  }
0xb3: {  	v3 =	vadd.f32 $1.000000000e+00, v3;
	v1 =	vadd.f32 v1, v1;
	v9 =	vld [tilespmem:s23+$0x68A0];
	(erf) = vrcp.f32 v5  }
0xb4: {  	v0 =	vmul.f32 $1.442695020e+00, v0;
	v2 =	vadd.f32 v2, v2;
	v5 =	vld [tilespmem:s23+$0x68B0];
	(erf) = vrcp.f32 v7  }
0xb5: {  	v1 =	vmul.f32 $1.442695020e+00, v1;
	v4 =	vadd.f32 v4, v4;
	(erf) = vrcp.f32 v3  }
0xb6: {  	v2 =	vmul.f32 $1.442695020e+00, v2;
	v3 =	vadd.f32 v6, v6;
	(erf) = vpow2.f32 v0  }
0xb7: {  	v0 =	vmul.f32 $1.442695020e+00, v4;
	v4 =	vadd.f32 v8, v8;
	(erf) = vpow2.f32 v1  }
0xb8: {  	v1 =	vmul.f32 $1.442695020e+00, v3;
	v6 =	vadd.f32 v9, v9;
	(erf) = vpow2.f32 v2  }
0xb9: {  	v7 =	vmul.f32 $1.442695020e+00, v4;
	v4 =	vadd.f32 v5, v5;
	(erf) = vpow2.f32 v0  }
0xba: {  	v0 =	vmul.f32 $1.442695020e+00, v6;
	(erf) = vpow2.f32 v1  }
0xbb: {  	v1 =	vmul.f32 $1.442695020e+00, v4;
	v3 =	vpop (erf);
	(erf) = vpow2.f32 v7  }
0xbc: {  	v2 =	vpop (erf);
	(erf) = vpow2.f32 v0  }
0xbd: {  	v4 =	vpop (erf);
	(erf) = vpow2.f32 v1  }
0xbe: {  	v0 =	vadd.f32 v3, v3;
	v3 =	vpop (erf)  }
0xbf: {  	v2 =	vadd.f32 v2, v2;
	v5 =	vpop (erf)  }
0xc0: {  	v1 =	vsub.f32 $1.000000000e+00, v0;
	v9 =	vadd.f32 $1.000000000e+00, v5;
	v6 =	vpop (erf)  }
0xc1: {  	v0 =	vsub.f32 $1.000000000e+00, v2;
	v2 =	vadd.f32 $1.000000000e+00, v6;
	v6 =	vld [tilespmem:s23+$0x68C0];
	v7 =	vpop (erf)  }
0xc2: {  	v4 =	vadd.f32 v4, v4;
	v11 =	vadd.f32 $1.000000000e+00, v7;
	v8 =	vld [tilespmem:s23+$0x68D0];
	(erf) = vrcp.f32 v9;
	v5 =	vpop (erf)  }
0xc3: {  	v3 =	vadd.f32 v3, v3;
	v12 =	vadd.f32 $1.000000000e+00, v5;
	v9 =	vld [tilespmem:s23+$0x68E0];
	(erf) = vrcp.f32 v2;
	v10 =	vpop (erf)  }
0xc4: {  	v2 =	vsub.f32 $1.000000000e+00, v4;
	v13 =	vadd.f32 $1.000000000e+00, v10;
	v10 =	vld [tilespmem:s23+$0x68F0];
	(erf) = vrcp.f32 v11;
	v7 =	vpop (erf)  }
0xc5: {  	v3 =	vsub.f32 $1.000000000e+00, v3;
	v7 =	vadd.f32 $1.000000000e+00, v7;
	v11 =	vld [tilespmem:s23+$0x6900];
	(erf) = vrcp.f32 v12;
	v5 =	vpop (erf)  }
0xc6: {  	v5 =	vadd.f32 $1.000000000e+00, v5;
	v6 =	vadd.f32 v6, v6;
	v12 =	vld [tilespmem:s23+$0x6910];
	(erf) = vrcp.f32 v13;
	v4 =	vpop (erf)  }
0xc7: {  	v4 =	vadd.f32 $1.000000000e+00, v4;
	v8 =	vadd.f32 v8, v8;
	v13 =	vld [tilespmem:s23+$0x6920];
	(erf) = vrcp.f32 v7  }
0xc8: {  	v6 =	vmul.f32 $1.442695020e+00, v6;
	v7 =	vadd.f32 v9, v9;
	v9 =	vld [tilespmem:s23+$0x6930];
	(erf) = vrcp.f32 v5  }
0xc9: {  	v5 =	vmul.f32 $1.442695020e+00, v8;
	v8 =	vadd.f32 v10, v10;
	(erf) = vrcp.f32 v4  }
0xca: {  	v4 =	vmul.f32 $1.442695020e+00, v7;
	v7 =	vadd.f32 v11, v11;
	(erf) = vpow2.f32 v6  }
0xcb: {  	v6 =	vmul.f32 $1.442695020e+00, v8;
	v8 =	vadd.f32 v12, v12;
	v10 =	vpop (erf);
	(erf) = vpow2.f32 v5  }
0xcc: {  	v5 =	vmul.f32 $1.442695020e+00, v7;
	v7 =	vadd.f32 v13, v13;
	v11 =	vpop (erf);
	(erf) = vpow2.f32 v4  }
0xcd: {  	v4 =	vmul.f32 $1.442695020e+00, v8;
	v8 =	vadd.f32 v9, v9;
	v12 =	vpop (erf);
	(erf) = vpow2.f32 v6  }
0xce: {  	v6 =	vadd.f32 v10, v10;
	v7 =	vmul.f32 $1.442695020e+00, v7;
	v10 =	vpop (erf);
	(erf) = vpow2.f32 v5  }
0xcf: {  	v5 =	vadd.f32 v11, v11;
	v14 =	vmul.f32 $1.442695020e+00, v8;
	v13 =	vpop (erf);
	(erf) = vpow2.f32 v4  }
0xd0: {  	v9 =	vsub.f32 $1.000000000e+00, v6;
	v4 =	vadd.f32 v12, v12;
	v12 =	vpop (erf);
	(erf) = vpow2.f32 v7  }
0xd1: {  	v8 =	vsub.f32 $1.000000000e+00, v5;
	v5 =	vadd.f32 v10, v10;
	v10 =	vpop (erf);
	(erf) = vpow2.f32 v14  }
0xd2: {  	v7 =	vsub.f32 $1.000000000e+00, v4;
	v4 =	vadd.f32 v13, v13;
	v11 =	vpop (erf)  }
0xd3: {  	v12 =	vadd.f32 v12, v12;
	v6 =	vsub.f32 $1.000000000e+00, v5;
	v13 =	vpop (erf)  }
0xd4: {  	v5 =	vsub.f32 $1.000000000e+00, v4;
	v17 =	vadd.f32 $1.000000000e+00, v13;
	v14 =	vpop (erf)  }
0xd5: {  	v4 =	vsub.f32 $1.000000000e+00, v12;
	v19 =	vadd.f32 $1.000000000e+00, v14;
	v14 =	vld [tilespmem:s23+$0x6940];
	v15 =	vpop (erf)  }
0xd6: {  	v10 =	vadd.f32 v10, v10;
	v20 =	vadd.f32 $1.000000000e+00, v15;
	v16 =	vld [tilespmem:s23+$0x6950];
	(erf) = vrcp.f32 v17;
	v13 =	vpop (erf)  }
0xd7: {  	v11 =	vadd.f32 v11, v11;
	v17 =	vadd.f32 $1.000000000e+00, v13;
	v18 =	vld [tilespmem:s23+$0x6960];
	(erf) = vrcp.f32 v19;
	v12 =	vpop (erf)  }
0xd8: {  	v10 =	vsub.f32 $1.000000000e+00, v10;
	v21 =	vadd.f32 $1.000000000e+00, v12;
	v19 =	vld [tilespmem:s23+$0x6970];
	(erf) = vrcp.f32 v20;
	v15 =	vpop (erf)  }
0xd9: {  	v11 =	vsub.f32 $1.000000000e+00, v11;
	v15 =	vadd.f32 $1.000000000e+00, v15;
	v20 =	vld [tilespmem:s23+$0x6980];
	(erf) = vrcp.f32 v17;
	v13 =	vpop (erf)  }
0xda: {  	v13 =	vadd.f32 $1.000000000e+00, v13;
	v14 =	vadd.f32 v14, v14;
	v22 =	vld [tilespmem:s23+$0x6990];
	(erf) = vrcp.f32 v21;
	v12 =	vpop (erf)  }
.Ltmp6:
0xdb: {  	v12 =	vadd.f32 $1.000000000e+00, v12;
	v16 =	vadd.f32 v16, v16;
	v17 =	vld [tilespmem:s23+$0x69A0];
	(erf) = vrcp.f32 v15;
	(pc) =	sbr.rel @p3 .LBB2_6-.Ltmp6, $4  }
0xdc: {  	v23 =	vmul.f32 $1.442695020e+00, v14;
	v18 =	vadd.f32 v18, v18;
	v14 =	vld [tilespmem:s23+$0x69B0];
	(erf) = vrcp.f32 v13  }
0xdd: {  	v24 =	vmul.f32 $1.442695020e+00, v16;
	v13 =	vadd.f32 v19, v19;
	v15 =	vld [tilespmem:s23+$0x69C0];
	(erf) = vrcp.f32 v12  }
0xde: {  	v18 =	vmul.f32 $1.442695020e+00, v18;
	v21 =	vadd.f32 v20, v20;
	v16 =	vld [tilespmem:s23+$0x69D0];
	(erf) = vpow2.f32 v23  }
0xdf: {  	s24 =	sadd.s32 $0x800, s24;
	v19 =	vmul.f32 $1.442695020e+00, v13;
	v20 =	vadd.f32 v22, v22;
	v13 =	vld [tilespmem:s23+$0x69E0];
	v12 =	vpop (erf);
	(erf) = vpow2.f32 v24  }
0xe0: {  	v21 =	vmul.f32 $1.442695020e+00, v21;
	v17 =	vadd.f32 v17, v17;
	v22 =	vld [tilespmem:s23+$0x69F0];
	v23 =	vpop (erf);
	(erf) = vpow2.f32 v18  }
0xe1: {  	v35 =	vmul.f32 $1.442695020e+00, v20;
	v14 =	vadd.f32 v14, v14;
	v36 =	vpop (erf);
	(erf) = vpow2.f32 v19  }
0xe2: {  	v17 =	vmul.f32 $1.442695020e+00, v17;
	v15 =	vadd.f32 v15, v15;
	v37 =	vpop (erf);
	(erf) = vpow2.f32 v21  }
0xe3: {  	v14 =	vmul.f32 $1.442695020e+00, v14;
	v16 =	vadd.f32 v16, v16;
	v38 =	vpop (erf);
	(erf) = vpow2.f32 v35  }
0xe4: {  	[tilespmem:s23+$0x6800] =	vst v1;
	v39 =	vmul.f32 $1.442695020e+00, v15;
	v13 =	vadd.f32 v13, v13;
	v40 =	vpop (erf);
	(erf) = vpow2.f32 v17  }
0xe5: {  	[tilespmem:s23+$0x6810] =	vst v0;
	v41 =	vmul.f32 $1.442695020e+00, v16;
	v42 =	vadd.f32 v22, v22;
	v43 =	vpop (erf);
	(erf) = vpow2.f32 v14  }
0xe6: {  	[tilespmem:s23+$0x6820] =	vst v2;
	v44 =	vadd.f32 v12, v12;
	v45 =	vmul.f32 $1.442695020e+00, v13;
	v46 =	vpop (erf);
	(erf) = vpow2.f32 v39  }
0xe7: {  	[tilespmem:s23+$0x6830] =	vst v3;
	v47 =	vadd.f32 v23, v23;
	v48 =	vmul.f32 $1.442695020e+00, v42;
	v49 =	vpop (erf);
	(erf) = vpow2.f32 v41  }
0xe8: {  	[tilespmem:s23+$0x6840] =	vst v9;
	v50 =	vsub.f32 $1.000000000e+00, v44;
	v51 =	vadd.f32 $1.000000000e+00, v49;
	v52 =	vpop (erf);
	(erf) = vpow2.f32 v45  }
0xe9: {  	[tilespmem:s23+$0x6850] =	vst v8;
	v55 =	vadd.f32 v36, v36;
	v53 =	vadd.f32 $1.000000000e+00, v52;
	v54 =	vpop (erf);
	(erf) = vpow2.f32 v48  }
0xea: {  	[tilespmem:s23+$0x6860] =	vst v7;
	v1 =	vsub.f32 $1.000000000e+00, v47;
	v56 =	vadd.f32 $1.000000000e+00, v54;
	(erf) = vrcp.f32 v51;
	v57 =	vpop (erf)  }
0xeb: {  	[tilespmem:s23+$0x6870] =	vst v6;
	v58 =	vadd.f32 v37, v37;
	v2 =	vadd.f32 $1.000000000e+00, v57;
	(erf) = vrcp.f32 v53;
	v59 =	vpop (erf)  }
0xec: {  	[tilespmem:s23+$0x6880] =	vst v5;
	v3 =	vsub.f32 $1.000000000e+00, v55;
	v60 =	vadd.f32 $1.000000000e+00, v59;
	(erf) = vrcp.f32 v56;
	v61 =	vpop (erf)  }
0xed: {  	[tilespmem:s23+$0x6890] =	vst v4;
	v62 =	vsub.f32 $1.000000000e+00, v58;
	v63 =	vadd.f32 $1.000000000e+00, v61;
	(erf) = vrcp.f32 v2;
	v12 =	vpop (erf)  }
0xee: {  	[tilespmem:s23+$0x68A0] =	vst v10;
	v14 =	vadd.f32 v38, v38;
	v2 =	vadd.f32 $1.000000000e+00, v12;
	(erf) = vrcp.f32 v60;
	v16 =	vpop (erf)  }
0xef: {  	[tilespmem:s23+$0x68B0] =	vst v11;
	v18 =	vadd.f32 v40, v40;
	v5 =	vadd.f32 $1.000000000e+00, v16;
	(erf) = vrcp.f32 v63;
	v19 =	vpop (erf)  }
0xf0: {  	[tilespmem:s23+$0x68C0] =	vst v50;
	v24 =	vadd.f32 v43, v43;
	v6 =	vadd.f32 $1.000000000e+00, v19;
	(erf) = vrcp.f32 v2;
	v21 =	vpop (erf)  }
0xf1: {  	[tilespmem:s23+$0x68D0] =	vst v1;
	v20 =	vsub.f32 $1.000000000e+00, v14;
	v2 =	vadd.f32 $1.000000000e+00, v21;
	(erf) = vrcp.f32 v5;
	v23 =	vpop (erf)  }
0xf2: {  	[tilespmem:s23+$0x68E0] =	vst v3;
	v22 =	vsub.f32 $1.000000000e+00, v18;
	v5 =	vadd.f32 $1.000000000e+00, v23;
	(erf) = vrcp.f32 v6;
	v25 =	vpop (erf)  }
0xf3: {  	[tilespmem:s23+$0x68F0] =	vst v62;
	v26 =	vadd.f32 v46, v46;
	v6 =	vadd.f32 $1.000000000e+00, v25;
	v27 =	vpop (erf);
	(erf) = vrcp.f32 v2  }
0xf4: {  	v28 =	vsub.f32 $1.000000000e+00, v24;
	[tilespmem:s23+$0x6900] =	vst v20;
	v29 =	vadd.f32 v27, v27;
	v30 =	vpop (erf);
	(erf) = vrcp.f32 v5  }
0xf5: {  	[tilespmem:s23+$0x6910] =	vst v22;
	v31 =	vsub.f32 $1.000000000e+00, v26;
	v3 =	vadd.f32 v30, v30;
	v32 =	vpop (erf);
	(erf) = vrcp.f32 v6  }
0xf6: {  	[tilespmem:s23+$0x6920] =	vst v28;
	v33 =	vsub.f32 $1.000000000e+00, v29;
	v34 =	vadd.f32 v32, v32;
	v35 =	vpop (erf)  }
0xf7: {  	[tilespmem:s23+$0x6930] =	vst v31;
	v36 =	vsub.f32 $1.000000000e+00, v3;
	v37 =	vadd.f32 v35, v35;
	v38 =	vpop (erf)  }
0xf8: {  	[tilespmem:s23+$0x6940] =	vst v33;
	v39 =	vsub.f32 $1.000000000e+00, v34;
	v40 =	vadd.f32 v38, v38;
	v41 =	vpop (erf)  }
0xf9: {  	[tilespmem:s23+$0x6950] =	vst v36;
	v42 =	vsub.f32 $1.000000000e+00, v37;
	v43 =	vadd.f32 v41, v41;
	v44 =	vpop (erf)  }
0xfa: {  	[tilespmem:s23+$0x6960] =	vst v39;
	v45 =	vsub.f32 $1.000000000e+00, v40;
	v46 =	vadd.f32 v44, v44;
	v47 =	vpop (erf)  }
0xfb: {  	[tilespmem:s23+$0x6970] =	vst v42;
	v48 =	vsub.f32 $1.000000000e+00, v43;
	v49 =	vadd.f32 v47, v47;
	v50 =	vpop (erf)  }
0xfc: {  	[tilespmem:s23+$0x6980] =	vst v45;
	v51 =	vsub.f32 $1.000000000e+00, v46;
	v52 =	vadd.f32 v50, v50;
	v53 =	vpop (erf)  }
0xfd: {  	[tilespmem:s23+$0x6990] =	vst v48;
	v54 =	vsub.f32 $1.000000000e+00, v49;
	v55 =	vadd.f32 v53, v53;
	v56 =	vpop (erf)  }
0xfe: {  	[tilespmem:s23+$0x69A0] =	vst v51;
	v57 =	vsub.f32 $1.000000000e+00, v52;
	v58 =	vadd.f32 v56, v56;
	v59 =	vpop (erf)  }
0xff: {  	[tilespmem:s23+$0x69B0] =	vst v54;
	v60 =	vsub.f32 $1.000000000e+00, v55;
	v61 =	vadd.f32 v59, v59  }
0x100: {  	[tilespmem:s23+$0x69C0] =	vst v57;
	v62 =	vsub.f32 $1.000000000e+00, v58  }
0x101: {  	s22 =	sadd.s32 s7, s22;
	[tilespmem:s23+$0x69D0] =	vst v60;
	v63 =	vsub.f32 $1.000000000e+00, v61  }
0x102: {  	s22 =	sshll.u32 s22, $0xE;
	[tilespmem:s23+$0x69E0] =	vst v62  }
0x103: {  	s22 =	sadd.s32 s4, s22;
	[tilespmem:s23+$0x69F0] =	vst v63  }
0x104: {  	[hbm4b:s22+s15] =	stream.strided.scatter [tilespmem:s12], [sflag:$0x3], $0x8000, s16, s15, $0x38;
	[tilespmem:$0x16800] =	vst v63  }
.Ltmp7:
0x105: {  	p3 =	seq.s32 s20, $0xC;
	(pc) =	sbr.rel @!p2 .LBB2_12-.Ltmp7, $4  }
0x106: {  	s22 =	sshll.u32 @!p3 s20, $0xB;
	_ =	swait.ge [sflag:s17], $0x8000  }
0x107: {  	s24 =	simm.s32 @!p3 $0x6800;
	s22 =	sand.u32 @!p3 $0x3FFFF800, s22;
	[sflag:s17] =	ssyncset.done $0x0  }
0x108: {  	s23 =	simm.s32 @!p3 $0x400;
	s22 =	sadd.s32 @!p3 $0x800, s22;
	[sflag:s17] =	ssyncadd.s32 $0xFFFF8000  }
0x109: {  	[tilespmem:s24], [sflag:$0x1] =	stream.indirect.gather @!p3 [hbm4b:s3+s23], $0x20, s22, s23, $0xb8;
	[tilespmem:$0x16800] =	vst v63  }
0x10a: {  	_ =	swait.ge [sflag:s18], $0x8000  }
0x10b: {  	[sflag:s18] =	ssyncset.done $0x0  }
0x10c: {  	s22 =	simm.s32 $0x0;
	[sflag:s18] =	ssyncadd.s32 $0xFFFF8000  }
0x10d: {  	v0 =	vld [tilespmem:s22+$0xE800];
	_ =	sdelay $0x2  }
0x10e: {  	v1 =	vld [tilespmem:s22+$0xE810]  }
0x10f: {  	v2 =	vld [tilespmem:s22+$0xE820]  }
0x110: {  	v3 =	vld [tilespmem:s22+$0xE830];
	v0 =	vadd.f32 v0, v0;
	_ =	sdelay $0x1  }
0x111: {  	v0 =	vmul.f32 $1.442695020e+00, v0  }
0x112: {  	v1 =	vadd.f32 v1, v1  }
0x113: {  	v2 =	vadd.f32 v2, v2;
	(erf) = vpow2.f32 v0  }
0x114: {  	v3 =	vadd.f32 v3, v3;
	v1 =	vmul.f32 $1.442695020e+00, v1  }
0x115: {  	v2 =	vmul.f32 $1.442695020e+00, v2  }
0x116: {  	v0 =	vmul.f32 $1.442695020e+00, v3;
	(erf) = vpow2.f32 v1  }
0x117: {  	(erf) = vpow2.f32 v2  }
0x118: {  	(erf) = vpow2.f32 v0;
	_ =	sdelay $0x1  }
0x119: {  	v1 =	vld [tilespmem:s22+$0xE850]  }
0x11a: {  	v2 =	vld [tilespmem:s22+$0xE860]  }
0x11b: {  	v0 =	vld [tilespmem:s22+$0xE840];
	v3 =	vpop (erf)  }
0x11c: {  	v3 =	vadd.f32 $1.000000000e+00, v3  }
0x11d: {  	v4 =	vld [tilespmem:s22+$0xE870]  }
0x11e: {  	v6 =	vld [tilespmem:s22+$0xE880];
	v1 =	vadd.f32 v1, v1;
	v5 =	vpop (erf)  }
0x11f: {  	v8 =	vld [tilespmem:s22+$0xE890];
	v2 =	vadd.f32 v2, v2;
	v5 =	vadd.f32 $1.000000000e+00, v5;
	v7 =	vpop (erf)  }
0x120: {  	v9 =	vld [tilespmem:s22+$0xE8A0];
	v0 =	vadd.f32 v0, v0;
	v7 =	vadd.f32 $1.000000000e+00, v7;
	(erf) = vrcp.f32 v3;
	v3 =	vpop (erf)  }
0x121: {  	v1 =	vmul.f32 $1.442695020e+00, v1;
	(erf) = vrcp.f32 v5;
	v3 =	vadd.f32 $1.000000000e+00, v3  }
0x122: {  	v4 =	vadd.f32 v4, v4;
	v0 =	vmul.f32 $1.442695020e+00, v0;
	v5 =	vld [tilespmem:s22+$0xE8B0];
	(erf) = vrcp.f32 v7  }
0x123: {  	v2 =	vmul.f32 $1.442695020e+00, v2;
	(erf) = vrcp.f32 v3;
	v3 =	vadd.f32 v6, v6  }
0x124: {  	(erf) = vpow2.f32 v0;
	v0 =	vmul.f32 $1.442695020e+00, v4;
	v4 =	vadd.f32 v8, v8  }
0x125: {  	(erf) = vpow2.f32 v1;
	v1 =	vmul.f32 $1.442695020e+00, v3;
	v3 =	vadd.f32 v9, v9  }
0x126: {  	(erf) = vpow2.f32 v2;
	v2 =	vmul.f32 $1.442695020e+00, v4  }
0x127: {  	v4 =	vadd.f32 v5, v5  }
0x128: {  	(erf) = vpow2.f32 v0  }
0x129: {  	v0 =	vmul.f32 $1.442695020e+00, v3;
	(erf) = vpow2.f32 v1;
	v3 =	vpop (erf)  }
0x12a: {  	(erf) = vpow2.f32 v2;
	v2 =	vpop (erf)  }
0x12b: {  	v1 =	vmul.f32 $1.442695020e+00, v4;
	v4 =	vpop (erf)  }
0x12c: {  	(erf) = vpow2.f32 v0;
	v0 =	vadd.f32 v3, v3;
	v3 =	vpop (erf)  }
0x12d: {  	v5 =	vpop (erf)  }
0x12e: {  	v5 =	vadd.f32 $1.000000000e+00, v5  }
0x12f: {  	(erf) = vpow2.f32 v1;
	v2 =	vadd.f32 v2, v2  }
0x130: {  	v1 =	vsub.f32 $1.000000000e+00, v0;
	v6 =	vpop (erf)  }
0x131: {  	v0 =	vsub.f32 $1.000000000e+00, v2;
	v2 =	vadd.f32 $1.000000000e+00, v6;
	v6 =	vld [tilespmem:s22+$0xE8C0];
	v7 =	vpop (erf)  }
0x132: {  	v8 =	vld [tilespmem:s22+$0xE8D0];
	v4 =	vadd.f32 v4, v4;
	v7 =	vadd.f32 $1.000000000e+00, v7;
	(erf) = vrcp.f32 v5;
	v5 =	vpop (erf)  }
0x133: {  	v5 =	vadd.f32 $1.000000000e+00, v5;
	v10 =	vpop (erf)  }
0x134: {  	v9 =	vld [tilespmem:s22+$0xE8E0];
	(erf) = vrcp.f32 v2;
	v2 =	vsub.f32 $1.000000000e+00, v4;
	v4 =	vadd.f32 $1.000000000e+00, v10  }
0x135: {  	v10 =	vld [tilespmem:s22+$0xE8F0]  }
0x136: {  	v11 =	vld [tilespmem:s22+$0xE900];
	(erf) = vrcp.f32 v7;
	v7 =	vpop (erf);
	v6 =	vadd.f32 v6, v6  }
0x137: {  	v12 =	vld [tilespmem:s22+$0xE910];
	v8 =	vadd.f32 v8, v8;
	v7 =	vadd.f32 $1.000000000e+00, v7;
	(erf) = vrcp.f32 v5;
	v5 =	vpop (erf)  }
0x138: {  	v6 =	vmul.f32 $1.442695020e+00, v6;
	(erf) = vrcp.f32 v4;
	v5 =	vadd.f32 $1.000000000e+00, v5;
	v4 =	vpop (erf)  }
0x139: {  	(erf) = vrcp.f32 v7;
	v7 =	vadd.f32 v9, v9;
	v9 =	vld [tilespmem:s22+$0xE930];
	v4 =	vadd.f32 $1.000000000e+00, v4  }
0x13a: {  	v13 =	vld [tilespmem:s22+$0xE920];
	(erf) = vrcp.f32 v5;
	v5 =	vmul.f32 $1.442695020e+00, v8;
	v8 =	vadd.f32 v10, v10  }
0x13b: {  	(erf) = vrcp.f32 v4;
	v4 =	vmul.f32 $1.442695020e+00, v7;
	v7 =	vadd.f32 v11, v11  }
0x13c: {  	(erf) = vpow2.f32 v6;
	v6 =	vmul.f32 $1.442695020e+00, v8;
	v8 =	vadd.f32 v12, v12  }
0x13d: {  	v10 =	vpop (erf);
	(erf) = vpow2.f32 v5;
	v5 =	vmul.f32 $1.442695020e+00, v7  }
0x13e: {  	v11 =	vpop (erf);
	(erf) = vpow2.f32 v4;
	v4 =	vmul.f32 $1.442695020e+00, v8;
	v8 =	vadd.f32 v9, v9  }
0x13f: {  	v12 =	vpop (erf);
	v7 =	vadd.f32 v13, v13;
	(erf) = vpow2.f32 v6;
	v6 =	vadd.f32 v10, v10  }
0x140: {  	v10 =	vpop (erf);
	(erf) = vpow2.f32 v5;
	v5 =	vadd.f32 v11, v11;
	v11 =	vmul.f32 $1.442695020e+00, v8  }
0x141: {  	v7 =	vmul.f32 $1.442695020e+00, v7;
	v13 =	vpop (erf)  }
0x142: {  	(erf) = vpow2.f32 v4;
	v9 =	vsub.f32 $1.000000000e+00, v6;
	v4 =	vadd.f32 v12, v12;
	v12 =	vpop (erf)  }
0x143: {  	(erf) = vpow2.f32 v7;
	v8 =	vsub.f32 $1.000000000e+00, v5;
	v5 =	vadd.f32 v10, v10;
	v10 =	vpop (erf)  }
0x144: {  	(erf) = vpow2.f32 v11;
	v7 =	vsub.f32 $1.000000000e+00, v4;
	v4 =	vadd.f32 v13, v13;
	v11 =	vpop (erf)  }
0x145: {  	v12 =	vadd.f32 v12, v12;
	v6 =	vsub.f32 $1.000000000e+00, v5;
	v13 =	vpop (erf)  }
0x146: {  	v16 =	vld [tilespmem:s22+$0xE950];
	v5 =	vsub.f32 $1.000000000e+00, v4;
	v13 =	vadd.f32 $1.000000000e+00, v13;
	v14 =	vpop (erf)  }
0x147: {  	v18 =	vld [tilespmem:s22+$0xE960];
	v4 =	vsub.f32 $1.000000000e+00, v12;
	v12 =	vadd.f32 $1.000000000e+00, v14  }
0x148: {  	v20 =	vld [tilespmem:s22+$0xE980]  }
0x149: {  	v22 =	vld [tilespmem:s22+$0xE990];
	v15 =	vpop (erf)  }
0x14a: {  	v15 =	vadd.f32 $1.000000000e+00, v15;
	(erf) = vrcp.f32 v13;
	v13 =	vpop (erf)  }
0x14b: {  	v14 =	vld [tilespmem:s22+$0xE940];
	(erf) = vrcp.f32 v12;
	v13 =	vadd.f32 $1.000000000e+00, v13;
	v12 =	vpop (erf)  }
0x14c: {  	v16 =	vadd.f32 v16, v16;
	v12 =	vadd.f32 $1.000000000e+00, v12  }
0x14d: {  	v18 =	vadd.f32 v18, v18;
	v21 =	vadd.f32 v20, v20  }
0x14e: {  	v19 =	vld [tilespmem:s22+$0xE970];
	v20 =	vadd.f32 v22, v22;
	v24 =	vmul.f32 $1.442695020e+00, v16;
	(erf) = vrcp.f32 v15;
	v15 =	vpop (erf)  }
0x14f: {  	v18 =	vmul.f32 $1.442695020e+00, v18;
	v15 =	vadd.f32 $1.000000000e+00, v15;
	(erf) = vrcp.f32 v13;
	v13 =	vpop (erf)  }
0x150: {  	v14 =	vadd.f32 v14, v14;
	(erf) = vrcp.f32 v12;
	v13 =	vadd.f32 $1.000000000e+00, v13;
	v12 =	vpop (erf)  }
0x151: {  	v17 =	vld [tilespmem:s22+$0xE9A0];
	v3 =	vadd.f32 v3, v3;
	(erf) = vrcp.f32 v15;
	v12 =	vadd.f32 $1.000000000e+00, v12  }
0x152: {  	v10 =	vadd.f32 v10, v10;
	v23 =	vmul.f32 $1.442695020e+00, v14;
	v14 =	vld [tilespmem:s22+$0xE9B0];
	(erf) = vrcp.f32 v13  }
0x153: {  	v11 =	vadd.f32 v11, v11;
	v15 =	vld [tilespmem:s22+$0xE9C0];
	v13 =	vadd.f32 v19, v19;
	(erf) = vrcp.f32 v12  }
0x154: {  	v16 =	vld [tilespmem:s22+$0xE9D0];
	v3 =	vsub.f32 $1.000000000e+00, v3;
	v10 =	vsub.f32 $1.000000000e+00, v10;
	(erf) = vpow2.f32 v23  }
0x155: {  	s23 =	simm.s32 $0x800;
	v11 =	vsub.f32 $1.000000000e+00, v11;
	v19 =	vmul.f32 $1.442695020e+00, v13;
	v13 =	vld [tilespmem:s22+$0xE9E0];
	v12 =	vpop (erf);
	(erf) = vpow2.f32 v24  }
.LBB2_9:
0x156: {  	p2 =	sne.s32 s23, $0x1F800;
	v24 =	vmul.f32 $1.442695020e+00, v21;
	v17 =	vadd.f32 v17, v17;
	v22 =	vld [tilespmem:s22+$0xE9F0];
	v23 =	vpop (erf);
	(erf) = vpow2.f32 v18  }
0x157: {  	v18 =	vmul.f32 $1.442695020e+00, v20;
	v14 =	vadd.f32 v14, v14;
	v20 =	vpop (erf);
	(erf) = vpow2.f32 v19  }
0x158: {  	v26 =	vmul.f32 $1.442695020e+00, v17;
	v25 =	vadd.f32 v15, v15;
	v19 =	vpop (erf);
	(erf) = vpow2.f32 v24  }
0x159: {  	v14 =	vmul.f32 $1.442695020e+00, v14;
	v16 =	vadd.f32 v16, v16;
	v21 =	vpop (erf);
	(erf) = vpow2.f32 v18  }
0x15a: {  	[tilespmem:s22+$0xE800] =	vst v1;
	v1 =	vmul.f32 $1.442695020e+00, v25;
	v18 =	vadd.f32 v13, v13;
	v15 =	vpop (erf);
	(erf) = vpow2.f32 v26  }
0x15b: {  	[tilespmem:s22+$0xE810] =	vst v0;
	v0 =	vmul.f32 $1.442695020e+00, v16;
	v16 =	vadd.f32 v22, v22;
	v17 =	vpop (erf);
	(erf) = vpow2.f32 v14  }
0x15c: {  	[tilespmem:s22+$0xE820] =	vst v2;
	v2 =	vadd.f32 v12, v12;
	v12 =	vmul.f32 $1.442695020e+00, v18;
	v13 =	vpop (erf);
	(erf) = vpow2.f32 v1  }
0x15d: {  	v1 =	vadd.f32 v23, v23;
	[tilespmem:s22+$0xE830] =	vst v3;
	v3 =	vmul.f32 $1.442695020e+00, v16;
	v14 =	vpop (erf);
	(erf) = vpow2.f32 v0  }
0x15e: {  	[tilespmem:s22+$0xE840] =	vst v9;
	v0 =	vsub.f32 $1.000000000e+00, v2;
	v14 =	vadd.f32 $1.000000000e+00, v14;
	v9 =	vpop (erf);
	(erf) = vpow2.f32 v12  }
0x15f: {  	v1 =	vsub.f32 $1.000000000e+00, v1;
	[tilespmem:s22+$0xE850] =	vst v8;
	v12 =	vadd.f32 $1.000000000e+00, v9;
	v9 =	vpop (erf);
	(erf) = vpow2.f32 v3  }
0x160: {  	v3 =	vadd.f32 v20, v20;
	[tilespmem:s22+$0xE860] =	vst v7;
	v9 =	vadd.f32 $1.000000000e+00, v9;
	(erf) = vrcp.f32 v14;
	v2 =	vpop (erf)  }
0x161: {  	[tilespmem:s22+$0xE870] =	vst v6;
	v6 =	vadd.f32 v19, v19;
	v14 =	vadd.f32 $1.000000000e+00, v2;
	(erf) = vrcp.f32 v12;
	v8 =	vpop (erf)  }
0x162: {  	v3 =	vsub.f32 $1.000000000e+00, v3;
	[tilespmem:s22+$0xE880] =	vst v5;
	v8 =	vadd.f32 $1.000000000e+00, v8;
	(erf) = vrcp.f32 v9;
	v7 =	vpop (erf)  }
0x163: {  	[tilespmem:s22+$0xE890] =	vst v4;
	v4 =	vsub.f32 $1.000000000e+00, v6;
	v9 =	vadd.f32 $1.000000000e+00, v7;
	(erf) = vrcp.f32 v14;
	v2 =	vpop (erf)  }
0x164: {  	v7 =	vadd.f32 v21, v21;
	[tilespmem:s22+$0xE8A0] =	vst v10;
	v10 =	vadd.f32 $1.000000000e+00, v2;
	(erf) = vrcp.f32 v8;
	v5 =	vpop (erf)  }
0x165: {  	v8 =	vadd.f32 v15, v15;
	[tilespmem:s22+$0xE8B0] =	vst v11;
	v11 =	vadd.f32 $1.000000000e+00, v5;
	(erf) = vrcp.f32 v9;
	v6 =	vpop (erf)  }
0x166: {  	[tilespmem:s22+$0xE8C0] =	vst v0;
	v0 =	vsub.f32 $1.000000000e+00, v7;
	v12 =	vadd.f32 $1.000000000e+00, v6;
	(erf) = vrcp.f32 v10;
	v2 =	vpop (erf)  }
0x167: {  	[tilespmem:s22+$0xE8D0] =	vst v1;
	v1 =	vsub.f32 $1.000000000e+00, v8;
	v2 =	vadd.f32 $1.000000000e+00, v2;
	(erf) = vrcp.f32 v11;
	v5 =	vpop (erf)  }
0x168: {  	v8 =	vadd.f32 v17, v17;
	[tilespmem:s22+$0xE8E0] =	vst v3;
	v5 =	vadd.f32 $1.000000000e+00, v5;
	(erf) = vrcp.f32 v12;
	v6 =	vpop (erf)  }
0x169: {  	v9 =	vadd.f32 v13, v13;
	[tilespmem:s22+$0xE8F0] =	vst v4;
	v6 =	vadd.f32 $1.000000000e+00, v6;
	v7 =	vpop (erf);
	(erf) = vrcp.f32 v2  }
0x16a: {  	[tilespmem:s22+$0xE900] =	vst v0;
	v0 =	vsub.f32 $1.000000000e+00, v8;
	v2 =	vadd.f32 v7, v7;
	v3 =	vpop (erf);
	(erf) = vrcp.f32 v5  }
0x16b: {  	[tilespmem:s22+$0xE910] =	vst v1;
	v1 =	vsub.f32 $1.000000000e+00, v9;
	v3 =	vadd.f32 v3, v3;
	v4 =	vpop (erf);
	(erf) = vrcp.f32 v6  }
0x16c: {  	[tilespmem:s22+$0xE920] =	vst v0;
	v0 =	vsub.f32 $1.000000000e+00, v2;
	v2 =	vadd.f32 v4, v4;
	v4 =	vpop (erf)  }
0x16d: {  	[tilespmem:s22+$0xE930] =	vst v1;
	v1 =	vsub.f32 $1.000000000e+00, v3;
	v3 =	vadd.f32 v4, v4;
	v4 =	vpop (erf)  }
0x16e: {  	[tilespmem:s22+$0xE940] =	vst v0;
	v0 =	vsub.f32 $1.000000000e+00, v2;
	v2 =	vadd.f32 v4, v4;
	v4 =	vpop (erf)  }
0x16f: {  	[tilespmem:s22+$0xE950] =	vst v1;
	v1 =	vsub.f32 $1.000000000e+00, v3;
	v3 =	vadd.f32 v4, v4;
	v4 =	vpop (erf)  }
0x170: {  	s24 =	sshra.s32 s23, $0x2;
	[tilespmem:s22+$0xE960] =	vst v0;
	v0 =	vsub.f32 $1.000000000e+00, v2;
	v2 =	vadd.f32 v4, v4;
	v4 =	vpop (erf)  }
0x171: {  	v5 =	vld [tilespmem:s24+$0xE800];
	[tilespmem:s22+$0xE970] =	vst v1;
	v1 =	vsub.f32 $1.000000000e+00, v3;
	v3 =	vadd.f32 v4, v4;
	v4 =	vpop (erf)  }
0x172: {  	v6 =	vld [tilespmem:s24+$0xE810];
	[tilespmem:s22+$0xE980] =	vst v0;
	v0 =	vsub.f32 $1.000000000e+00, v2;
	v2 =	vadd.f32 v4, v4;
	v4 =	vpop (erf)  }
0x173: {  	v7 =	vld [tilespmem:s24+$0xE820];
	[tilespmem:s22+$0xE990] =	vst v1;
	v1 =	vsub.f32 $1.000000000e+00, v3;
	v3 =	vadd.f32 v4, v4;
	v4 =	vpop (erf)  }
0x174: {  	v8 =	vld [tilespmem:s24+$0xE830];
	[tilespmem:s22+$0xE9A0] =	vst v0;
	v0 =	vsub.f32 $1.000000000e+00, v2;
	v2 =	vadd.f32 v4, v4;
	v4 =	vpop (erf)  }
0x175: {  	[tilespmem:s22+$0xE9B0] =	vst v1;
	v1 =	vsub.f32 $1.000000000e+00, v3;
	v3 =	vadd.f32 v4, v4  }
0x176: {  	v4 =	vadd.f32 v5, v5;
	[tilespmem:s22+$0xE9C0] =	vst v0;
	v0 =	vsub.f32 $1.000000000e+00, v2  }
0x177: {  	v2 =	vadd.f32 v6, v6;
	[tilespmem:s22+$0xE9D0] =	vst v1;
	v1 =	vsub.f32 $1.000000000e+00, v3  }
0x178: {  	v3 =	vmul.f32 $1.442695020e+00, v4;
	v4 =	vadd.f32 v7, v7;
	[tilespmem:s22+$0xE9E0] =	vst v0  }
0x179: {  	v0 =	vmul.f32 $1.442695020e+00, v2;
	v2 =	vadd.f32 v8, v8;
	[tilespmem:s22+$0xE9F0] =	vst v1;
	s22 =	smov.u32 s24  }
0x17a: {  	v1 =	vmul.f32 $1.442695020e+00, v4;
	(erf) = vpow2.f32 v3  }
0x17b: {  	v2 =	vmul.f32 $1.442695020e+00, v2;
	(erf) = vpow2.f32 v0  }
0x17c: {  	(erf) = vpow2.f32 v1  }
0x17d: {  	(erf) = vpow2.f32 v2;
	_ =	sdelay $0x3  }
0x17e: {  	v0 =	vld [tilespmem:s22+$0xE840]  }
0x17f: {  	v1 =	vld [tilespmem:s22+$0xE850]  }
0x180: {  	v2 =	vld [tilespmem:s22+$0xE860];
	v3 =	vpop (erf)  }
0x181: {  	v9 =	vadd.f32 $1.000000000e+00, v3;
	v4 =	vld [tilespmem:s22+$0xE870];
	v5 =	vpop (erf)  }
0x182: {  	v5 =	vadd.f32 $1.000000000e+00, v5;
	v6 =	vld [tilespmem:s22+$0xE880];
	v7 =	vpop (erf)  }
0x183: {  	v7 =	vadd.f32 $1.000000000e+00, v7;
	v0 =	vadd.f32 v0, v0;
	v8 =	vld [tilespmem:s22+$0xE890];
	(erf) = vrcp.f32 v9;
	v3 =	vpop (erf)  }
0x184: {  	v3 =	vadd.f32 $1.000000000e+00, v3;
	v1 =	vadd.f32 v1, v1;
	v9 =	vld [tilespmem:s22+$0xE8A0];
	(erf) = vrcp.f32 v5  }
0x185: {  	v0 =	vmul.f32 $1.442695020e+00, v0;
	v2 =	vadd.f32 v2, v2;
	v5 =	vld [tilespmem:s22+$0xE8B0];
	(erf) = vrcp.f32 v7  }
0x186: {  	v1 =	vmul.f32 $1.442695020e+00, v1;
	v4 =	vadd.f32 v4, v4;
	(erf) = vrcp.f32 v3  }
0x187: {  	v2 =	vmul.f32 $1.442695020e+00, v2;
	v3 =	vadd.f32 v6, v6;
	(erf) = vpow2.f32 v0  }
0x188: {  	v0 =	vmul.f32 $1.442695020e+00, v4;
	v4 =	vadd.f32 v8, v8;
	(erf) = vpow2.f32 v1  }
0x189: {  	v1 =	vmul.f32 $1.442695020e+00, v3;
	v6 =	vadd.f32 v9, v9;
	(erf) = vpow2.f32 v2  }
0x18a: {  	v7 =	vmul.f32 $1.442695020e+00, v4;
	v4 =	vadd.f32 v5, v5;
	(erf) = vpow2.f32 v0  }
0x18b: {  	v0 =	vmul.f32 $1.442695020e+00, v6;
	(erf) = vpow2.f32 v1  }
0x18c: {  	v1 =	vmul.f32 $1.442695020e+00, v4;
	v3 =	vpop (erf);
	(erf) = vpow2.f32 v7  }
0x18d: {  	v2 =	vpop (erf);
	(erf) = vpow2.f32 v0  }
0x18e: {  	v4 =	vpop (erf);
	(erf) = vpow2.f32 v1  }
0x18f: {  	v0 =	vadd.f32 v3, v3;
	v3 =	vpop (erf)  }
0x190: {  	v2 =	vadd.f32 v2, v2;
	v5 =	vpop (erf)  }
0x191: {  	v1 =	vsub.f32 $1.000000000e+00, v0;
	v9 =	vadd.f32 $1.000000000e+00, v5;
	v6 =	vpop (erf)  }
0x192: {  	v0 =	vsub.f32 $1.000000000e+00, v2;
	v2 =	vadd.f32 $1.000000000e+00, v6;
	v6 =	vld [tilespmem:s22+$0xE8C0];
	v7 =	vpop (erf)  }
0x193: {  	v4 =	vadd.f32 v4, v4;
	v11 =	vadd.f32 $1.000000000e+00, v7;
	v8 =	vld [tilespmem:s22+$0xE8D0];
	(erf) = vrcp.f32 v9;
	v5 =	vpop (erf)  }
0x194: {  	v3 =	vadd.f32 v3, v3;
	v12 =	vadd.f32 $1.000000000e+00, v5;
	v9 =	vld [tilespmem:s22+$0xE8E0];
	(erf) = vrcp.f32 v2;
	v10 =	vpop (erf)  }
0x195: {  	v2 =	vsub.f32 $1.000000000e+00, v4;
	v13 =	vadd.f32 $1.000000000e+00, v10;
	v10 =	vld [tilespmem:s22+$0xE8F0];
	(erf) = vrcp.f32 v11;
	v7 =	vpop (erf)  }
0x196: {  	v3 =	vsub.f32 $1.000000000e+00, v3;
	v7 =	vadd.f32 $1.000000000e+00, v7;
	v11 =	vld [tilespmem:s22+$0xE900];
	(erf) = vrcp.f32 v12;
	v5 =	vpop (erf)  }
0x197: {  	v5 =	vadd.f32 $1.000000000e+00, v5;
	v6 =	vadd.f32 v6, v6;
	v12 =	vld [tilespmem:s22+$0xE910];
	(erf) = vrcp.f32 v13;
	v4 =	vpop (erf)  }
0x198: {  	v4 =	vadd.f32 $1.000000000e+00, v4;
	v8 =	vadd.f32 v8, v8;
	v13 =	vld [tilespmem:s22+$0xE920];
	(erf) = vrcp.f32 v7  }
0x199: {  	v6 =	vmul.f32 $1.442695020e+00, v6;
	v7 =	vadd.f32 v9, v9;
	v9 =	vld [tilespmem:s22+$0xE930];
	(erf) = vrcp.f32 v5  }
0x19a: {  	v5 =	vmul.f32 $1.442695020e+00, v8;
	v8 =	vadd.f32 v10, v10;
	(erf) = vrcp.f32 v4  }
0x19b: {  	v4 =	vmul.f32 $1.442695020e+00, v7;
	v7 =	vadd.f32 v11, v11;
	(erf) = vpow2.f32 v6  }
0x19c: {  	v6 =	vmul.f32 $1.442695020e+00, v8;
	v8 =	vadd.f32 v12, v12;
	v10 =	vpop (erf);
	(erf) = vpow2.f32 v5  }
0x19d: {  	v5 =	vmul.f32 $1.442695020e+00, v7;
	v7 =	vadd.f32 v13, v13;
	v11 =	vpop (erf);
	(erf) = vpow2.f32 v4  }
0x19e: {  	v4 =	vmul.f32 $1.442695020e+00, v8;
	v8 =	vadd.f32 v9, v9;
	v12 =	vpop (erf);
	(erf) = vpow2.f32 v6  }
0x19f: {  	v6 =	vadd.f32 v10, v10;
	v7 =	vmul.f32 $1.442695020e+00, v7;
	v10 =	vpop (erf);
	(erf) = vpow2.f32 v5  }
0x1a0: {  	v5 =	vadd.f32 v11, v11;
	v14 =	vmul.f32 $1.442695020e+00, v8;
	v13 =	vpop (erf);
	(erf) = vpow2.f32 v4  }
0x1a1: {  	v9 =	vsub.f32 $1.000000000e+00, v6;
	v4 =	vadd.f32 v12, v12;
	v12 =	vpop (erf);
	(erf) = vpow2.f32 v7  }
0x1a2: {  	v8 =	vsub.f32 $1.000000000e+00, v5;
	v5 =	vadd.f32 v10, v10;
	v10 =	vpop (erf);
	(erf) = vpow2.f32 v14  }
0x1a3: {  	v7 =	vsub.f32 $1.000000000e+00, v4;
	v4 =	vadd.f32 v13, v13;
	v11 =	vpop (erf)  }
0x1a4: {  	v12 =	vadd.f32 v12, v12;
	v6 =	vsub.f32 $1.000000000e+00, v5;
	v13 =	vpop (erf)  }
0x1a5: {  	v5 =	vsub.f32 $1.000000000e+00, v4;
	v17 =	vadd.f32 $1.000000000e+00, v13;
	v14 =	vpop (erf)  }
0x1a6: {  	v4 =	vsub.f32 $1.000000000e+00, v12;
	v19 =	vadd.f32 $1.000000000e+00, v14;
	v14 =	vld [tilespmem:s22+$0xE940];
	v15 =	vpop (erf)  }
0x1a7: {  	v10 =	vadd.f32 v10, v10;
	v20 =	vadd.f32 $1.000000000e+00, v15;
	v16 =	vld [tilespmem:s22+$0xE950];
	(erf) = vrcp.f32 v17;
	v13 =	vpop (erf)  }
0x1a8: {  	v11 =	vadd.f32 v11, v11;
	v17 =	vadd.f32 $1.000000000e+00, v13;
	v18 =	vld [tilespmem:s22+$0xE960];
	(erf) = vrcp.f32 v19;
	v12 =	vpop (erf)  }
0x1a9: {  	v10 =	vsub.f32 $1.000000000e+00, v10;
	v21 =	vadd.f32 $1.000000000e+00, v12;
	v19 =	vld [tilespmem:s22+$0xE970];
	(erf) = vrcp.f32 v20;
	v15 =	vpop (erf)  }
0x1aa: {  	v11 =	vsub.f32 $1.000000000e+00, v11;
	v15 =	vadd.f32 $1.000000000e+00, v15;
	v20 =	vld [tilespmem:s22+$0xE980];
	(erf) = vrcp.f32 v17;
	v13 =	vpop (erf)  }
0x1ab: {  	v13 =	vadd.f32 $1.000000000e+00, v13;
	v14 =	vadd.f32 v14, v14;
	v22 =	vld [tilespmem:s22+$0xE990];
	(erf) = vrcp.f32 v21;
	v12 =	vpop (erf)  }
.Ltmp8:
0x1ac: {  	v12 =	vadd.f32 $1.000000000e+00, v12;
	v16 =	vadd.f32 v16, v16;
	v17 =	vld [tilespmem:s22+$0xE9A0];
	(erf) = vrcp.f32 v15;
	(pc) =	sbr.rel @p2 .LBB2_9-.Ltmp8, $4  }
0x1ad: {  	v23 =	vmul.f32 $1.442695020e+00, v14;
	v18 =	vadd.f32 v18, v18;
	v14 =	vld [tilespmem:s22+$0xE9B0];
	(erf) = vrcp.f32 v13  }
0x1ae: {  	v24 =	vmul.f32 $1.442695020e+00, v16;
	v13 =	vadd.f32 v19, v19;
	v15 =	vld [tilespmem:s22+$0xE9C0];
	(erf) = vrcp.f32 v12  }
0x1af: {  	v18 =	vmul.f32 $1.442695020e+00, v18;
	v21 =	vadd.f32 v20, v20;
	v16 =	vld [tilespmem:s22+$0xE9D0];
	(erf) = vpow2.f32 v23  }
0x1b0: {  	s23 =	sadd.s32 $0x800, s23;
	v19 =	vmul.f32 $1.442695020e+00, v13;
	v20 =	vadd.f32 v22, v22;
	v13 =	vld [tilespmem:s22+$0xE9E0];
	v12 =	vpop (erf);
	(erf) = vpow2.f32 v24  }
0x1b1: {  	v21 =	vmul.f32 $1.442695020e+00, v21;
	v17 =	vadd.f32 v17, v17;
	v22 =	vld [tilespmem:s22+$0xE9F0];
	v23 =	vpop (erf);
	(erf) = vpow2.f32 v18  }
0x1b2: {  	v35 =	vmul.f32 $1.442695020e+00, v20;
	v14 =	vadd.f32 v14, v14;
	v36 =	vpop (erf);
	(erf) = vpow2.f32 v19  }
0x1b3: {  	v17 =	vmul.f32 $1.442695020e+00, v17;
	v15 =	vadd.f32 v15, v15;
	v37 =	vpop (erf);
	(erf) = vpow2.f32 v21  }
0x1b4: {  	v14 =	vmul.f32 $1.442695020e+00, v14;
	v16 =	vadd.f32 v16, v16;
	v38 =	vpop (erf);
	(erf) = vpow2.f32 v35  }
0x1b5: {  	[tilespmem:s22+$0xE800] =	vst v1;
	v39 =	vmul.f32 $1.442695020e+00, v15;
	v13 =	vadd.f32 v13, v13;
	v40 =	vpop (erf);
	(erf) = vpow2.f32 v17  }
0x1b6: {  	[tilespmem:s22+$0xE810] =	vst v0;
	v41 =	vmul.f32 $1.442695020e+00, v16;
	v42 =	vadd.f32 v22, v22;
	v43 =	vpop (erf);
	(erf) = vpow2.f32 v14  }
0x1b7: {  	[tilespmem:s22+$0xE820] =	vst v2;
	v44 =	vadd.f32 v12, v12;
	v45 =	vmul.f32 $1.442695020e+00, v13;
	v46 =	vpop (erf);
	(erf) = vpow2.f32 v39  }
0x1b8: {  	[tilespmem:s22+$0xE830] =	vst v3;
	v47 =	vadd.f32 v23, v23;
	v48 =	vmul.f32 $1.442695020e+00, v42;
	v49 =	vpop (erf);
	(erf) = vpow2.f32 v41  }
0x1b9: {  	[tilespmem:s22+$0xE840] =	vst v9;
	v50 =	vsub.f32 $1.000000000e+00, v44;
	v51 =	vadd.f32 $1.000000000e+00, v49;
	v52 =	vpop (erf);
	(erf) = vpow2.f32 v45  }
0x1ba: {  	[tilespmem:s22+$0xE850] =	vst v8;
	v55 =	vadd.f32 v36, v36;
	v53 =	vadd.f32 $1.000000000e+00, v52;
	v54 =	vpop (erf);
	(erf) = vpow2.f32 v48  }
0x1bb: {  	[tilespmem:s22+$0xE860] =	vst v7;
	v1 =	vsub.f32 $1.000000000e+00, v47;
	v56 =	vadd.f32 $1.000000000e+00, v54;
	(erf) = vrcp.f32 v51;
	v57 =	vpop (erf)  }
0x1bc: {  	[tilespmem:s22+$0xE870] =	vst v6;
	v58 =	vadd.f32 v37, v37;
	v2 =	vadd.f32 $1.000000000e+00, v57;
	(erf) = vrcp.f32 v53;
	v59 =	vpop (erf)  }
0x1bd: {  	[tilespmem:s22+$0xE880] =	vst v5;
	v3 =	vsub.f32 $1.000000000e+00, v55;
	v60 =	vadd.f32 $1.000000000e+00, v59;
	(erf) = vrcp.f32 v56;
	v61 =	vpop (erf)  }
0x1be: {  	[tilespmem:s22+$0xE890] =	vst v4;
	v62 =	vsub.f32 $1.000000000e+00, v58;
	v63 =	vadd.f32 $1.000000000e+00, v61;
	(erf) = vrcp.f32 v2;
	v12 =	vpop (erf)  }
0x1bf: {  	[tilespmem:s22+$0xE8A0] =	vst v10;
	v14 =	vadd.f32 v38, v38;
	v2 =	vadd.f32 $1.000000000e+00, v12;
	(erf) = vrcp.f32 v60;
	v16 =	vpop (erf)  }
0x1c0: {  	[tilespmem:s22+$0xE8B0] =	vst v11;
	v18 =	vadd.f32 v40, v40;
	v5 =	vadd.f32 $1.000000000e+00, v16;
	(erf) = vrcp.f32 v63;
	v19 =	vpop (erf)  }
0x1c1: {  	[tilespmem:s22+$0xE8C0] =	vst v50;
	v24 =	vadd.f32 v43, v43;
	v6 =	vadd.f32 $1.000000000e+00, v19;
	(erf) = vrcp.f32 v2;
	v21 =	vpop (erf)  }
0x1c2: {  	[tilespmem:s22+$0xE8D0] =	vst v1;
	v20 =	vsub.f32 $1.000000000e+00, v14;
	v2 =	vadd.f32 $1.000000000e+00, v21;
	(erf) = vrcp.f32 v5;
	v23 =	vpop (erf)  }
0x1c3: {  	[tilespmem:s22+$0xE8E0] =	vst v3;
	v22 =	vsub.f32 $1.000000000e+00, v18;
	v5 =	vadd.f32 $1.000000000e+00, v23;
	(erf) = vrcp.f32 v6;
	v25 =	vpop (erf)  }
0x1c4: {  	[tilespmem:s22+$0xE8F0] =	vst v62;
	v26 =	vadd.f32 v46, v46;
	v6 =	vadd.f32 $1.000000000e+00, v25;
	v27 =	vpop (erf);
	(erf) = vrcp.f32 v2  }
0x1c5: {  	v28 =	vsub.f32 $1.000000000e+00, v24;
	[tilespmem:s22+$0xE900] =	vst v20;
	v29 =	vadd.f32 v27, v27;
	v30 =	vpop (erf);
	(erf) = vrcp.f32 v5  }
0x1c6: {  	[tilespmem:s22+$0xE910] =	vst v22;
	v31 =	vsub.f32 $1.000000000e+00, v26;
	v3 =	vadd.f32 v30, v30;
	v32 =	vpop (erf);
	(erf) = vrcp.f32 v6  }
0x1c7: {  	[tilespmem:s22+$0xE920] =	vst v28;
	v33 =	vsub.f32 $1.000000000e+00, v29;
	v34 =	vadd.f32 v32, v32;
	v35 =	vpop (erf)  }
0x1c8: {  	[tilespmem:s22+$0xE930] =	vst v31;
	v36 =	vsub.f32 $1.000000000e+00, v3;
	v37 =	vadd.f32 v35, v35;
	v38 =	vpop (erf)  }
0x1c9: {  	[tilespmem:s22+$0xE940] =	vst v33;
	v39 =	vsub.f32 $1.000000000e+00, v34;
	v40 =	vadd.f32 v38, v38;
	v41 =	vpop (erf)  }
0x1ca: {  	[tilespmem:s22+$0xE950] =	vst v36;
	v42 =	vsub.f32 $1.000000000e+00, v37;
	v43 =	vadd.f32 v41, v41;
	v44 =	vpop (erf)  }
0x1cb: {  	[tilespmem:s22+$0xE960] =	vst v39;
	v45 =	vsub.f32 $1.000000000e+00, v40;
	v46 =	vadd.f32 v44, v44;
	v47 =	vpop (erf)  }
0x1cc: {  	[tilespmem:s22+$0xE970] =	vst v42;
	v48 =	vsub.f32 $1.000000000e+00, v43;
	v49 =	vadd.f32 v47, v47;
	v50 =	vpop (erf)  }
0x1cd: {  	[tilespmem:s22+$0xE980] =	vst v45;
	v51 =	vsub.f32 $1.000000000e+00, v46;
	v52 =	vadd.f32 v50, v50;
	v53 =	vpop (erf)  }
0x1ce: {  	[tilespmem:s22+$0xE990] =	vst v48;
	v54 =	vsub.f32 $1.000000000e+00, v49;
	v55 =	vadd.f32 v53, v53;
	v56 =	vpop (erf)  }
0x1cf: {  	[tilespmem:s22+$0xE9A0] =	vst v51;
	v57 =	vsub.f32 $1.000000000e+00, v52;
	v58 =	vadd.f32 v56, v56;
	v59 =	vpop (erf)  }
0x1d0: {  	[tilespmem:s22+$0xE9B0] =	vst v54;
	v60 =	vsub.f32 $1.000000000e+00, v55;
	v61 =	vadd.f32 v59, v59  }
0x1d1: {  	s21 =	sadd.s32 @p1 s7, s21;
	[tilespmem:s22+$0xE9C0] =	vst v57;
	v62 =	vsub.f32 $1.000000000e+00, v58  }
0x1d2: {  	s21 =	sshll.u32 @p1 s21, $0xE;
	[tilespmem:s22+$0xE9D0] =	vst v60;
	v63 =	vsub.f32 $1.000000000e+00, v61  }
0x1d3: {  	s23 =	simm.s32 @p1 $0x80;
	s21 =	sand.u32 @p1 $0x1FFFC000, s21;
	[tilespmem:s22+$0xE9E0] =	vst v62  }
0x1d4: {  	s24 =	simm.s32 @p1 $0xE800;
	s21 =	sadd.s32 @p1 s4, s21;
	[tilespmem:s22+$0xE9F0] =	vst v63;
	s22 =	simm.s32 @p1 $0x20  }
0x1d5: {  	[hbm4b:s21+s22] =	stream.strided.scatter @p1 [tilespmem:s24], [sflag:$0x4], $0x8000, s23, s22, $0x38;
	[tilespmem:$0x16800] =	vst v63  }
0x1d6: {  	p1 =	sne.s32 s20, $0xC  }
.Ltmp9:
0x1d7: {  	_ = 	snop;
	(pc) =	sbr.rel @p1 .LBB2_12-.Ltmp9, $1  }
0x1d8: {  	_ =	sdelay $0x3  }
.Ltmp10:
0x1d9: {  	(pc) =	sbr.rel .LBB2_13-.Ltmp10, $2  }
0x1da: {  	_ =	sdelay $0x2  }
0x1db: {  	[hbm4b:s8+s15] =	stream.strided.scatter [tilespmem:s14], [sflag:$0x4], $0x8000, s16, s15, $0x38;
	[tilespmem:$0x16800] =	vst v63  }
.LBB2_14:
0x1dc: {  	_ =	sfence.sel $0x180000  }
0x1dd: {  	[bflag:$0x0] =	sbarrier.arrive $0xFFFF  }
0x1de: {  	p0 =	sne.s32 s1, $0x0;
	_ =	strace $0x90000047  }
0x1df: {  	s0 =	sadd.s32 @!p0 $0x100000, s0;
	[bflag:$0x2] =	sbarrier.arrive $0xFFFF  }
0x1e0: {  	[sflag:s0] =	ssyncadd.tile.s32 @!p0 $0x1;
	_ =	shalt  }
.Lfunc_end2:
_tile_overlayer_lowered:
.L_overlay_start_2:
0x1e1: {  	(tag) =	ssettag $0x2  }
0x1e2: {  	s0 =	rddreg [dreg:$0x0];
	s2 =	stileid.u32  }
0x1e3: {  	s1 =	rddreg [dreg:$0x1];
	p0 =	sne.s32 s2, $0x0  }
0x1e4: {  	s3 =	rddreg [dreg:$0x2];
	[bflag:$0x3] =	sbarrier.arrive $0xFFFF;
	s2 =	simm.s32 @!p0 $0x1C05  }
0x1e5: {  	[timem:s3], [sflag:s2] =	dma.local @!p0 [hbm:s0], s1  }
0x1e6: {  	s0 =	simm.s32 @!p0 $0x5  }
0x1e7: {  	_ =	swait.ge @!p0 [sflag:s0], s1  }
0x1e8: {  	s1 =	ssub.s32 @!p0 $0x0, s1;
	[sflag:s0] =	ssyncset.done @!p0 $0x0  }
0x1e9: {  	[sflag:s0] =	ssyncadd.s32 @!p0 s1  }
0x1ea: {  	[bflag:$0x3] =	sbarrier.arrive $0xFFFF  }
0x1eb: {  	_ =	shalt  }

// kernel: sparse-core-data-format-call.cloned.1.call-start
scs
called_computation_lowered:
.L_overlay_start_0:
0x0: {  	s2 =	sld [smem:$0x3FD9]  }
0x1: {  	s3 =	sld [smem:$0x3FFE];
	_ =	sdelay $0x1  }
0x2: {  	s1 =	srdreg.scid  }
0x3: {  	s0 =	sand.u32 $0x1, s1  }
0x4: {  	s15 =	sshll.u32 s0, $0xA;
	s2 =	sadd.s32 s3, s2  }
0x5: {  	s2 =	sadd.s32 s2, s15  }
0x6: {  	[smem:$0x3FC5] =	sst s2  }
0x7: {  	_ = 	snop  }
0x8: {  	s2 =	sld [smem:$0x3FD0];
	_ =	sdelay $0x2  }
0x9: {  	s16 =	simm.s32 $0xA;
	s4 =	simm.s32 $0x10  }
0xa: {  	[smem:s4], [sflag:s16] =	dma.local [hbm:s2], $0x1  }
0xb: {  	_ =	swait.eq [sflag:s16], $0x1  }
0xc: {  	[sflag:s16] =	ssyncset.done $0x0  }
0xd: {  	[sflag:s16] =	ssyncadd.s32 $0xFFFFFFFF  }
0xe: {  	s17 =	sld [smem:$0x11];
	(tm) =	ssettm $0x1  }
0xf: {  	s18 =	sld [smem:$0x3FFB];
	_ =	sdelay $0x3  }
0x10: {  	_ =	strace s18  }
0x11: {  	s3 =	sld [smem:$0x3FFC];
	_ =	sdelay $0x3  }
0x12: {  	_ =	strace s3  }
0x13: {  	s3 =	sld [smem:$0x3FFD];
	_ =	sdelay $0x3  }
0x14: {  	_ =	strace s3  }
0x15: {  	_ =	strace $0x8FFFFFFF  }
0x16: {  	s19 =	sld [smem:$0x3FDB];
	_ =	sdelay $0x1  }
0x17: {  	s20 =	simm.s32 $_scs_section_size  }
0x18: {  	s5 =	simm.s32 $_size__tile_overlayer_lowered;
	s6 =	simm.s32 $_tile_overlayer_lowered  }
0x19: {  	s23 =	simm.s32 $0x1BFF;
	s22 =	sshll.u32 s6, $0x1;
	s3 =	sadd.s32 s20, s19  }
0x1a: {  	s7 =	simm.s32 $0x0;
	s21 =	sshll.u32 s5, $0x1;
	s5 =	sadd.s32 s22, s3  }
0x1b: {  	[timem:s7], [sflag:s23] =	dma.local [hbm:s5], s21  }
0x1c: {  	_ =	swait.ge [sflag:s23], s21  }
0x1d: {  	s4 =	ssub.s32 $0x0, s21;
	[sflag:s23] =	ssyncset.done $0x0  }
0x1e: {  	[sflag:s23] =	ssyncadd.s32 s4;
	_ =	sdelay $0x1  }
0x1f: {  	s24 =	simm.s32 $0x1B8B  }
0x20: {  	_ =	swait.ge [sflag:s24], $0x1  }
0x21: {  	[sflag:s24] =	ssyncset.done $0x0  }
0x22: {  	s26 =	simm.s32 $0x1B8E;
	s25 =	sld [smem:$0x3FFE];
	[sflag:s24] =	ssyncadd.s32 $0xFFFFFFFF  }
0x23: {  	s27 =	simm.s32 $execute0_lowered;
	[smem:$0x3FD2] =	sst s26  }
0x24: {  	s5 =	sshll.u32 s27, $0x1;
	_ =	strace $0x80000049;
	[dreg:$0x1] =	wrdreg $0xFFFFFFFF  }
0x25: {  	s28 =	simm.s32 $_size_execute0_lowered;
	s3 =	sadd.s32 s3, s5;
	[dreg:$0x0] =	wrdreg $0x0  }
0x26: {  	s5 =	sshll.u32 s28, $0x1;
	[dreg:$0x2] =	wrdreg s3  }
0x27: {  	[dreg:$0x3] =	wrdreg s5  }
0x28: {  	[dreg:$0x4] =	wrdreg $0xC0  }
0x29: {  	_ =	task [dreg:s7], $0x5FFFF  }
0x2a: {  	[dreg:$0x1] =	wrdreg $0xFFFFFFFF  }
0x2b: {  	[dreg:$0x0] =	wrdreg $0x60  }
0x2c: {  	[dreg:$0x2] =	wrdreg s25  }
0x2d: {  	[dreg:$0x3] =	wrdreg s17  }
0x2e: {  	[dreg:$0x4] =	wrdreg $0x9  }
0x2f: {  	_ =	task.clear_ibuf [dreg:s7], $0x5FFFF;
	_ =	strace $0x90000049  }
0x30: {  	s29 =	simm.s32 $0x9;
	_ =	strace $0x8000004B  }
0x31: {  	_ =	swait.ge [sflag:s29], $0x1  }
0x32: {  	[sflag:s29] =	ssyncadd.s32 $0xFFFFFFFF  }
0x33: {  	_ =	strace $0x9000004B  }
0x34: {  	_ =	sfence  }
0x35: {  	s30 =	sld [smem:$0x0];
	_ =	sdelay $0x2  }
0x36: {  	s31 =	sshll.u32 s1, $0xD;
	s1 =	sshrl.u32 s1, $0x2  }
0x37: {  	s3 =	sand.u32 $0x4000, s31;
	s1 =	sadd.s32 s1, s30  }
0x38: {  	s0 =	sor.u32 s3, s0;
	s1 =	sshll.u32 s1, $0x11  }
0x39: {  	s0 =	sor.u32 s1, s0  }
0x3a: {  	s0 =	sadd.s32 $0x8F2B, s0  }
0x3b: {  	[sflag:s0] =	ssyncadd.remote.s32 $0x1  }
0x3c: {  	_ =	sfence.sel $0xFFFF  }
0x3d: {  	[dreg:$0x0] =	wrdreg $0xFFFFFFFF;
	(pc) =	sbr.abs _section_cstart, $3  }
0x3e: {  	[dreg:$0x1] =	wrdreg $0xFFFFFFFF  }
0x3f: {  	_ =	task.clear_ibuf [dreg:s7], $0x2FFFF;
	_ =	strace $0x9FFFFFFF  }
0x40: {  	(tm) =	ssettm $0x7FFFFFFF  }
0x41: {  	_ =	shalt  }
tec
execute0_lowered:
.L_overlay_start_1:
0x0: {  	(tag) =	ssettag $0x1  }
0x1: {  	s0 =	srdreg.scid;
	s5 =	rddreg [dreg:$0x0]  }
0x2: {  	s2 =	rddreg [dreg:$0x1];
	s1 =	sshll.u32 s0, $0x4  }
0x3: {  	s9 =	simm.s32 $0x2;
	s0 =	stileid.u32;
	s1 =	sand.u32 $0x10, s1  }
0x4: {  	s15 =	simm.s32 $0x0;
	s11 =	simm.s32 $0x400;
	s4 =	sor.u32 s0, s1  }
0x5: {  	s12 =	simm.s32 $0x8000;
	s16 =	simm.s32 $0x0;
	s3 =	sshll.u32 s4, $0x7  }
0x6: {  	s13 =	simm.s32 $0x0;
	s1 =	rddreg [dreg:$0x2];
	s6 =	ssub.s32 $0x1000, s3  }
0x7: {  	_ =	strace $0x8000004A;
	s8 =	sshll.u32 s4, $0xB;
	s7 =	sand.u32 $0xF80, s6  }
0x8: {  	s4 =	simm.s32 $0x1;
	p0 =	sne.s32 s7, $0x0;
	s7 =	simm.s32 $0x1  }
.Ltmp0:
0x9: {  	s6 =	sshrl.u32 s6, $0xC;
	s7 =	simm.s32 @!p0 $0x0;
	(pc) =	sbr.rel .LBB1_1-.Ltmp0, $4  }
0xa: {  	s14 =	simm.s32 $0x0;
	[sflag:s4] =	ssyncpa.u1 $0x0;
	s6 =	sadd.s32 s7, s6  }
0xb: {  	s10 =	sadd.s32 s8, s5;
	[sflag:s9] =	ssyncpa.u1 $0x0;
	s5 =	smul.u32 $0x32, s6  }
0xc: {  	s8 =	sadd.s32 $0x31000, s10;
	s9 =	sadd.s32 $0x41000, s10;
	p0 =	por $0x0, $0x0  }
0xd: {  	s7 =	sadd.s32 $0x21000, s10;
	s6 =	sadd.s32 $0x11000, s10;
	s10 =	sor.u32 $0x1, s5  }
.LBB1_7:
0xe: {  	s17 =	sadd.s32 $0x4, s13  }
0xf: {  	p2 =	sgt.s32 s17, $0xC7  }
0x10: {  	s17 =	simm.s32 @p2 $0x0;
	p2 =	sne.s32 s14, s10  }
.Ltmp1:
0x11: {  	p1 =	slt.u32 s14, $0x2;
	(pc) =	sbr.rel @!p2 .LBB1_8-.Ltmp1, $4  }
0x12: {  	s15 =	simm.s32 @!p1 $0x2  }
0x13: {  	s18 =	sadd.s32 $0x1, s14;
	s16 =	smov.u32 s13;
	_ =	swait.ge @!p1 [sflag:s15], $0x4000  }
0x14: {  	p0 =	por !p0, !p0;
	s14 =	smov.u32 s18;
	[sflag:s15] =	ssyncset.done @!p1 $0x0  }
0x15: {  	s13 =	smov.u32 s17;
	[sflag:s15] =	ssyncadd.s32 @!p1 $0xFFFFC000;
	s15 =	smov.u32 s3  }
.LBB1_1:
0x16: {  	p1 =	sge.u32 s14, s5  }
0x17: {  	s17 =	sxor.u32 @!p1 $0xFFFFFFFF, s14  }
0x18: {  	s18 =	sshll.u32 @!p1 s13, $0x10;
	s20 =	simm.s32 @!p1 $0x20;
	s17 =	sshll.u32 @!p1 s17, $0xE  }
0x19: {  	s21 =	simm.s32 @!p1 $0x80;
	s19 =	sadd.s32 @!p1 s18, s6;
	s17 =	sand.u32 @!p1 $0x4000, s17  }
0x1a: {  	[tilespmem:s17], [sflag:$0x1] =	stream.strided.gather @!p1 [hbm4b:s19+s20], $0x1000, s21, s20, $0x38;
	[tilespmem:$0x10100] =	vst v63  }
0x1b: {  	s19 =	sadd.s32 @!p1 s18, s7;
	s22 =	sor.u32 @!p1 $0x1000, s17  }
0x1c: {  	[tilespmem:s22], [sflag:$0x1] =	stream.strided.gather @!p1 [hbm4b:s19+s20], $0x1000, s21, s20, $0x38;
	[tilespmem:$0x10100] =	vst v63  }
0x1d: {  	s19 =	sadd.s32 @!p1 s18, s8;
	s22 =	sor.u32 @!p1 $0x2000, s17  }
0x1e: {  	[tilespmem:s22], [sflag:$0x1] =	stream.strided.gather @!p1 [hbm4b:s19+s20], $0x1000, s21, s20, $0x38;
	[tilespmem:$0x10100] =	vst v63  }
0x1f: {  	s31 =	sadd.s32 $0xFFFFFFFF, s14;
	s18 =	sadd.s32 @!p1 s18, s9;
	s17 =	sor.u32 @!p1 $0x3000, s17  }
0x20: {  	[tilespmem:s17], [sflag:$0x1] =	stream.strided.gather @!p1 [hbm4b:s18+s20], $0x1000, s21, s20, $0x38;
	[tilespmem:$0x10100] =	vst v63  }
0x21: {  	p1 =	sge.u32 s31, s5  }
.Ltmp2:
0x22: {  	_ = 	snop;
	(pc) =	sbr.rel @p1 .LBB1_7-.Ltmp2, $1  }
0x23: {  	_ =	sdelay $0x3  }
0x24: {  	s18 =	simm.s32 $0x1;
	s19 =	sand.u32 $0x1, s14  }
0x25: {  	_ =	swait.ge [sflag:s4], $0x4000;
	s18 =	simm.s32 @!p0 $0x0;
	s20 =	smul.u32 $0x10200, s19  }
0x26: {  	[sflag:s4] =	ssyncset.done $0x0;
	s17 =	smul.u32 $0x10200, s18  }
0x27: {  	s18 =	sshll.u32 s18, $0xE;
	[sflag:s4] =	ssyncadd.s32 $0xFFFFC000  }
0x28: {  	s19 =	sor.u32 $0x10, s18;
	s31 =	sshrl.u32 s20, $0x2;
	s17 =	sshrl.u32 s17, $0x2  }
0x29: {  	s20 =	simm.s32 $0x0;
	s18 =	sor.u32 $0x8000, s31;
	s17 =	sor.u32 $0x8000, s17  }
.LBB1_3:
0x2a: {  	v1 =	vld [tilespmem:s19+$0x0]  }
0x2b: {  	v0 =	vld [tilespmem:s19+$0xFFFFFFF0];
	_ =	sdelay $0x2  }
0x2c: {  	s23 =	sadd.s32 $0x0, s17  }
0x2d: {  	s21 =	simm.s32 $0x4;
	s22 =	sadd.s32 $0x20, s19;
	[tilespmem:s23+$0x810 ss:$0x81] =	vst.msk $0xffff, v1  }
.LBB1_4:
0x2e: {  	v1 =	vld [tilespmem:s22+$0x0];
	p1 =	sne.s32 s21, $0x1FC;
	[tilespmem:s23+$0x0 ss:$0x81] =	vst.msk $0xffff, v0;
	s23 =	smov.u32 s21;
	s21 =	sadd.s32 $0x4, s21  }
.Ltmp3:
0x2f: {  	v0 =	vld [tilespmem:s22+$0xFFFFFFF0];
	(pc) =	sbr.rel @p1 .LBB1_4-.Ltmp3, $4  }
0x30: {  	_ = 	snop  }
0x31: {  	s23 =	sshra.s32 s23, $0x2  }
0x32: {  	s23 =	sadd.s32 s23, s17  }
0x33: {  	s22 =	sadd.s32 $0x20, s22;
	[tilespmem:s23+$0x810 ss:$0x81] =	vst.msk $0xffff, v1  }
0x34: {  	s20 =	sadd.s32 $0x1, s20  }
0x35: {  	p1 =	sne.s32 s20, $0x4  }
.Ltmp4:
0x36: {  	_ = 	snop;
	(pc) =	sbr.rel @p1 .LBB1_3-.Ltmp4, $2  }
0x37: {  	_ =	sdelay $0x2  }
0x38: {  	[tilespmem:s23+$0x0 ss:$0x81] =	vst.msk $0xffff, v0;
	s17 =	sadd.s32 $0x1020, s17;
	s19 =	sadd.s32 $0x1000, s19  }
.Ltmp5:
0x39: {  	(pc) =	sbr.rel .LBB1_7-.Ltmp5, $4  }
0x3a: {  	s16 =	sshll.u32 s16, $0xE  }
0x3b: {  	s16 =	sadd.s32 s2, s16  }
0x3c: {  	s15 =	sadd.s32 s15, s16  }
0x3d: {  	[hbm4b:s15+s11] =	stream.strided.scatter [tilespmem:s18], [sflag:$0x2], $0x4000, s12, s11, $0x20;
	[tilespmem:$0x10100] =	vst v63  }
.LBB1_8:
0x3e: {  	_ =	sfence.sel $0x180000  }
0x3f: {  	s2 =	simm.s32 $0x1;
	[bflag:$0x0] =	sbarrier.arrive $0xFFFF  }
0x40: {  	s31 =	simm.s32 $0x2;
	[sflag:s2] =	ssyncpa.u1 $0x1  }
0x41: {  	[sflag:s31] =	ssyncpa.u1 $0x1  }
0x42: {  	p0 =	sne.s32 s0, $0x0;
	_ =	strace $0x9000004A  }
0x43: {  	s0 =	sadd.s32 @!p0 $0x100000, s1;
	[bflag:$0x2] =	sbarrier.arrive $0xFFFF  }
0x44: {  	[sflag:s0] =	ssyncadd.tile.s32 @!p0 $0x1;
	_ =	shalt  }
.Lfunc_end1:
_tile_overlayer_lowered:
.L_overlay_start_2:
0x45: {  	(tag) =	ssettag $0x2  }
0x46: {  	s0 =	rddreg [dreg:$0x0];
	s2 =	stileid.u32  }
0x47: {  	s1 =	rddreg [dreg:$0x1];
	p0 =	sne.s32 s2, $0x0  }
0x48: {  	s3 =	rddreg [dreg:$0x2];
	[bflag:$0x3] =	sbarrier.arrive $0xFFFF;
	s2 =	simm.s32 @!p0 $0x1C01  }
0x49: {  	[timem:s3], [sflag:s2] =	dma.local @!p0 [hbm:s0], s1  }
0x4a: {  	s0 =	simm.s32 @!p0 $0x1  }
0x4b: {  	_ =	swait.ge @!p0 [sflag:s0], s1  }
0x4c: {  	s1 =	ssub.s32 @!p0 $0x0, s1;
	[sflag:s0] =	ssyncset.done @!p0 $0x0  }
0x4d: {  	[sflag:s0] =	ssyncadd.s32 @!p0 s1  }
0x4e: {  	[bflag:$0x3] =	sbarrier.arrive $0xFFFF  }
0x4f: {  	_ =	shalt  }

</sc_bundles>
